<compile_context>
chip_gen: v7x
topology: tpu7x:2x2x1
jax: 0.10.2.dev20260603
libtpu: 0.0.44.dev20260713+nightly
codegen_flags: <defaults>
</compile_context>

<pallas_src>
import functools

import numpy as np
import jax
import jax.numpy as jnp
from jax import lax
from jax.experimental import pallas as pl
from jax.experimental.pallas import tpu as pltpu
from jax.experimental.pallas import tpu_sc as plsc

_OFFSET = 1
_ALPHA = 0.05
_EPS = 1e-30
_N, _L, _S = 64, 4096, 128
_LANES = 128
_CHUNKS = _L // _LANES
_CIN = 4
_C = 3
_RIN = _CIN * _CHUNKS
_ROWS = _C * _CHUNKS
_NW = 32
_DPW = _N // _NW
_DPB = 32

_U = np.triu(np.ones((_LANES, _LANES), np.float32))
_i = np.arange(_RIN)
_BD = (((_i[:, None] // _CHUNKS) == (_i[None, :] // _CHUNKS))
       & ((_i[None, :] % _CHUNKS) < (_i[:, None] % _CHUNKS))).astype(np.float32)
_G = ((np.arange(128)[:, None] // 16) == np.arange(8)[None, :]).astype(np.float32)


def _prefix_body(attn_ref, lbl_ref, u_ref, bd_ref, out_ref):
    u = u_ref[...]
    bd = bd_ref[...]
    attn_b = attn_ref[...].reshape(_DPB, _CHUNKS, _LANES)
    lbl_b = lbl_ref[...].reshape(_DPB, _CHUNKS, _LANES)
    xs = []
    for d in range(_DPB):
        attn = attn_b[d]
        tl = lbl_b[d].astype(jnp.float32)
        scores = jnp.maximum(attn, _EPS)
        ls = jnp.log(scores)
        xs += [scores, tl, ls, tl * ls]
    x = jnp.concatenate(xs, axis=0)
    a = jnp.dot(x, u, preferred_element_type=jnp.float32)
    t = a[:, _LANES - 1:_LANES]
    td = jnp.concatenate(
        [t[d * _RIN:(d + 1) * _RIN] for d in range(_DPB)], axis=1)
    offs = jnp.dot(bd, td, preferred_element_type=jnp.float32)
    cb = _CHUNKS
    for d in range(_DPB):
        e4 = a[d * _RIN:(d + 1) * _RIN] + offs[:, d:d + 1]
        e_sc = e4[0:cb]
        e_tl = e4[cb:2 * cb]
        e_ls = e4[2 * cb:3 * cb]
        e_tls = e4[3 * cb:4 * cb]
        tl_i = e_tl.astype(jnp.int32)
        ls_b = jax.lax.bitcast_convert_type(
            e_ls.astype(jnp.bfloat16).astype(jnp.float32), jnp.int32)
        packed = jnp.bitwise_or(
            jax.lax.shift_left(tl_i, 16),
            jax.lax.shift_right_logical(ls_b, 16))
        packed_f = jax.lax.bitcast_convert_type(packed, jnp.float32)
        out_ref[d] = jnp.concatenate([e_sc, e_tls, packed_f], axis=0)


_prefix_call = pl.pallas_call(
    _prefix_body,
    grid=(_N // _DPB,),
    in_specs=[
        pl.BlockSpec((_DPB, _L), lambda i: (i, 0)),
        pl.BlockSpec((_DPB, _L), lambda i: (i, 0)),
        pl.BlockSpec((_LANES, _LANES), lambda i: (0, 0)),
        pl.BlockSpec((_RIN, _RIN), lambda i: (0, 0)),
    ],
    out_specs=pl.BlockSpec((_DPB, _ROWS, _LANES), lambda i: (i, 0, 0)),
    out_shape=jax.ShapeDtypeStruct((_N, _ROWS, _LANES), jnp.float32),
)


def _sc_doc(e_v, sl_v, sp_v, o_v):
    lane = lax.iota(jnp.int32, 16)

    def body(g, carry):
        accs = list(carry)
        sl = sl_v[pl.ds(g * 16, 16)]
        sg = g * 32 + 2 * lane
        st = plsc.load_gather(sp_v, [sg])
        en = plsc.load_gather(sp_v, [sg + 1])
        ev = sl > 0
        accs[6] = accs[6] + jnp.where(ev, (en - st).astype(jnp.float32), 0.0)
        accs[7] = jnp.maximum(accs[7], jnp.where(ev, 1.0, 0.0))
        st_row = lax.shift_right_logical(st, 7)
        st_col = jnp.bitwise_and(st, 127)
        en_row = lax.shift_right_logical(en, 7)
        en_col = jnp.bitwise_and(en, 127)
        for c in range(2):
            ge = plsc.load_gather(e_v, [en_row + c * _CHUNKS, en_col])
            gs = plsc.load_gather(e_v, [st_row + c * _CHUNKS, st_col])
            accs[c] = accs[c] + jnp.where(ev, ge - gs, 0.0)
        pe = plsc.bitcast(
            plsc.load_gather(e_v, [en_row + 2 * _CHUNKS, en_col]), jnp.int32)
        ps = plsc.bitcast(
            plsc.load_gather(e_v, [st_row + 2 * _CHUNKS, st_col]), jnp.int32)
        tl_d = (lax.shift_right_logical(pe, 16)
                - lax.shift_right_logical(ps, 16)).astype(jnp.float32)
        ls_e = plsc.bitcast(lax.shift_left(pe, 16), jnp.float32)
        ls_s = plsc.bitcast(lax.shift_left(ps, 16), jnp.float32)
        accs[2] = accs[2] + jnp.where(ev, tl_d, 0.0)
        accs[3] = accs[3] + jnp.where(ev, ls_e - ls_s, 0.0)
        return tuple(accs)

    zero = jnp.zeros((16,), jnp.float32)
    accs = lax.fori_loop(0, _S // 16, body, (zero,) * 8)
    o_v[pl.ds(0, 16)] = accs[0]
    o_v[pl.ds(16, 16)] = accs[2]
    o_v[pl.ds(2 * 16, 16)] = accs[3]
    o_v[pl.ds(3 * 16, 16)] = accs[1]
    o_v[pl.ds(4 * 16, 16)] = zero
    o_v[pl.ds(5 * 16, 16)] = zero
    o_v[pl.ds(6 * 16, 16)] = accs[6]
    o_v[pl.ds(7 * 16, 16)] = accs[7]


def _sc_body(e_hbm, sl_hbm, sp_hbm, out_hbm,
             e_v0, e_v1, sl_v, sp_v, o_v, sem0, sem1):
    wid = lax.axis_index("s") * 2 + lax.axis_index("c")
    n0 = wid * _DPW
    cp0 = pltpu.async_copy(e_hbm.at[n0], e_v0, sem0)
    cp1 = pltpu.async_copy(e_hbm.at[n0 + 1], e_v1, sem1)
    for d, (e_v, cp) in enumerate(((e_v0, cp0), (e_v1, cp1))):
        n = n0 + d
        pltpu.sync_copy(sl_hbm.at[n], sl_v)
        pltpu.sync_copy(sp_hbm.at[n], sp_v)
        cp.wait()
        _sc_doc(e_v, sl_v, sp_v, o_v)
        pltpu.sync_copy(o_v, out_hbm.at[n])


_sc_call = functools.partial(
    pl.kernel,
    mesh=plsc.VectorSubcoreMesh(core_axis_name="c", subcore_axis_name="s"),
    compiler_params=pltpu.CompilerParams(needs_layout_passes=False),
    out_type=jax.ShapeDtypeStruct((_N, 8 * 16), jnp.float32),
    scratch_types=[
        pltpu.VMEM((_ROWS, _LANES), jnp.float32),
        pltpu.VMEM((_ROWS, _LANES), jnp.float32),
        pltpu.VMEM((_S,), jnp.int32),
        pltpu.VMEM((2 * _S,), jnp.int32),
        pltpu.VMEM((8 * 16,), jnp.float32),
        pltpu.SemaphoreType.DMA,
        pltpu.SemaphoreType.DMA,
    ],
)(_sc_body)


def _final_body(p_ref, g_ref, out_ref):
    p8 = jnp.dot(p_ref[...], g_ref[...], preferred_element_type=jnp.float32)
    dn, tls, a, b = p8[:, 0:1], p8[:, 1:2], p8[:, 2:3], p8[:, 3:4]
    zz, zt, k, he = p8[:, 4:5], p8[:, 5:6], p8[:, 6:7], p8[:, 7:8]
    denom = dn + _EPS
    logd = jnp.log(denom)
    l1pd = jnp.log(1.0 + denom)
    u = 1.0 / jnp.maximum(k, 1.0)
    q1 = (1.0 - _ALPHA) / (tls + _EPS) + _ALPHA * u
    q0 = _ALPHA * u
    part1 = q1 * jnp.log(q1) * tls + q0 * jnp.log(q0) * (k - tls)
    s1 = a + zz * l1pd - k * logd
    s2 = b + zt * l1pd - tls * logd
    kl = part1 - (q0 * s1 + (q1 - q0) * s2)
    hev = he > 0.0
    total = jnp.sum(jnp.where(hev, kl, 0.0), keepdims=True)
    count = jnp.sum(jnp.where(hev, 1.0, 0.0), keepdims=True)
    out_ref[...] = (total / jnp.maximum(1.0, count)).reshape(1, 1)


_final_call = pl.pallas_call(
    _final_body,
    in_specs=[
        pl.BlockSpec((_N, 128), lambda: (0, 0)),
        pl.BlockSpec((128, 8), lambda: (0, 0)),
    ],
    out_specs=pl.BlockSpec((1, 1), lambda: (0, 0)),
    out_shape=jax.ShapeDtypeStruct((1, 1), jnp.float32),
)


def kernel(doc_attn, sent_labels, token_labels, sent_pos):
    e = _prefix_call(doc_attn, token_labels,
                     jnp.asarray(_U), jnp.asarray(_BD))
    pacc = _sc_call(e, sent_labels, sent_pos.reshape(_N, 2 * _S))
    out = _final_call(pacc, jnp.asarray(_G))
    return out.reshape(())

# --- scband reference (transcript-rebuilt; emitter-appended) ---
"""Pipeline reference for scband-local-hierarchical-klloss-28011776704809 (READ-ONLY COPY).

The authoritative reference and input builder live on the scoring server;
editing this copy changes nothing except your own understanding.
"""

import jax, jax.numpy as jnp
import numpy as np

OFFSET = 1
ALPHA = 0.05
EPS = 1e-30
N, L, S = 64, 4096, 128


def setup_inputs(seed: int = 0) -> dict:
    key = jax.random.key(seed)
    k1, k2, k3, k4 = jax.random.split(key, 4)
    doc_attn = jax.random.uniform(k1, (N, L), dtype=jnp.float32)
    sent_labels = jax.random.randint(k2, (N, S), 0, 2)
    token_labels = jax.random.randint(k3, (N, L), 0, 2)
    sent_pos = jnp.sort(jax.random.randint(k4, (N, S, 2), 0, L - OFFSET), axis=-1)
    return {"doc_attn": doc_attn, "sent_labels": sent_labels, "token_labels": token_labels, "sent_pos": sent_pos}


def _gather_toks(sl_row, sp_row):
    ev = np.nonzero(sl_row > 0)[0]
    toks = []
    for s in ev:
        start = int(sp_row[s, 0])
        end = int(sp_row[s, 1])
        toks.extend(range(start + OFFSET, end + OFFSET))
    return np.asarray(toks, dtype=np.int64)


def reference(doc_attn, sent_labels, token_labels, sent_pos):
    Ln = doc_attn.shape[1]
    t = jnp.arange(Ln)
    ev = sent_labels > 0
    start = sent_pos[..., 0] + OFFSET
    end = sent_pos[..., 1] + OFFSET
    inside = (t[None, None, :] >= start[..., None]) & (t[None, None, :] < end[..., None])
    m = jnp.sum(inside & ev[..., None], axis=1).astype(jnp.float32)
    scores = jnp.maximum(doc_attn, EPS)
    denom = jnp.sum(m * scores, axis=1) + EPS
    p_loc = scores / denom[:, None]
    log_p = jnp.log(p_loc + EPS)
    tl = token_labels.astype(jnp.float32)
    tl_sum = jnp.sum(m * tl, axis=1)
    one_hot = tl / (tl_sum + EPS)[:, None]
    K = jnp.sum(m, axis=1)
    uniform = 1.0 / jnp.maximum(K, 1.0)
    q_loc = (1.0 - ALPHA) * one_hot + ALPHA * uniform[:, None]
    kl_terms = q_loc * (jnp.log(q_loc) - log_p)
    kl = jnp.sum(m * kl_terms, axis=1)
    has_event = jnp.any(ev, axis=1)
    total = jnp.sum(jnp.where(has_event, kl, 0.0))
    count = jnp.sum(has_event.astype(jnp.int32))
    return (total / jnp.maximum(1, count)).astype(jnp.float32)

if __name__ == "__main__":
    import jax
    _d = setup_inputs()
    print(jax.jit(kernel)(*tuple(_d.values())))

</pallas_src>

<mosaic_0001>
#map = affine_map<(d0, d1) -> (0, 0, 0)>
#map1 = affine_map<(d0, d1) -> (0, 0)>
module attributes {stable_mosaic.version = 14 : i64} {
  func.func @_sc_body(%arg0: i32, %arg1: i32, %arg2: memref<64x96x128xf32, #tpu.memory_space<hbm>>, %arg3: memref<64x128xi32, #tpu.memory_space<hbm>>, %arg4: memref<64x256xi32, #tpu.memory_space<hbm>>, %arg5: memref<64x128xf32, #tpu.memory_space<hbm>>, %arg6: memref<96x128xf32, #tpu.memory_space<vmem>>, %arg7: memref<96x128xf32, #tpu.memory_space<vmem>>, %arg8: memref<128xi32, #tpu.memory_space<vmem>>, %arg9: memref<256xi32, #tpu.memory_space<vmem>>, %arg10: memref<128xf32, #tpu.memory_space<vmem>>, %arg11: memref<!tpu.dma_semaphore, #tpu.memory_space<semaphore_mem>>, %arg12: memref<!tpu.dma_semaphore, #tpu.memory_space<semaphore_mem>>) attributes {dimension_semantics = [#tpu.dimension_semantics<core_parallel>, #tpu.dimension_semantics<subcore_parallel>], iteration_bounds = array<i64: 2, 16>, scalar_prefetch = 0 : i64, scratch_operands = 7 : i64, tpu.core_type = #tpu.core_type<sc_vector_subcore>, window_params = [{transform_indices = #map}, {transform_indices = #map1}, {transform_indices = #map1}, {transform_indices = #map1}]} {
    %mul3A = arith.constant 2 : i32
    %mul3A_0 = arith.muli %arg1, %mul3A : i32
    %add3A = arith.addi %mul3A_0, %arg0 : i32
    %mul3A_1 = arith.constant 2 : i32
    %mul3A_2 = arith.muli %add3A, %mul3A_1 : i32
    %dma_start3A = arith.constant 0 : i32
    %dma_start3A_3 = arith.constant 0 : i32
    %dma_start3A_4 = tpu.memref_slice %arg2[%mul3A_2, %dma_start3A, %dma_start3A_3] : memref<64x96x128xf32, #tpu.memory_space<hbm>> -> memref<1x96x128xf32, #tpu.memory_space<hbm>>
    %dma_start3A_5 = tpu.memref_squeeze %dma_start3A_4 : memref<1x96x128xf32, #tpu.memory_space<hbm>> -> memref<96x128xf32, #tpu.memory_space<hbm>>
    %dma_start3A_6 = arith.constant 0 : i32
    %dma_start3A_7 = arith.constant 0 : i32
    %dma_start3A_8 = tpu.memref_slice %arg2[%mul3A_2, %dma_start3A_6, %dma_start3A_7] : memref<64x96x128xf32, #tpu.memory_space<hbm>> -> memref<1x96x128xf32, #tpu.memory_space<hbm>>
    %dma_start3A_9 = tpu.memref_squeeze %dma_start3A_8 : memref<1x96x128xf32, #tpu.memory_space<hbm>> -> memref<96x128xf32, #tpu.memory_space<hbm>>
    tpu.enqueue_dma source(%dma_start3A_9 : memref<96x128xf32, #tpu.memory_space<hbm>>) target(%arg6 : memref<96x128xf32, #tpu.memory_space<vmem>>) target_semaphore(%arg11 : memref<!tpu.dma_semaphore, #tpu.memory_space<semaphore_mem>>)
    %add3A_10 = arith.constant 1 : i32
    %add3A_11 = arith.addi %mul3A_2, %add3A_10 : i32
    %dma_start3A_12 = arith.constant 0 : i32
    %dma_start3A_13 = arith.constant 0 : i32
    %dma_start3A_14 = tpu.memref_slice %arg2[%add3A_11, %dma_start3A_12, %dma_start3A_13] : memref<64x96x128xf32, #tpu.memory_space<hbm>> -> memref<1x96x128xf32, #tpu.memory_space<hbm>>
    %dma_start3A_15 = tpu.memref_squeeze %dma_start3A_14 : memref<1x96x128xf32, #tpu.memory_space<hbm>> -> memref<96x128xf32, #tpu.memory_space<hbm>>
    %dma_start3A_16 = arith.constant 0 : i32
    %dma_start3A_17 = arith.constant 0 : i32
    %dma_start3A_18 = tpu.memref_slice %arg2[%add3A_11, %dma_start3A_16, %dma_start3A_17] : memref<64x96x128xf32, #tpu.memory_space<hbm>> -> memref<1x96x128xf32, #tpu.memory_space<hbm>>
    %dma_start3A_19 = tpu.memref_squeeze %dma_start3A_18 : memref<1x96x128xf32, #tpu.memory_space<hbm>> -> memref<96x128xf32, #tpu.memory_space<hbm>>
    tpu.enqueue_dma source(%dma_start3A_19 : memref<96x128xf32, #tpu.memory_space<hbm>>) target(%arg7 : memref<96x128xf32, #tpu.memory_space<vmem>>) target_semaphore(%arg12 : memref<!tpu.dma_semaphore, #tpu.memory_space<semaphore_mem>>)
    %add3A_20 = arith.constant 0 : i32
    %add3A_21 = arith.addi %mul3A_2, %add3A_20 : i32
    "tpu.region"() ({
      %run_scoped3A = tpu.sem_alloc : memref<!tpu.dma_semaphore, #tpu.memory_space<semaphore_mem>>
      %dma_start3A_85 = arith.constant 0 : i32
      %dma_start3A_86 = tpu.memref_slice %arg3[%add3A_21, %dma_start3A_85] : memref<64x128xi32, #tpu.memory_space<hbm>> -> memref<1x128xi32, #tpu.memory_space<hbm>>
      %dma_start3A_87 = tpu.memref_squeeze %dma_start3A_86 : memref<1x128xi32, #tpu.memory_space<hbm>> -> memref<128xi32, #tpu.memory_space<hbm>>
      %dma_start3A_88 = arith.constant 0 : i32
      %dma_start3A_89 = tpu.memref_slice %arg3[%add3A_21, %dma_start3A_88] : memref<64x128xi32, #tpu.memory_space<hbm>> -> memref<1x128xi32, #tpu.memory_space<hbm>>
      %dma_start3A_90 = tpu.memref_squeeze %dma_start3A_89 : memref<1x128xi32, #tpu.memory_space<hbm>> -> memref<128xi32, #tpu.memory_space<hbm>>
      tpu.enqueue_dma source(%dma_start3A_90 : memref<128xi32, #tpu.memory_space<hbm>>) target(%arg8 : memref<128xi32, #tpu.memory_space<vmem>>) target_semaphore(%run_scoped3A : memref<!tpu.dma_semaphore, #tpu.memory_space<semaphore_mem>>)
      %dma_wait3A_91 = arith.constant 0 : i32
      %dma_wait3A_92 = tpu.memref_slice %arg3[%add3A_21, %dma_wait3A_91] : memref<64x128xi32, #tpu.memory_space<hbm>> -> memref<1x128xi32, #tpu.memory_space<hbm>>
      %dma_wait3A_93 = tpu.memref_squeeze %dma_wait3A_92 : memref<1x128xi32, #tpu.memory_space<hbm>> -> memref<128xi32, #tpu.memory_space<hbm>>
      %dma_wait3A_94 = arith.constant 0 : i32
      %dma_wait3A_95 = tpu.memref_slice %arg3[%add3A_21, %dma_wait3A_94] : memref<64x128xi32, #tpu.memory_space<hbm>> -> memref<1x128xi32, #tpu.memory_space<hbm>>
      %dma_wait3A_96 = tpu.memref_squeeze %dma_wait3A_95 : memref<1x128xi32, #tpu.memory_space<hbm>> -> memref<128xi32, #tpu.memory_space<hbm>>
      tpu.wait_dma2 semaphore(%run_scoped3A : memref<!tpu.dma_semaphore, #tpu.memory_space<semaphore_mem>>) src(%dma_wait3A_96 : memref<128xi32, #tpu.memory_space<hbm>>) dst(%arg8 : memref<128xi32, #tpu.memory_space<vmem>>)
      tpu.yield
    }) : () -> ()
    "tpu.region"() ({
      %run_scoped3A = tpu.sem_alloc : memref<!tpu.dma_semaphore, #tpu.memory_space<semaphore_mem>>
      %dma_start3A_85 = arith.constant 0 : i32
      %dma_start3A_86 = tpu.memref_slice %arg4[%add3A_21, %dma_start3A_85] : memref<64x256xi32, #tpu.memory_space<hbm>> -> memref<1x256xi32, #tpu.memory_space<hbm>>
      %dma_start3A_87 = tpu.memref_squeeze %dma_start3A_86 : memref<1x256xi32, #tpu.memory_space<hbm>> -> memref<256xi32, #tpu.memory_space<hbm>>
      %dma_start3A_88 = arith.constant 0 : i32
      %dma_start3A_89 = tpu.memref_slice %arg4[%add3A_21, %dma_start3A_88] : memref<64x256xi32, #tpu.memory_space<hbm>> -> memref<1x256xi32, #tpu.memory_space<hbm>>
      %dma_start3A_90 = tpu.memref_squeeze %dma_start3A_89 : memref<1x256xi32, #tpu.memory_space<hbm>> -> memref<256xi32, #tpu.memory_space<hbm>>
      tpu.enqueue_dma source(%dma_start3A_90 : memref<256xi32, #tpu.memory_space<hbm>>) target(%arg9 : memref<256xi32, #tpu.memory_space<vmem>>) target_semaphore(%run_scoped3A : memref<!tpu.dma_semaphore, #tpu.memory_space<semaphore_mem>>)
      %dma_wait3A_91 = arith.constant 0 : i32
      %dma_wait3A_92 = tpu.memref_slice %arg4[%add3A_21, %dma_wait3A_91] : memref<64x256xi32, #tpu.memory_space<hbm>> -> memref<1x256xi32, #tpu.memory_space<hbm>>
      %dma_wait3A_93 = tpu.memref_squeeze %dma_wait3A_92 : memref<1x256xi32, #tpu.memory_space<hbm>> -> memref<256xi32, #tpu.memory_space<hbm>>
      %dma_wait3A_94 = arith.constant 0 : i32
      %dma_wait3A_95 = tpu.memref_slice %arg4[%add3A_21, %dma_wait3A_94] : memref<64x256xi32, #tpu.memory_space<hbm>> -> memref<1x256xi32, #tpu.memory_space<hbm>>
      %dma_wait3A_96 = tpu.memref_squeeze %dma_wait3A_95 : memref<1x256xi32, #tpu.memory_space<hbm>> -> memref<256xi32, #tpu.memory_space<hbm>>
      tpu.wait_dma2 semaphore(%run_scoped3A : memref<!tpu.dma_semaphore, #tpu.memory_space<semaphore_mem>>) src(%dma_wait3A_96 : memref<256xi32, #tpu.memory_space<hbm>>) dst(%arg9 : memref<256xi32, #tpu.memory_space<vmem>>)
      tpu.yield
    }) : () -> ()
    %dma_wait3A = arith.constant 0 : i32
    %dma_wait3A_22 = arith.constant 0 : i32
    %dma_wait3A_23 = tpu.memref_slice %arg2[%mul3A_2, %dma_wait3A, %dma_wait3A_22] : memref<64x96x128xf32, #tpu.memory_space<hbm>> -> memref<1x96x128xf32, #tpu.memory_space<hbm>>
    %dma_wait3A_24 = tpu.memref_squeeze %dma_wait3A_23 : memref<1x96x128xf32, #tpu.memory_space<hbm>> -> memref<96x128xf32, #tpu.memory_space<hbm>>
    %dma_wait3A_25 = arith.constant 0 : i32
    %dma_wait3A_26 = arith.constant 0 : i32
    %dma_wait3A_27 = tpu.memref_slice %arg2[%mul3A_2, %dma_wait3A_25, %dma_wait3A_26] : memref<64x96x128xf32, #tpu.memory_space<hbm>> -> memref<1x96x128xf32, #tpu.memory_space<hbm>>
    %dma_wait3A_28 = tpu.memref_squeeze %dma_wait3A_27 : memref<1x96x128xf32, #tpu.memory_space<hbm>> -> memref<96x128xf32, #tpu.memory_space<hbm>>
    tpu.wait_dma2 semaphore(%arg11 : memref<!tpu.dma_semaphore, #tpu.memory_space<semaphore_mem>>) src(%dma_wait3A_28 : memref<96x128xf32, #tpu.memory_space<hbm>>) dst(%arg6 : memref<96x128xf32, #tpu.memory_space<vmem>>)
    %iota3A = tpu.iota {dimensions = array<i32: 0>} : vector<16xi32>
    %broadcast_in_dim3A = arith.constant 0.000000e+00 : f32
    %broadcast_in_dim3A_29 = vector.broadcast %broadcast_in_dim3A : f32 to vector<16xf32>
    %scan3A = arith.constant 0 : i32
    %scan3A_30 = arith.constant 8 : i32
    %scan3A_31 = arith.addi %scan3A, %scan3A_30 : i32
    %scan3A_32 = arith.constant 1 : i32
    %scan3A_33:6 = scf.for %scan3A_85 = %scan3A to %scan3A_31 step %scan3A_32 iter_args(%scan3A_86 = %broadcast_in_dim3A_29, %scan3A_87 = %broadcast_in_dim3A_29, %scan3A_88 = %broadcast_in_dim3A_29, %scan3A_89 = %broadcast_in_dim3A_29, %scan3A_90 = %broadcast_in_dim3A_29, %scan3A_91 = %broadcast_in_dim3A_29) -> (vector<16xf32>, vector<16xf32>, vector<16xf32>, vector<16xf32>, vector<16xf32>, vector<16xf32>)  : i32 {
      %mul3A_92 = arith.constant 16 : i32
      %mul3A_93 = arith.muli %scan3A_85, %mul3A_92 : i32
      %get3A = arith.index_cast %mul3A_93 : i32 to index
      %get3A_94 = tpu.vector_load %arg8[%get3A] {strides = array<i32>} : memref<128xi32, #tpu.memory_space<vmem>>, vector<16xi32>,
      %mul3A_95 = arith.constant 32 : i32
      %mul3A_96 = arith.muli %scan3A_85, %mul3A_95 : i32
      %mul3A_97 = arith.constant 2 : i32
      %mul3A_98 = vector.broadcast %mul3A_97 : i32 to vector<16xi32>
      %mul3A_99 = arith.muli %mul3A_98, %iota3A : vector<16xi32>
      %add3A_100 = vector.broadcast %mul3A_96 : i32 to vector<16xi32>
      %add3A_101 = arith.addi %add3A_100, %mul3A_99 : vector<16xi32>
      %gather3A = tpu.vector_load_idx %arg9[%add3A_101] : memref<256xi32, #tpu.memory_space<vmem>>[vector<16xi32>], vector<16xi32>,
      %add3A_102 = arith.constant 1 : i32
      %add3A_103 = vector.broadcast %add3A_102 : i32 to vector<16xi32>
      %add3A_104 = arith.addi %add3A_101, %add3A_103 : vector<16xi32>
      %gather3A_105 = tpu.vector_load_idx %arg9[%add3A_104] : memref<256xi32, #tpu.memory_space<vmem>>[vector<16xi32>], vector<16xi32>,
      %gt3A = arith.constant 0 : i32
      %gt3A_106 = vector.broadcast %gt3A : i32 to vector<16xi32>
      %gt3A_107 = arith.cmpi sgt, %get3A_94, %gt3A_106 : vector<16xi32>
      %sub3A = arith.subi %gather3A_105, %gather3A : vector<16xi32>
      %convert_element_type3A = arith.sitofp %sub3A : vector<16xi32> to vector<16xf32>
      %jit3A = arith.constant 0.000000e+00 : f32
      %broadcast_in_dim3A_108 = vector.broadcast %jit3A : f32 to vector<16xf32>
      %select_n3A = arith.select %gt3A_107, %convert_element_type3A, %broadcast_in_dim3A_108 : vector<16xi1>, vector<16xf32>
      %add3A_109 = arith.addf %scan3A_90, %select_n3A : vector<16xf32>
      %jit3A_110 = arith.constant 1.000000e+00 : f32
      %jit3A_111 = arith.constant 0.000000e+00 : f32
      %broadcast_in_dim3A_112 = vector.broadcast %jit3A_110 : f32 to vector<16xf32>
      %broadcast_in_dim3A_113 = vector.broadcast %jit3A_111 : f32 to vector<16xf32>
      %select_n3A_114 = arith.select %gt3A_107, %broadcast_in_dim3A_112, %broadcast_in_dim3A_113 : vector<16xi1>, vector<16xf32>
      %max3A = arith.maximumf %scan3A_91, %select_n3A_114 : vector<16xf32>
      %shift_right_logical3A = arith.constant 7 : i32
      %shift_right_logical3A_115 = vector.broadcast %shift_right_logical3A : i32 to vector<16xi32>
      %shift_right_logical3A_116 = arith.shrui %gather3A, %shift_right_logical3A_115 : vector<16xi32>
      %and3A = arith.constant 127 : i32
      %and3A_117 = vector.broadcast %and3A : i32 to vector<16xi32>
      %and3A_118 = arith.andi %gather3A, %and3A_117 : vector<16xi32>
      %shift_right_logical3A_119 = arith.constant 7 : i32
      %shift_right_logical3A_120 = vector.broadcast %shift_right_logical3A_119 : i32 to vector<16xi32>
      %shift_right_logical3A_121 = arith.shrui %gather3A_105, %shift_right_logical3A_120 : vector<16xi32>
      %and3A_122 = arith.constant 127 : i32
      %and3A_123 = vector.broadcast %and3A_122 : i32 to vector<16xi32>
      %and3A_124 = arith.andi %gather3A_105, %and3A_123 : vector<16xi32>
      %add3A_125 = arith.constant 0 : i32
      %add3A_126 = vector.broadcast %add3A_125 : i32 to vector<16xi32>
      %add3A_127 = arith.addi %shift_right_logical3A_121, %add3A_126 : vector<16xi32>
      %gather3A_128 = tpu.vector_load_idx %arg6[%add3A_127, %and3A_124] : memref<96x128xf32, #tpu.memory_space<vmem>>[vector<16xi32>, vector<16xi32>], vector<16xf32>,
      %add3A_129 = arith.constant 0 : i32
      %add3A_130 = vector.broadcast %add3A_129 : i32 to vector<16xi32>
      %add3A_131 = arith.addi %shift_right_logical3A_116, %add3A_130 : vector<16xi32>
      %gather3A_132 = tpu.vector_load_idx %arg6[%add3A_131, %and3A_118] : memref<96x128xf32, #tpu.memory_space<vmem>>[vector<16xi32>, vector<16xi32>], vector<16xf32>,
      %sub3A_133 = arith.subf %gather3A_128, %gather3A_132 : vector<16xf32>
      %jit3A_134 = arith.constant 0.000000e+00 : f32
      %broadcast_in_dim3A_135 = vector.broadcast %jit3A_134 : f32 to vector<16xf32>
      %select_n3A_136 = arith.select %gt3A_107, %sub3A_133, %broadcast_in_dim3A_135 : vector<16xi1>, vector<16xf32>
      %add3A_137 = arith.addf %scan3A_86, %select_n3A_136 : vector<16xf32>
      %add3A_138 = arith.constant 32 : i32
      %add3A_139 = vector.broadcast %add3A_138 : i32 to vector<16xi32>
      %add3A_140 = arith.addi %shift_right_logical3A_121, %add3A_139 : vector<16xi32>
      %gather3A_141 = tpu.vector_load_idx %arg6[%add3A_140, %and3A_124] : memref<96x128xf32, #tpu.memory_space<vmem>>[vector<16xi32>, vector<16xi32>], vector<16xf32>,
      %add3A_142 = arith.constant 32 : i32
      %add3A_143 = vector.broadcast %add3A_142 : i32 to vector<16xi32>
      %add3A_144 = arith.addi %shift_right_logical3A_116, %add3A_143 : vector<16xi32>
      %gather3A_145 = tpu.vector_load_idx %arg6[%add3A_144, %and3A_118] : memref<96x128xf32, #tpu.memory_space<vmem>>[vector<16xi32>, vector<16xi32>], vector<16xf32>,
      %sub3A_146 = arith.subf %gather3A_141, %gather3A_145 : vector<16xf32>
      %jit3A_147 = arith.constant 0.000000e+00 : f32
      %broadcast_in_dim3A_148 = vector.broadcast %jit3A_147 : f32 to vector<16xf32>
      %select_n3A_149 = arith.select %gt3A_107, %sub3A_146, %broadcast_in_dim3A_148 : vector<16xi1>, vector<16xf32>
      %add3A_150 = arith.addf %scan3A_87, %select_n3A_149 : vector<16xf32>
      %add3A_151 = arith.constant 64 : i32
      %add3A_152 = vector.broadcast %add3A_151 : i32 to vector<16xi32>
      %add3A_153 = arith.addi %shift_right_logical3A_121, %add3A_152 : vector<16xi32>
      %gather3A_154 = tpu.vector_load_idx %arg6[%add3A_153, %and3A_124] : memref<96x128xf32, #tpu.memory_space<vmem>>[vector<16xi32>, vector<16xi32>], vector<16xf32>,
      %bitcast3A = vector.bitcast %gather3A_154 : vector<16xf32> to vector<16xi32>
      %add3A_155 = arith.constant 64 : i32
      %add3A_156 = vector.broadcast %add3A_155 : i32 to vector<16xi32>
      %add3A_157 = arith.addi %shift_right_logical3A_116, %add3A_156 : vector<16xi32>
      %gather3A_158 = tpu.vector_load_idx %arg6[%add3A_157, %and3A_118] : memref<96x128xf32, #tpu.memory_space<vmem>>[vector<16xi32>, vector<16xi32>], vector<16xf32>,
      %bitcast3A_159 = vector.bitcast %gather3A_158 : vector<16xf32> to vector<16xi32>
      %shift_right_logical3A_160 = arith.constant 16 : i32
      %shift_right_logical3A_161 = vector.broadcast %shift_right_logical3A_160 : i32 to vector<16xi32>
      %shift_right_logical3A_162 = arith.shrui %bitcast3A, %shift_right_logical3A_161 : vector<16xi32>
      %shift_right_logical3A_163 = arith.constant 16 : i32
      %shift_right_logical3A_164 = vector.broadcast %shift_right_logical3A_163 : i32 to vector<16xi32>
      %shift_right_logical3A_165 = arith.shrui %bitcast3A_159, %shift_right_logical3A_164 : vector<16xi32>
      %sub3A_166 = arith.subi %shift_right_logical3A_162, %shift_right_logical3A_165 : vector<16xi32>
      %convert_element_type3A_167 = arith.sitofp %sub3A_166 : vector<16xi32> to vector<16xf32>
      %shift_left3A = arith.constant 16 : i32
      %shift_left3A_168 = vector.broadcast %shift_left3A : i32 to vector<16xi32>
      %shift_left3A_169 = arith.shli %bitcast3A, %shift_left3A_168 : vector<16xi32>
      %bitcast3A_170 = vector.bitcast %shift_left3A_169 : vector<16xi32> to vector<16xf32>
      %shift_left3A_171 = arith.constant 16 : i32
      %shift_left3A_172 = vector.broadcast %shift_left3A_171 : i32 to vector<16xi32>
      %shift_left3A_173 = arith.shli %bitcast3A_159, %shift_left3A_172 : vector<16xi32>
      %bitcast3A_174 = vector.bitcast %shift_left3A_173 : vector<16xi32> to vector<16xf32>
      %jit3A_175 = arith.constant 0.000000e+00 : f32
      %broadcast_in_dim3A_176 = vector.broadcast %jit3A_175 : f32 to vector<16xf32>
      %select_n3A_177 = arith.select %gt3A_107, %convert_element_type3A_167, %broadcast_in_dim3A_176 : vector<16xi1>, vector<16xf32>
      %add3A_178 = arith.addf %scan3A_88, %select_n3A_177 : vector<16xf32>
      %sub3A_179 = arith.subf %bitcast3A_170, %bitcast3A_174 : vector<16xf32>
      %jit3A_180 = arith.constant 0.000000e+00 : f32
      %broadcast_in_dim3A_181 = vector.broadcast %jit3A_180 : f32 to vector<16xf32>
      %select_n3A_182 = arith.select %gt3A_107, %sub3A_179, %broadcast_in_dim3A_181 : vector<16xi1>, vector<16xf32>
      %add3A_183 = arith.addf %scan3A_89, %select_n3A_182 : vector<16xf32>
      scf.yield %add3A_137, %add3A_150, %add3A_178, %add3A_183, %add3A_109, %max3A : vector<16xf32>, vector<16xf32>, vector<16xf32>, vector<16xf32>, vector<16xf32>, vector<16xf32>
    }
    %scan3A_34 = arith.constant 8 : i32
    %swap3A = arith.constant 0 : index
    %swap3A_35 = tpu.vector_load %arg10[%swap3A] {strides = array<i32>} : memref<128xf32, #tpu.memory_space<vmem>>, vector<16xf32>,
    tpu.vector_store %arg10[%swap3A], %scan3A_33#0 {strides = array<i32>} : memref<128xf32, #tpu.memory_space<vmem>>, vector<16xf32>,
    %swap3A_36 = arith.constant 16 : index
    %swap3A_37 = tpu.vector_load %arg10[%swap3A_36] {strides = array<i32>} : memref<128xf32, #tpu.memory_space<vmem>>, vector<16xf32>,
    tpu.vector_store %arg10[%swap3A_36], %scan3A_33#2 {strides = array<i32>} : memref<128xf32, #tpu.memory_space<vmem>>, vector<16xf32>,
    %swap3A_38 = arith.constant 32 : index
    %swap3A_39 = tpu.vector_load %arg10[%swap3A_38] {strides = array<i32>} : memref<128xf32, #tpu.memory_space<vmem>>, vector<16xf32>,
    tpu.vector_store %arg10[%swap3A_38], %scan3A_33#3 {strides = array<i32>} : memref<128xf32, #tpu.memory_space<vmem>>, vector<16xf32>,
    %swap3A_40 = arith.constant 48 : index
    %swap3A_41 = tpu.vector_load %arg10[%swap3A_40] {strides = array<i32>} : memref<128xf32, #tpu.memory_space<vmem>>, vector<16xf32>,
    tpu.vector_store %arg10[%swap3A_40], %scan3A_33#1 {strides = array<i32>} : memref<128xf32, #tpu.memory_space<vmem>>, vector<16xf32>,
    %swap3A_42 = arith.constant 64 : index
    %swap3A_43 = tpu.vector_load %arg10[%swap3A_42] {strides = array<i32>} : memref<128xf32, #tpu.memory_space<vmem>>, vector<16xf32>,
    tpu.vector_store %arg10[%swap3A_42], %broadcast_in_dim3A_29 {strides = array<i32>} : memref<128xf32, #tpu.memory_space<vmem>>, vector<16xf32>,
    %swap3A_44 = arith.constant 80 : index
    %swap3A_45 = tpu.vector_load %arg10[%swap3A_44] {strides = array<i32>} : memref<128xf32, #tpu.memory_space<vmem>>, vector<16xf32>,
    tpu.vector_store %arg10[%swap3A_44], %broadcast_in_dim3A_29 {strides = array<i32>} : memref<128xf32, #tpu.memory_space<vmem>>, vector<16xf32>,
    %swap3A_46 = arith.constant 96 : index
    %swap3A_47 = tpu.vector_load %arg10[%swap3A_46] {strides = array<i32>} : memref<128xf32, #tpu.memory_space<vmem>>, vector<16xf32>,
    tpu.vector_store %arg10[%swap3A_46], %scan3A_33#4 {strides = array<i32>} : memref<128xf32, #tpu.memory_space<vmem>>, vector<16xf32>,
    %swap3A_48 = arith.constant 112 : index
    %swap3A_49 = tpu.vector_load %arg10[%swap3A_48] {strides = array<i32>} : memref<128xf32, #tpu.memory_space<vmem>>, vector<16xf32>,
    tpu.vector_store %arg10[%swap3A_48], %scan3A_33#5 {strides = array<i32>} : memref<128xf32, #tpu.memory_space<vmem>>, vector<16xf32>,
    "tpu.region"() ({
      %run_scoped3A = tpu.sem_alloc : memref<!tpu.dma_semaphore, #tpu.memory_space<semaphore_mem>>
      %dma_start3A_85 = arith.constant 0 : i32
      %dma_start3A_86 = tpu.memref_slice %arg5[%add3A_21, %dma_start3A_85] : memref<64x128xf32, #tpu.memory_space<hbm>> -> memref<1x128xf32, #tpu.memory_space<hbm>>
      %dma_start3A_87 = tpu.memref_squeeze %dma_start3A_86 : memref<1x128xf32, #tpu.memory_space<hbm>> -> memref<128xf32, #tpu.memory_space<hbm>>
      %dma_start3A_88 = arith.constant 0 : i32
      %dma_start3A_89 = tpu.memref_slice %arg5[%add3A_21, %dma_start3A_88] : memref<64x128xf32, #tpu.memory_space<hbm>> -> memref<1x128xf32, #tpu.memory_space<hbm>>
      %dma_start3A_90 = tpu.memref_squeeze %dma_start3A_89 : memref<1x128xf32, #tpu.memory_space<hbm>> -> memref<128xf32, #tpu.memory_space<hbm>>
      tpu.enqueue_dma source(%arg10 : memref<128xf32, #tpu.memory_space<vmem>>) target(%dma_start3A_90 : memref<128xf32, #tpu.memory_space<hbm>>) target_semaphore(%run_scoped3A : memref<!tpu.dma_semaphore, #tpu.memory_space<semaphore_mem>>)
      %dma_wait3A_91 = arith.constant 0 : i32
      %dma_wait3A_92 = tpu.memref_slice %arg5[%add3A_21, %dma_wait3A_91] : memref<64x128xf32, #tpu.memory_space<hbm>> -> memref<1x128xf32, #tpu.memory_space<hbm>>
      %dma_wait3A_93 = tpu.memref_squeeze %dma_wait3A_92 : memref<1x128xf32, #tpu.memory_space<hbm>> -> memref<128xf32, #tpu.memory_space<hbm>>
      %dma_wait3A_94 = arith.constant 0 : i32
      %dma_wait3A_95 = tpu.memref_slice %arg5[%add3A_21, %dma_wait3A_94] : memref<64x128xf32, #tpu.memory_space<hbm>> -> memref<1x128xf32, #tpu.memory_space<hbm>>
      %dma_wait3A_96 = tpu.memref_squeeze %dma_wait3A_95 : memref<1x128xf32, #tpu.memory_space<hbm>> -> memref<128xf32, #tpu.memory_space<hbm>>
      tpu.wait_dma2 semaphore(%run_scoped3A : memref<!tpu.dma_semaphore, #tpu.memory_space<semaphore_mem>>) src(%arg10 : memref<128xf32, #tpu.memory_space<vmem>>) dst(%dma_wait3A_96 : memref<128xf32, #tpu.memory_space<hbm>>)
      tpu.yield
    }) : () -> ()
    %add3A_50 = arith.constant 1 : i32
    %add3A_51 = arith.addi %mul3A_2, %add3A_50 : i32
    "tpu.region"() ({
      %run_scoped3A = tpu.sem_alloc : memref<!tpu.dma_semaphore, #tpu.memory_space<semaphore_mem>>
      %dma_start3A_85 = arith.constant 0 : i32
      %dma_start3A_86 = tpu.memref_slice %arg3[%add3A_51, %dma_start3A_85] : memref<64x128xi32, #tpu.memory_space<hbm>> -> memref<1x128xi32, #tpu.memory_space<hbm>>
      %dma_start3A_87 = tpu.memref_squeeze %dma_start3A_86 : memref<1x128xi32, #tpu.memory_space<hbm>> -> memref<128xi32, #tpu.memory_space<hbm>>
      %dma_start3A_88 = arith.constant 0 : i32
      %dma_start3A_89 = tpu.memref_slice %arg3[%add3A_51, %dma_start3A_88] : memref<64x128xi32, #tpu.memory_space<hbm>> -> memref<1x128xi32, #tpu.memory_space<hbm>>
      %dma_start3A_90 = tpu.memref_squeeze %dma_start3A_89 : memref<1x128xi32, #tpu.memory_space<hbm>> -> memref<128xi32, #tpu.memory_space<hbm>>
      tpu.enqueue_dma source(%dma_start3A_90 : memref<128xi32, #tpu.memory_space<hbm>>) target(%arg8 : memref<128xi32, #tpu.memory_space<vmem>>) target_semaphore(%run_scoped3A : memref<!tpu.dma_semaphore, #tpu.memory_space<semaphore_mem>>)
      %dma_wait3A_91 = arith.constant 0 : i32
      %dma_wait3A_92 = tpu.memref_slice %arg3[%add3A_51, %dma_wait3A_91] : memref<64x128xi32, #tpu.memory_space<hbm>> -> memref<1x128xi32, #tpu.memory_space<hbm>>
      %dma_wait3A_93 = tpu.memref_squeeze %dma_wait3A_92 : memref<1x128xi32, #tpu.memory_space<hbm>> -> memref<128xi32, #tpu.memory_space<hbm>>
      %dma_wait3A_94 = arith.constant 0 : i32
      %dma_wait3A_95 = tpu.memref_slice %arg3[%add3A_51, %dma_wait3A_94] : memref<64x128xi32, #tpu.memory_space<hbm>> -> memref<1x128xi32, #tpu.memory_space<hbm>>
      %dma_wait3A_96 = tpu.memref_squeeze %dma_wait3A_95 : memref<1x128xi32, #tpu.memory_space<hbm>> -> memref<128xi32, #tpu.memory_space<hbm>>
      tpu.wait_dma2 semaphore(%run_scoped3A : memref<!tpu.dma_semaphore, #tpu.memory_space<semaphore_mem>>) src(%dma_wait3A_96 : memref<128xi32, #tpu.memory_space<hbm>>) dst(%arg8 : memref<128xi32, #tpu.memory_space<vmem>>)
      tpu.yield
    }) : () -> ()
    "tpu.region"() ({
      %run_scoped3A = tpu.sem_alloc : memref<!tpu.dma_semaphore, #tpu.memory_space<semaphore_mem>>
      %dma_start3A_85 = arith.constant 0 : i32
      %dma_start3A_86 = tpu.memref_slice %arg4[%add3A_51, %dma_start3A_85] : memref<64x256xi32, #tpu.memory_space<hbm>> -> memref<1x256xi32, #tpu.memory_space<hbm>>
      %dma_start3A_87 = tpu.memref_squeeze %dma_start3A_86 : memref<1x256xi32, #tpu.memory_space<hbm>> -> memref<256xi32, #tpu.memory_space<hbm>>
      %dma_start3A_88 = arith.constant 0 : i32
      %dma_start3A_89 = tpu.memref_slice %arg4[%add3A_51, %dma_start3A_88] : memref<64x256xi32, #tpu.memory_space<hbm>> -> memref<1x256xi32, #tpu.memory_space<hbm>>
      %dma_start3A_90 = tpu.memref_squeeze %dma_start3A_89 : memref<1x256xi32, #tpu.memory_space<hbm>> -> memref<256xi32, #tpu.memory_space<hbm>>
      tpu.enqueue_dma source(%dma_start3A_90 : memref<256xi32, #tpu.memory_space<hbm>>) target(%arg9 : memref<256xi32, #tpu.memory_space<vmem>>) target_semaphore(%run_scoped3A : memref<!tpu.dma_semaphore, #tpu.memory_space<semaphore_mem>>)
      %dma_wait3A_91 = arith.constant 0 : i32
      %dma_wait3A_92 = tpu.memref_slice %arg4[%add3A_51, %dma_wait3A_91] : memref<64x256xi32, #tpu.memory_space<hbm>> -> memref<1x256xi32, #tpu.memory_space<hbm>>
      %dma_wait3A_93 = tpu.memref_squeeze %dma_wait3A_92 : memref<1x256xi32, #tpu.memory_space<hbm>> -> memref<256xi32, #tpu.memory_space<hbm>>
      %dma_wait3A_94 = arith.constant 0 : i32
      %dma_wait3A_95 = tpu.memref_slice %arg4[%add3A_51, %dma_wait3A_94] : memref<64x256xi32, #tpu.memory_space<hbm>> -> memref<1x256xi32, #tpu.memory_space<hbm>>
      %dma_wait3A_96 = tpu.memref_squeeze %dma_wait3A_95 : memref<1x256xi32, #tpu.memory_space<hbm>> -> memref<256xi32, #tpu.memory_space<hbm>>
      tpu.wait_dma2 semaphore(%run_scoped3A : memref<!tpu.dma_semaphore, #tpu.memory_space<semaphore_mem>>) src(%dma_wait3A_96 : memref<256xi32, #tpu.memory_space<hbm>>) dst(%arg9 : memref<256xi32, #tpu.memory_space<vmem>>)
      tpu.yield
    }) : () -> ()
    %dma_wait3A_52 = arith.constant 0 : i32
    %dma_wait3A_53 = arith.constant 0 : i32
    %dma_wait3A_54 = tpu.memref_slice %arg2[%add3A_11, %dma_wait3A_52, %dma_wait3A_53] : memref<64x96x128xf32, #tpu.memory_space<hbm>> -> memref<1x96x128xf32, #tpu.memory_space<hbm>>
    %dma_wait3A_55 = tpu.memref_squeeze %dma_wait3A_54 : memref<1x96x128xf32, #tpu.memory_space<hbm>> -> memref<96x128xf32, #tpu.memory_space<hbm>>
    %dma_wait3A_56 = arith.constant 0 : i32
    %dma_wait3A_57 = arith.constant 0 : i32
    %dma_wait3A_58 = tpu.memref_slice %arg2[%add3A_11, %dma_wait3A_56, %dma_wait3A_57] : memref<64x96x128xf32, #tpu.memory_space<hbm>> -> memref<1x96x128xf32, #tpu.memory_space<hbm>>
    %dma_wait3A_59 = tpu.memref_squeeze %dma_wait3A_58 : memref<1x96x128xf32, #tpu.memory_space<hbm>> -> memref<96x128xf32, #tpu.memory_space<hbm>>
    tpu.wait_dma2 semaphore(%arg12 : memref<!tpu.dma_semaphore, #tpu.memory_space<semaphore_mem>>) src(%dma_wait3A_59 : memref<96x128xf32, #tpu.memory_space<hbm>>) dst(%arg7 : memref<96x128xf32, #tpu.memory_space<vmem>>)
    %iota3A_60 = tpu.iota {dimensions = array<i32: 0>} : vector<16xi32>
    %broadcast_in_dim3A_61 = arith.constant 0.000000e+00 : f32
    %broadcast_in_dim3A_62 = vector.broadcast %broadcast_in_dim3A_61 : f32 to vector<16xf32>
    %scan3A_63 = arith.constant 0 : i32
    %scan3A_64 = arith.constant 8 : i32
    %scan3A_65 = arith.addi %scan3A_63, %scan3A_64 : i32
    %scan3A_66 = arith.constant 1 : i32
    %scan3A_67:6 = scf.for %scan3A_85 = %scan3A_63 to %scan3A_65 step %scan3A_66 iter_args(%scan3A_86 = %broadcast_in_dim3A_62, %scan3A_87 = %broadcast_in_dim3A_62, %scan3A_88 = %broadcast_in_dim3A_62, %scan3A_89 = %broadcast_in_dim3A_62, %scan3A_90 = %broadcast_in_dim3A_62, %scan3A_91 = %broadcast_in_dim3A_62) -> (vector<16xf32>, vector<16xf32>, vector<16xf32>, vector<16xf32>, vector<16xf32>, vector<16xf32>)  : i32 {
      %mul3A_92 = arith.constant 16 : i32
      %mul3A_93 = arith.muli %scan3A_85, %mul3A_92 : i32
      %get3A = arith.index_cast %mul3A_93 : i32 to index
      %get3A_94 = tpu.vector_load %arg8[%get3A] {strides = array<i32>} : memref<128xi32, #tpu.memory_space<vmem>>, vector<16xi32>,
      %mul3A_95 = arith.constant 32 : i32
      %mul3A_96 = arith.muli %scan3A_85, %mul3A_95 : i32
      %mul3A_97 = arith.constant 2 : i32
      %mul3A_98 = vector.broadcast %mul3A_97 : i32 to vector<16xi32>
      %mul3A_99 = arith.muli %mul3A_98, %iota3A_60 : vector<16xi32>
      %add3A_100 = vector.broadcast %mul3A_96 : i32 to vector<16xi32>
      %add3A_101 = arith.addi %add3A_100, %mul3A_99 : vector<16xi32>
      %gather3A = tpu.vector_load_idx %arg9[%add3A_101] : memref<256xi32, #tpu.memory_space<vmem>>[vector<16xi32>], vector<16xi32>,
      %add3A_102 = arith.constant 1 : i32
      %add3A_103 = vector.broadcast %add3A_102 : i32 to vector<16xi32>
      %add3A_104 = arith.addi %add3A_101, %add3A_103 : vector<16xi32>
      %gather3A_105 = tpu.vector_load_idx %arg9[%add3A_104] : memref<256xi32, #tpu.memory_space<vmem>>[vector<16xi32>], vector<16xi32>,
      %gt3A = arith.constant 0 : i32
      %gt3A_106 = vector.broadcast %gt3A : i32 to vector<16xi32>
      %gt3A_107 = arith.cmpi sgt, %get3A_94, %gt3A_106 : vector<16xi32>
      %sub3A = arith.subi %gather3A_105, %gather3A : vector<16xi32>
      %convert_element_type3A = arith.sitofp %sub3A : vector<16xi32> to vector<16xf32>
      %jit3A = arith.constant 0.000000e+00 : f32
      %broadcast_in_dim3A_108 = vector.broadcast %jit3A : f32 to vector<16xf32>
      %select_n3A = arith.select %gt3A_107, %convert_element_type3A, %broadcast_in_dim3A_108 : vector<16xi1>, vector<16xf32>
      %add3A_109 = arith.addf %scan3A_90, %select_n3A : vector<16xf32>
      %jit3A_110 = arith.constant 1.000000e+00 : f32
      %jit3A_111 = arith.constant 0.000000e+00 : f32
      %broadcast_in_dim3A_112 = vector.broadcast %jit3A_110 : f32 to vector<16xf32>
      %broadcast_in_dim3A_113 = vector.broadcast %jit3A_111 : f32 to vector<16xf32>
      %select_n3A_114 = arith.select %gt3A_107, %broadcast_in_dim3A_112, %broadcast_in_dim3A_113 : vector<16xi1>, vector<16xf32>
      %max3A = arith.maximumf %scan3A_91, %select_n3A_114 : vector<16xf32>
      %shift_right_logical3A = arith.constant 7 : i32
      %shift_right_logical3A_115 = vector.broadcast %shift_right_logical3A : i32 to vector<16xi32>
      %shift_right_logical3A_116 = arith.shrui %gather3A, %shift_right_logical3A_115 : vector<16xi32>
      %and3A = arith.constant 127 : i32
      %and3A_117 = vector.broadcast %and3A : i32 to vector<16xi32>
      %and3A_118 = arith.andi %gather3A, %and3A_117 : vector<16xi32>
      %shift_right_logical3A_119 = arith.constant 7 : i32
      %shift_right_logical3A_120 = vector.broadcast %shift_right_logical3A_119 : i32 to vector<16xi32>
      %shift_right_logical3A_121 = arith.shrui %gather3A_105, %shift_right_logical3A_120 : vector<16xi32>
      %and3A_122 = arith.constant 127 : i32
      %and3A_123 = vector.broadcast %and3A_122 : i32 to vector<16xi32>
      %and3A_124 = arith.andi %gather3A_105, %and3A_123 : vector<16xi32>
      %add3A_125 = arith.constant 0 : i32
      %add3A_126 = vector.broadcast %add3A_125 : i32 to vector<16xi32>
      %add3A_127 = arith.addi %shift_right_logical3A_121, %add3A_126 : vector<16xi32>
      %gather3A_128 = tpu.vector_load_idx %arg7[%add3A_127, %and3A_124] : memref<96x128xf32, #tpu.memory_space<vmem>>[vector<16xi32>, vector<16xi32>], vector<16xf32>,
      %add3A_129 = arith.constant 0 : i32
      %add3A_130 = vector.broadcast %add3A_129 : i32 to vector<16xi32>
      %add3A_131 = arith.addi %shift_right_logical3A_116, %add3A_130 : vector<16xi32>
      %gather3A_132 = tpu.vector_load_idx %arg7[%add3A_131, %and3A_118] : memref<96x128xf32, #tpu.memory_space<vmem>>[vector<16xi32>, vector<16xi32>], vector<16xf32>,
      %sub3A_133 = arith.subf %gather3A_128, %gather3A_132 : vector<16xf32>
      %jit3A_134 = arith.constant 0.000000e+00 : f32
      %broadcast_in_dim3A_135 = vector.broadcast %jit3A_134 : f32 to vector<16xf32>
      %select_n3A_136 = arith.select %gt3A_107, %sub3A_133, %broadcast_in_dim3A_135 : vector<16xi1>, vector<16xf32>
      %add3A_137 = arith.addf %scan3A_86, %select_n3A_136 : vector<16xf32>
      %add3A_138 = arith.constant 32 : i32
      %add3A_139 = vector.broadcast %add3A_138 : i32 to vector<16xi32>
      %add3A_140 = arith.addi %shift_right_logical3A_121, %add3A_139 : vector<16xi32>
      %gather3A_141 = tpu.vector_load_idx %arg7[%add3A_140, %and3A_124] : memref<96x128xf32, #tpu.memory_space<vmem>>[vector<16xi32>, vector<16xi32>], vector<16xf32>,
      %add3A_142 = arith.constant 32 : i32
      %add3A_143 = vector.broadcast %add3A_142 : i32 to vector<16xi32>
      %add3A_144 = arith.addi %shift_right_logical3A_116, %add3A_143 : vector<16xi32>
      %gather3A_145 = tpu.vector_load_idx %arg7[%add3A_144, %and3A_118] : memref<96x128xf32, #tpu.memory_space<vmem>>[vector<16xi32>, vector<16xi32>], vector<16xf32>,
      %sub3A_146 = arith.subf %gather3A_141, %gather3A_145 : vector<16xf32>
      %jit3A_147 = arith.constant 0.000000e+00 : f32
      %broadcast_in_dim3A_148 = vector.broadcast %jit3A_147 : f32 to vector<16xf32>
      %select_n3A_149 = arith.select %gt3A_107, %sub3A_146, %broadcast_in_dim3A_148 : vector<16xi1>, vector<16xf32>
      %add3A_150 = arith.addf %scan3A_87, %select_n3A_149 : vector<16xf32>
      %add3A_151 = arith.constant 64 : i32
      %add3A_152 = vector.broadcast %add3A_151 : i32 to vector<16xi32>
      %add3A_153 = arith.addi %shift_right_logical3A_121, %add3A_152 : vector<16xi32>
      %gather3A_154 = tpu.vector_load_idx %arg7[%add3A_153, %and3A_124] : memref<96x128xf32, #tpu.memory_space<vmem>>[vector<16xi32>, vector<16xi32>], vector<16xf32>,
      %bitcast3A = vector.bitcast %gather3A_154 : vector<16xf32> to vector<16xi32>
      %add3A_155 = arith.constant 64 : i32
      %add3A_156 = vector.broadcast %add3A_155 : i32 to vector<16xi32>
      %add3A_157 = arith.addi %shift_right_logical3A_116, %add3A_156 : vector<16xi32>
      %gather3A_158 = tpu.vector_load_idx %arg7[%add3A_157, %and3A_118] : memref<96x128xf32, #tpu.memory_space<vmem>>[vector<16xi32>, vector<16xi32>], vector<16xf32>,
      %bitcast3A_159 = vector.bitcast %gather3A_158 : vector<16xf32> to vector<16xi32>
      %shift_right_logical3A_160 = arith.constant 16 : i32
      %shift_right_logical3A_161 = vector.broadcast %shift_right_logical3A_160 : i32 to vector<16xi32>
      %shift_right_logical3A_162 = arith.shrui %bitcast3A, %shift_right_logical3A_161 : vector<16xi32>
      %shift_right_logical3A_163 = arith.constant 16 : i32
      %shift_right_logical3A_164 = vector.broadcast %shift_right_logical3A_163 : i32 to vector<16xi32>
      %shift_right_logical3A_165 = arith.shrui %bitcast3A_159, %shift_right_logical3A_164 : vector<16xi32>
      %sub3A_166 = arith.subi %shift_right_logical3A_162, %shift_right_logical3A_165 : vector<16xi32>
      %convert_element_type3A_167 = arith.sitofp %sub3A_166 : vector<16xi32> to vector<16xf32>
      %shift_left3A = arith.constant 16 : i32
      %shift_left3A_168 = vector.broadcast %shift_left3A : i32 to vector<16xi32>
      %shift_left3A_169 = arith.shli %bitcast3A, %shift_left3A_168 : vector<16xi32>
      %bitcast3A_170 = vector.bitcast %shift_left3A_169 : vector<16xi32> to vector<16xf32>
      %shift_left3A_171 = arith.constant 16 : i32
      %shift_left3A_172 = vector.broadcast %shift_left3A_171 : i32 to vector<16xi32>
      %shift_left3A_173 = arith.shli %bitcast3A_159, %shift_left3A_172 : vector<16xi32>
      %bitcast3A_174 = vector.bitcast %shift_left3A_173 : vector<16xi32> to vector<16xf32>
      %jit3A_175 = arith.constant 0.000000e+00 : f32
      %broadcast_in_dim3A_176 = vector.broadcast %jit3A_175 : f32 to vector<16xf32>
      %select_n3A_177 = arith.select %gt3A_107, %convert_element_type3A_167, %broadcast_in_dim3A_176 : vector<16xi1>, vector<16xf32>
      %add3A_178 = arith.addf %scan3A_88, %select_n3A_177 : vector<16xf32>
      %sub3A_179 = arith.subf %bitcast3A_170, %bitcast3A_174 : vector<16xf32>
      %jit3A_180 = arith.constant 0.000000e+00 : f32
      %broadcast_in_dim3A_181 = vector.broadcast %jit3A_180 : f32 to vector<16xf32>
      %select_n3A_182 = arith.select %gt3A_107, %sub3A_179, %broadcast_in_dim3A_181 : vector<16xi1>, vector<16xf32>
      %add3A_183 = arith.addf %scan3A_89, %select_n3A_182 : vector<16xf32>
      scf.yield %add3A_137, %add3A_150, %add3A_178, %add3A_183, %add3A_109, %max3A : vector<16xf32>, vector<16xf32>, vector<16xf32>, vector<16xf32>, vector<16xf32>, vector<16xf32>
    }
    %scan3A_68 = arith.constant 8 : i32
    %swap3A_69 = arith.constant 0 : index
    %swap3A_70 = tpu.vector_load %arg10[%swap3A_69] {strides = array<i32>} : memref<128xf32, #tpu.memory_space<vmem>>, vector<16xf32>,
    tpu.vector_store %arg10[%swap3A_69], %scan3A_67#0 {strides = array<i32>} : memref<128xf32, #tpu.memory_space<vmem>>, vector<16xf32>,
    %swap3A_71 = arith.constant 16 : index
    %swap3A_72 = tpu.vector_load %arg10[%swap3A_71] {strides = array<i32>} : memref<128xf32, #tpu.memory_space<vmem>>, vector<16xf32>,
    tpu.vector_store %arg10[%swap3A_71], %scan3A_67#2 {strides = array<i32>} : memref<128xf32, #tpu.memory_space<vmem>>, vector<16xf32>,
    %swap3A_73 = arith.constant 32 : index
    %swap3A_74 = tpu.vector_load %arg10[%swap3A_73] {strides = array<i32>} : memref<128xf32, #tpu.memory_space<vmem>>, vector<16xf32>,
    tpu.vector_store %arg10[%swap3A_73], %scan3A_67#3 {strides = array<i32>} : memref<128xf32, #tpu.memory_space<vmem>>, vector<16xf32>,
    %swap3A_75 = arith.constant 48 : index
    %swap3A_76 = tpu.vector_load %arg10[%swap3A_75] {strides = array<i32>} : memref<128xf32, #tpu.memory_space<vmem>>, vector<16xf32>,
    tpu.vector_store %arg10[%swap3A_75], %scan3A_67#1 {strides = array<i32>} : memref<128xf32, #tpu.memory_space<vmem>>, vector<16xf32>,
    %swap3A_77 = arith.constant 64 : index
    %swap3A_78 = tpu.vector_load %arg10[%swap3A_77] {strides = array<i32>} : memref<128xf32, #tpu.memory_space<vmem>>, vector<16xf32>,
    tpu.vector_store %arg10[%swap3A_77], %broadcast_in_dim3A_62 {strides = array<i32>} : memref<128xf32, #tpu.memory_space<vmem>>, vector<16xf32>,
    %swap3A_79 = arith.constant 80 : index
    %swap3A_80 = tpu.vector_load %arg10[%swap3A_79] {strides = array<i32>} : memref<128xf32, #tpu.memory_space<vmem>>, vector<16xf32>,
    tpu.vector_store %arg10[%swap3A_79], %broadcast_in_dim3A_62 {strides = array<i32>} : memref<128xf32, #tpu.memory_space<vmem>>, vector<16xf32>,
    %swap3A_81 = arith.constant 96 : index
    %swap3A_82 = tpu.vector_load %arg10[%swap3A_81] {strides = array<i32>} : memref<128xf32, #tpu.memory_space<vmem>>, vector<16xf32>,
    tpu.vector_store %arg10[%swap3A_81], %scan3A_67#4 {strides = array<i32>} : memref<128xf32, #tpu.memory_space<vmem>>, vector<16xf32>,
    %swap3A_83 = arith.constant 112 : index
    %swap3A_84 = tpu.vector_load %arg10[%swap3A_83] {strides = array<i32>} : memref<128xf32, #tpu.memory_space<vmem>>, vector<16xf32>,
    tpu.vector_store %arg10[%swap3A_83], %scan3A_67#5 {strides = array<i32>} : memref<128xf32, #tpu.memory_space<vmem>>, vector<16xf32>,
    "tpu.region"() ({
      %run_scoped3A = tpu.sem_alloc : memref<!tpu.dma_semaphore, #tpu.memory_space<semaphore_mem>>
      %dma_start3A_85 = arith.constant 0 : i32
      %dma_start3A_86 = tpu.memref_slice %arg5[%add3A_51, %dma_start3A_85] : memref<64x128xf32, #tpu.memory_space<hbm>> -> memref<1x128xf32, #tpu.memory_space<hbm>>
      %dma_start3A_87 = tpu.memref_squeeze %dma_start3A_86 : memref<1x128xf32, #tpu.memory_space<hbm>> -> memref<128xf32, #tpu.memory_space<hbm>>
      %dma_start3A_88 = arith.constant 0 : i32
      %dma_start3A_89 = tpu.memref_slice %arg5[%add3A_51, %dma_start3A_88] : memref<64x128xf32, #tpu.memory_space<hbm>> -> memref<1x128xf32, #tpu.memory_space<hbm>>
      %dma_start3A_90 = tpu.memref_squeeze %dma_start3A_89 : memref<1x128xf32, #tpu.memory_space<hbm>> -> memref<128xf32, #tpu.memory_space<hbm>>
      tpu.enqueue_dma source(%arg10 : memref<128xf32, #tpu.memory_space<vmem>>) target(%dma_start3A_90 : memref<128xf32, #tpu.memory_space<hbm>>) target_semaphore(%run_scoped3A : memref<!tpu.dma_semaphore, #tpu.memory_space<semaphore_mem>>)
      %dma_wait3A_91 = arith.constant 0 : i32
      %dma_wait3A_92 = tpu.memref_slice %arg5[%add3A_51, %dma_wait3A_91] : memref<64x128xf32, #tpu.memory_space<hbm>> -> memref<1x128xf32, #tpu.memory_space<hbm>>
      %dma_wait3A_93 = tpu.memref_squeeze %dma_wait3A_92 : memref<1x128xf32, #tpu.memory_space<hbm>> -> memref<128xf32, #tpu.memory_space<hbm>>
      %dma_wait3A_94 = arith.constant 0 : i32
      %dma_wait3A_95 = tpu.memref_slice %arg5[%add3A_51, %dma_wait3A_94] : memref<64x128xf32, #tpu.memory_space<hbm>> -> memref<1x128xf32, #tpu.memory_space<hbm>>
      %dma_wait3A_96 = tpu.memref_squeeze %dma_wait3A_95 : memref<1x128xf32, #tpu.memory_space<hbm>> -> memref<128xf32, #tpu.memory_space<hbm>>
      tpu.wait_dma2 semaphore(%run_scoped3A : memref<!tpu.dma_semaphore, #tpu.memory_space<semaphore_mem>>) src(%arg10 : memref<128xf32, #tpu.memory_space<vmem>>) dst(%dma_wait3A_96 : memref<128xf32, #tpu.memory_space<hbm>>)
      tpu.yield
    }) : () -> ()
    return
  }
}

module attributes {stable_mosaic.version = 14 : i64} {
  func.func @_final_body(%arg0: memref<64x128xf32, #tpu.memory_space<vmem>>, %arg1: memref<128x8xf32, #tpu.memory_space<vmem>>, %arg2: memref<1x1xf32, #tpu.memory_space<vmem>>) attributes {dimension_semantics = [], scalar_prefetch = 0 : i64, scratch_operands = 0 : i64, tpu.core_type = #tpu.core_type<tc>} {
    %get3A = arith.constant 0 : index
    %get3A_0 = arith.constant 0 : index
    %get3A_1 = vector.load %arg0[%get3A, %get3A_0] : memref<64x128xf32, #tpu.memory_space<vmem>>, vector<64x128xf32>
    %get3A_2 = arith.constant 0 : index
    %get3A_3 = arith.constant 0 : index
    %get3A_4 = vector.load %arg1[%get3A_2, %get3A_3] : memref<128x8xf32, #tpu.memory_space<vmem>>, vector<128x8xf32>
    %dot_general3A = arith.constant dense<0.000000e+00> : vector<64x8xf32>
    %dot_general3A_5 = tpu.matmul %get3A_1, %get3A_4, %dot_general3A {dimension_numbers = #tpu.dot_dimension_numbers<[1], [0], [0], [1], [0, 0, 1, 1], [], []>, transpose_lhs_hint = false} : vector<64x128xf32>, vector<128x8xf32>, vector<64x8xf32> -> vector<64x8xf32>
    %slice3A = vector.extract_strided_slice %dot_general3A_5 {offsets = [0, 0], sizes = [64, 1], strides = [1, 1]} : vector<64x8xf32> to vector<64x1xf32>
    %slice3A_6 = vector.extract_strided_slice %dot_general3A_5 {offsets = [0, 1], sizes = [64, 1], strides = [1, 1]} : vector<64x8xf32> to vector<64x1xf32>
    %slice3A_7 = vector.extract_strided_slice %dot_general3A_5 {offsets = [0, 2], sizes = [64, 1], strides = [1, 1]} : vector<64x8xf32> to vector<64x1xf32>
    %slice3A_8 = vector.extract_strided_slice %dot_general3A_5 {offsets = [0, 3], sizes = [64, 1], strides = [1, 1]} : vector<64x8xf32> to vector<64x1xf32>
    %slice3A_9 = vector.extract_strided_slice %dot_general3A_5 {offsets = [0, 4], sizes = [64, 1], strides = [1, 1]} : vector<64x8xf32> to vector<64x1xf32>
    %slice3A_10 = vector.extract_strided_slice %dot_general3A_5 {offsets = [0, 5], sizes = [64, 1], strides = [1, 1]} : vector<64x8xf32> to vector<64x1xf32>
    %slice3A_11 = vector.extract_strided_slice %dot_general3A_5 {offsets = [0, 6], sizes = [64, 1], strides = [1, 1]} : vector<64x8xf32> to vector<64x1xf32>
    %slice3A_12 = vector.extract_strided_slice %dot_general3A_5 {offsets = [0, 7], sizes = [64, 1], strides = [1, 1]} : vector<64x8xf32> to vector<64x1xf32>
    %add3A = arith.constant 1.000000e-30 : f32
    %add3A_13 = vector.broadcast %add3A : f32 to vector<64x1xf32>
    %add3A_14 = arith.addf %slice3A, %add3A_13 : vector<64x1xf32>
    %log3A = math.log %add3A_14 : vector<64x1xf32>
    %add3A_15 = arith.constant 1.000000e+00 : f32
    %add3A_16 = vector.broadcast %add3A_15 : f32 to vector<64x1xf32>
    %add3A_17 = arith.addf %add3A_16, %add3A_14 : vector<64x1xf32>
    %log3A_18 = math.log %add3A_17 : vector<64x1xf32>
    %max3A = arith.constant 1.000000e+00 : f32
    %max3A_19 = vector.broadcast %max3A : f32 to vector<64x1xf32>
    %max3A_20 = arith.maximumf %slice3A_11, %max3A_19 : vector<64x1xf32>
    %div3A = arith.constant 1.000000e+00 : f32
    %div3A_21 = vector.broadcast %div3A : f32 to vector<64x1xf32>
    %div3A_22 = arith.divf %div3A_21, %max3A_20 : vector<64x1xf32>
    %add3A_23 = arith.constant 1.000000e-30 : f32
    %add3A_24 = vector.broadcast %add3A_23 : f32 to vector<64x1xf32>
    %add3A_25 = arith.addf %slice3A_6, %add3A_24 : vector<64x1xf32>
    %div3A_26 = arith.constant 0.949999988 : f32
    %div3A_27 = vector.broadcast %div3A_26 : f32 to vector<64x1xf32>
    %div3A_28 = arith.divf %div3A_27, %add3A_25 : vector<64x1xf32>
    %mul3A = arith.constant 5.000000e-02 : f32
    %mul3A_29 = vector.broadcast %mul3A : f32 to vector<64x1xf32>
    %mul3A_30 = arith.mulf %mul3A_29, %div3A_22 : vector<64x1xf32>
    %add3A_31 = arith.addf %div3A_28, %mul3A_30 : vector<64x1xf32>
    %mul3A_32 = arith.constant 5.000000e-02 : f32
    %mul3A_33 = vector.broadcast %mul3A_32 : f32 to vector<64x1xf32>
    %mul3A_34 = arith.mulf %mul3A_33, %div3A_22 : vector<64x1xf32>
    %log3A_35 = math.log %add3A_31 : vector<64x1xf32>
    %mul3A_36 = arith.mulf %add3A_31, %log3A_35 : vector<64x1xf32>
    %mul3A_37 = arith.mulf %mul3A_36, %slice3A_6 : vector<64x1xf32>
    %log3A_38 = math.log %mul3A_34 : vector<64x1xf32>
    %mul3A_39 = arith.mulf %mul3A_34, %log3A_38 : vector<64x1xf32>
    %sub3A = arith.subf %slice3A_11, %slice3A_6 : vector<64x1xf32>
    %mul3A_40 = arith.mulf %mul3A_39, %sub3A : vector<64x1xf32>
    %add3A_41 = arith.addf %mul3A_37, %mul3A_40 : vector<64x1xf32>
    %mul3A_42 = arith.mulf %slice3A_9, %log3A_18 : vector<64x1xf32>
    %add3A_43 = arith.addf %slice3A_7, %mul3A_42 : vector<64x1xf32>
    %mul3A_44 = arith.mulf %slice3A_11, %log3A : vector<64x1xf32>
    %sub3A_45 = arith.subf %add3A_43, %mul3A_44 : vector<64x1xf32>
    %mul3A_46 = arith.mulf %slice3A_10, %log3A_18 : vector<64x1xf32>
    %add3A_47 = arith.addf %slice3A_8, %mul3A_46 : vector<64x1xf32>
    %mul3A_48 = arith.mulf %slice3A_6, %log3A : vector<64x1xf32>
    %sub3A_49 = arith.subf %add3A_47, %mul3A_48 : vector<64x1xf32>
    %mul3A_50 = arith.mulf %mul3A_34, %sub3A_45 : vector<64x1xf32>
    %sub3A_51 = arith.subf %add3A_31, %mul3A_34 : vector<64x1xf32>
    %mul3A_52 = arith.mulf %sub3A_51, %sub3A_49 : vector<64x1xf32>
    %add3A_53 = arith.addf %mul3A_50, %mul3A_52 : vector<64x1xf32>
    %sub3A_54 = arith.subf %add3A_41, %add3A_53 : vector<64x1xf32>
    %gt3A = arith.constant 0.000000e+00 : f32
    %gt3A_55 = vector.broadcast %gt3A : f32 to vector<64x1xf32>
    %gt3A_56 = arith.cmpf ogt, %slice3A_12, %gt3A_55 : vector<64x1xf32>
    %jit3A = arith.constant 0.000000e+00 : f32
    %broadcast_in_dim3A = vector.broadcast %jit3A : f32 to vector<64x1xf32>
    %select_n3A = arith.select %gt3A_56, %sub3A_54, %broadcast_in_dim3A : vector<64x1xi1>, vector<64x1xf32>
    %reduce_sum3A = vector.shape_cast %select_n3A : vector<64x1xf32> to vector<1x64x1xf32>
    %reduce_sum3A_57 = arith.constant dense<0.000000e+00> : vector<1xf32>
    %reduce_sum3A_58 = vector.multi_reduction <add>, %reduce_sum3A, %reduce_sum3A_57 [1, 2] : vector<1x64x1xf32> to vector<1xf32>
    %reduce_sum3A_59 = vector.shape_cast %reduce_sum3A_58 : vector<1xf32> to vector<1x1x1xf32>
    %reduce_sum3A_60 = vector.extract %reduce_sum3A_59[0, 0, 0] : f32 from vector<1x1x1xf32>
    %broadcast_in_dim3A_61 = vector.broadcast %reduce_sum3A_60 : f32 to vector<1x1xf32>
    %jit3A_62 = arith.constant 1.000000e+00 : f32
    %jit3A_63 = arith.constant 0.000000e+00 : f32
    %broadcast_in_dim3A_64 = vector.broadcast %jit3A_62 : f32 to vector<64x1xf32>
    %broadcast_in_dim3A_65 = vector.broadcast %jit3A_63 : f32 to vector<64x1xf32>
    %select_n3A_66 = arith.select %gt3A_56, %broadcast_in_dim3A_64, %broadcast_in_dim3A_65 : vector<64x1xi1>, vector<64x1xf32>
    %reduce_sum3A_67 = vector.shape_cast %select_n3A_66 : vector<64x1xf32> to vector<1x64x1xf32>
    %reduce_sum3A_68 = arith.constant dense<0.000000e+00> : vector<1xf32>
    %reduce_sum3A_69 = vector.multi_reduction <add>, %reduce_sum3A_67, %reduce_sum3A_68 [1, 2] : vector<1x64x1xf32> to vector<1xf32>
    %reduce_sum3A_70 = vector.shape_cast %reduce_sum3A_69 : vector<1xf32> to vector<1x1x1xf32>
    %reduce_sum3A_71 = vector.extract %reduce_sum3A_70[0, 0, 0] : f32 from vector<1x1x1xf32>
    %broadcast_in_dim3A_72 = vector.broadcast %reduce_sum3A_71 : f32 to vector<1x1xf32>
    %max3A_73 = arith.constant 1.000000e+00 : f32
    %max3A_74 = vector.broadcast %max3A_73 : f32 to vector<1x1xf32>
    %max3A_75 = arith.maximumf %max3A_74, %broadcast_in_dim3A_72 : vector<1x1xf32>
    %div3A_76 = arith.divf %broadcast_in_dim3A_61, %max3A_75 : vector<1x1xf32>
    %swap3A = arith.constant 0 : index
    %swap3A_77 = arith.constant 0 : index
    %swap3A_78 = vector.load %arg2[%swap3A, %swap3A_77] : memref<1x1xf32, #tpu.memory_space<vmem>>, vector<1x1xf32>
    tpu.vector_store %arg2[%swap3A, %swap3A_77], %div3A_76 {strides = array<i32>} : memref<1x1xf32, #tpu.memory_space<vmem>>, vector<1x1xf32>,
    return
  }
}

module attributes {stable_mosaic.version = 14 : i64} {
  func.func @_prefix_body(%arg0: i32, %arg1: memref<32x4096xf32, #tpu.memory_space<vmem>>, %arg2: memref<32x4096xi32, #tpu.memory_space<vmem>>, %arg3: memref<128x128xf32, #tpu.memory_space<vmem>>, %arg4: memref<128x128xf32, #tpu.memory_space<vmem>>, %arg5: memref<32x96x128xf32, #tpu.memory_space<vmem>>) attributes {dimension_semantics = [#tpu.dimension_semantics<arbitrary>], iteration_bounds = array<i64: 2>, scalar_prefetch = 0 : i64, scratch_operands = 0 : i64, tpu.core_type = #tpu.core_type<tc>, window_params = [{transform_indices = @transform_0, window_bounds = array<i64: 32, 4096>}, {transform_indices = @transform_1, window_bounds = array<i64: 32, 4096>}, {pipeline_mode = #tpu.pipeline_mode<synchronous>, transform_indices = @transform_2, window_bounds = array<i64: 128, 128>}, {pipeline_mode = #tpu.pipeline_mode<synchronous>, transform_indices = @transform_3, window_bounds = array<i64: 128, 128>}, {transform_indices = @transform_4, window_bounds = array<i64: 32, 96, 128>}]} {
    %get3A = arith.constant 0 : index
    %get3A_0 = arith.constant 0 : index
    %get3A_1 = vector.load %arg3[%get3A, %get3A_0] : memref<128x128xf32, #tpu.memory_space<vmem>>, vector<128x128xf32>
    %get3A_2 = arith.constant 0 : index
    %get3A_3 = arith.constant 0 : index
    %get3A_4 = vector.load %arg4[%get3A_2, %get3A_3] : memref<128x128xf32, #tpu.memory_space<vmem>>, vector<128x128xf32>
    %get3A_5 = arith.constant 0 : index
    %get3A_6 = arith.constant 0 : index
    %get3A_7 = vector.load %arg1[%get3A_5, %get3A_6] : memref<32x4096xf32, #tpu.memory_space<vmem>>, vector<32x4096xf32>
    %reshape3A = vector.shape_cast %get3A_7 : vector<32x4096xf32> to vector<32x32x128xf32>
    %get3A_8 = arith.constant 0 : index
    %get3A_9 = arith.constant 0 : index
    %get3A_10 = vector.load %arg2[%get3A_8, %get3A_9] : memref<32x4096xi32, #tpu.memory_space<vmem>>, vector<32x4096xi32>
    %reshape3A_11 = vector.shape_cast %get3A_10 : vector<32x4096xi32> to vector<32x32x128xi32>
    %slice3A = vector.extract_strided_slice %reshape3A {offsets = [0, 0, 0], sizes = [1, 32, 128], strides = [1, 1, 1]} : vector<32x32x128xf32> to vector<1x32x128xf32>
    %squeeze3A = vector.shape_cast %slice3A : vector<1x32x128xf32> to vector<32x128xf32>
    %slice3A_12 = vector.extract_strided_slice %reshape3A_11 {offsets = [0, 0, 0], sizes = [1, 32, 128], strides = [1, 1, 1]} : vector<32x32x128xi32> to vector<1x32x128xi32>
    %squeeze3A_13 = vector.shape_cast %slice3A_12 : vector<1x32x128xi32> to vector<32x128xi32>
    %convert_element_type3A = arith.sitofp %squeeze3A_13 : vector<32x128xi32> to vector<32x128xf32>
    %max3A = arith.constant 1.000000e-30 : f32
    %max3A_14 = vector.broadcast %max3A : f32 to vector<32x128xf32>
    %max3A_15 = arith.maximumf %squeeze3A, %max3A_14 : vector<32x128xf32>
    %log3A = math.log %max3A_15 : vector<32x128xf32>
    %mul3A = arith.mulf %convert_element_type3A, %log3A : vector<32x128xf32>
    %slice3A_16 = vector.extract_strided_slice %reshape3A {offsets = [1, 0, 0], sizes = [1, 32, 128], strides = [1, 1, 1]} : vector<32x32x128xf32> to vector<1x32x128xf32>
    %squeeze3A_17 = vector.shape_cast %slice3A_16 : vector<1x32x128xf32> to vector<32x128xf32>
    %slice3A_18 = vector.extract_strided_slice %reshape3A_11 {offsets = [1, 0, 0], sizes = [1, 32, 128], strides = [1, 1, 1]} : vector<32x32x128xi32> to vector<1x32x128xi32>
    %squeeze3A_19 = vector.shape_cast %slice3A_18 : vector<1x32x128xi32> to vector<32x128xi32>
    %convert_element_type3A_20 = arith.sitofp %squeeze3A_19 : vector<32x128xi32> to vector<32x128xf32>
    %max3A_21 = arith.constant 1.000000e-30 : f32
    %max3A_22 = vector.broadcast %max3A_21 : f32 to vector<32x128xf32>
    %max3A_23 = arith.maximumf %squeeze3A_17, %max3A_22 : vector<32x128xf32>
    %log3A_24 = math.log %max3A_23 : vector<32x128xf32>
    %mul3A_25 = arith.mulf %convert_element_type3A_20, %log3A_24 : vector<32x128xf32>
    %slice3A_26 = vector.extract_strided_slice %reshape3A {offsets = [2, 0, 0], sizes = [1, 32, 128], strides = [1, 1, 1]} : vector<32x32x128xf32> to vector<1x32x128xf32>
    %squeeze3A_27 = vector.shape_cast %slice3A_26 : vector<1x32x128xf32> to vector<32x128xf32>
    %slice3A_28 = vector.extract_strided_slice %reshape3A_11 {offsets = [2, 0, 0], sizes = [1, 32, 128], strides = [1, 1, 1]} : vector<32x32x128xi32> to vector<1x32x128xi32>
    %squeeze3A_29 = vector.shape_cast %slice3A_28 : vector<1x32x128xi32> to vector<32x128xi32>
    %convert_element_type3A_30 = arith.sitofp %squeeze3A_29 : vector<32x128xi32> to vector<32x128xf32>
    %max3A_31 = arith.constant 1.000000e-30 : f32
    %max3A_32 = vector.broadcast %max3A_31 : f32 to vector<32x128xf32>
    %max3A_33 = arith.maximumf %squeeze3A_27, %max3A_32 : vector<32x128xf32>
    %log3A_34 = math.log %max3A_33 : vector<32x128xf32>
    %mul3A_35 = arith.mulf %convert_element_type3A_30, %log3A_34 : vector<32x128xf32>
    %slice3A_36 = vector.extract_strided_slice %reshape3A {offsets = [3, 0, 0], sizes = [1, 32, 128], strides = [1, 1, 1]} : vector<32x32x128xf32> to vector<1x32x128xf32>
    %squeeze3A_37 = vector.shape_cast %slice3A_36 : vector<1x32x128xf32> to vector<32x128xf32>
    %slice3A_38 = vector.extract_strided_slice %reshape3A_11 {offsets = [3, 0, 0], sizes = [1, 32, 128], strides = [1, 1, 1]} : vector<32x32x128xi32> to vector<1x32x128xi32>
    %squeeze3A_39 = vector.shape_cast %slice3A_38 : vector<1x32x128xi32> to vector<32x128xi32>
    %convert_element_type3A_40 = arith.sitofp %squeeze3A_39 : vector<32x128xi32> to vector<32x128xf32>
    %max3A_41 = arith.constant 1.000000e-30 : f32
    %max3A_42 = vector.broadcast %max3A_41 : f32 to vector<32x128xf32>
    %max3A_43 = arith.maximumf %squeeze3A_37, %max3A_42 : vector<32x128xf32>
    %log3A_44 = math.log %max3A_43 : vector<32x128xf32>
    %mul3A_45 = arith.mulf %convert_element_type3A_40, %log3A_44 : vector<32x128xf32>
    %slice3A_46 = vector.extract_strided_slice %reshape3A {offsets = [4, 0, 0], sizes = [1, 32, 128], strides = [1, 1, 1]} : vector<32x32x128xf32> to vector<1x32x128xf32>
    %squeeze3A_47 = vector.shape_cast %slice3A_46 : vector<1x32x128xf32> to vector<32x128xf32>
    %slice3A_48 = vector.extract_strided_slice %reshape3A_11 {offsets = [4, 0, 0], sizes = [1, 32, 128], strides = [1, 1, 1]} : vector<32x32x128xi32> to vector<1x32x128xi32>
    %squeeze3A_49 = vector.shape_cast %slice3A_48 : vector<1x32x128xi32> to vector<32x128xi32>
    %convert_element_type3A_50 = arith.sitofp %squeeze3A_49 : vector<32x128xi32> to vector<32x128xf32>
    %max3A_51 = arith.constant 1.000000e-30 : f32
    %max3A_52 = vector.broadcast %max3A_51 : f32 to vector<32x128xf32>
    %max3A_53 = arith.maximumf %squeeze3A_47, %max3A_52 : vector<32x128xf32>
    %log3A_54 = math.log %max3A_53 : vector<32x128xf32>
    %mul3A_55 = arith.mulf %convert_element_type3A_50, %log3A_54 : vector<32x128xf32>
    %slice3A_56 = vector.extract_strided_slice %reshape3A {offsets = [5, 0, 0], sizes = [1, 32, 128], strides = [1, 1, 1]} : vector<32x32x128xf32> to vector<1x32x128xf32>
    %squeeze3A_57 = vector.shape_cast %slice3A_56 : vector<1x32x128xf32> to vector<32x128xf32>
    %slice3A_58 = vector.extract_strided_slice %reshape3A_11 {offsets = [5, 0, 0], sizes = [1, 32, 128], strides = [1, 1, 1]} : vector<32x32x128xi32> to vector<1x32x128xi32>
    %squeeze3A_59 = vector.shape_cast %slice3A_58 : vector<1x32x128xi32> to vector<32x128xi32>
    %convert_element_type3A_60 = arith.sitofp %squeeze3A_59 : vector<32x128xi32> to vector<32x128xf32>
    %max3A_61 = arith.constant 1.000000e-30 : f32
    %max3A_62 = vector.broadcast %max3A_61 : f32 to vector<32x128xf32>
    %max3A_63 = arith.maximumf %squeeze3A_57, %max3A_62 : vector<32x128xf32>
    %log3A_64 = math.log %max3A_63 : vector<32x128xf32>
    %mul3A_65 = arith.mulf %convert_element_type3A_60, %log3A_64 : vector<32x128xf32>
    %slice3A_66 = vector.extract_strided_slice %reshape3A {offsets = [6, 0, 0], sizes = [1, 32, 128], strides = [1, 1, 1]} : vector<32x32x128xf32> to vector<1x32x128xf32>
    %squeeze3A_67 = vector.shape_cast %slice3A_66 : vector<1x32x128xf32> to vector<32x128xf32>
    %slice3A_68 = vector.extract_strided_slice %reshape3A_11 {offsets = [6, 0, 0], sizes = [1, 32, 128], strides = [1, 1, 1]} : vector<32x32x128xi32> to vector<1x32x128xi32>
    %squeeze3A_69 = vector.shape_cast %slice3A_68 : vector<1x32x128xi32> to vector<32x128xi32>
    %convert_element_type3A_70 = arith.sitofp %squeeze3A_69 : vector<32x128xi32> to vector<32x128xf32>
    %max3A_71 = arith.constant 1.000000e-30 : f32
    %max3A_72 = vector.broadcast %max3A_71 : f32 to vector<32x128xf32>
    %max3A_73 = arith.maximumf %squeeze3A_67, %max3A_72 : vector<32x128xf32>
    %log3A_74 = math.log %max3A_73 : vector<32x128xf32>
    %mul3A_75 = arith.mulf %convert_element_type3A_70, %log3A_74 : vector<32x128xf32>
    %slice3A_76 = vector.extract_strided_slice %reshape3A {offsets = [7, 0, 0], sizes = [1, 32, 128], strides = [1, 1, 1]} : vector<32x32x128xf32> to vector<1x32x128xf32>
    %squeeze3A_77 = vector.shape_cast %slice3A_76 : vector<1x32x128xf32> to vector<32x128xf32>
    %slice3A_78 = vector.extract_strided_slice %reshape3A_11 {offsets = [7, 0, 0], sizes = [1, 32, 128], strides = [1, 1, 1]} : vector<32x32x128xi32> to vector<1x32x128xi32>
    %squeeze3A_79 = vector.shape_cast %slice3A_78 : vector<1x32x128xi32> to vector<32x128xi32>
    %convert_element_type3A_80 = arith.sitofp %squeeze3A_79 : vector<32x128xi32> to vector<32x128xf32>
    %max3A_81 = arith.constant 1.000000e-30 : f32
    %max3A_82 = vector.broadcast %max3A_81 : f32 to vector<32x128xf32>
    %max3A_83 = arith.maximumf %squeeze3A_77, %max3A_82 : vector<32x128xf32>
    %log3A_84 = math.log %max3A_83 : vector<32x128xf32>
    %mul3A_85 = arith.mulf %convert_element_type3A_80, %log3A_84 : vector<32x128xf32>
    %slice3A_86 = vector.extract_strided_slice %reshape3A {offsets = [8, 0, 0], sizes = [1, 32, 128], strides = [1, 1, 1]} : vector<32x32x128xf32> to vector<1x32x128xf32>
    %squeeze3A_87 = vector.shape_cast %slice3A_86 : vector<1x32x128xf32> to vector<32x128xf32>
    %slice3A_88 = vector.extract_strided_slice %reshape3A_11 {offsets = [8, 0, 0], sizes = [1, 32, 128], strides = [1, 1, 1]} : vector<32x32x128xi32> to vector<1x32x128xi32>
    %squeeze3A_89 = vector.shape_cast %slice3A_88 : vector<1x32x128xi32> to vector<32x128xi32>
    %convert_element_type3A_90 = arith.sitofp %squeeze3A_89 : vector<32x128xi32> to vector<32x128xf32>
    %max3A_91 = arith.constant 1.000000e-30 : f32
    %max3A_92 = vector.broadcast %max3A_91 : f32 to vector<32x128xf32>
    %max3A_93 = arith.maximumf %squeeze3A_87, %max3A_92 : vector<32x128xf32>
    %log3A_94 = math.log %max3A_93 : vector<32x128xf32>
    %mul3A_95 = arith.mulf %convert_element_type3A_90, %log3A_94 : vector<32x128xf32>
    %slice3A_96 = vector.extract_strided_slice %reshape3A {offsets = [9, 0, 0], sizes = [1, 32, 128], strides = [1, 1, 1]} : vector<32x32x128xf32> to vector<1x32x128xf32>
    %squeeze3A_97 = vector.shape_cast %slice3A_96 : vector<1x32x128xf32> to vector<32x128xf32>
    %slice3A_98 = vector.extract_strided_slice %reshape3A_11 {offsets = [9, 0, 0], sizes = [1, 32, 128], strides = [1, 1, 1]} : vector<32x32x128xi32> to vector<1x32x128xi32>
    %squeeze3A_99 = vector.shape_cast %slice3A_98 : vector<1x32x128xi32> to vector<32x128xi32>
    %convert_element_type3A_100 = arith.sitofp %squeeze3A_99 : vector<32x128xi32> to vector<32x128xf32>
    %max3A_101 = arith.constant 1.000000e-30 : f32
    %max3A_102 = vector.broadcast %max3A_101 : f32 to vector<32x128xf32>
    %max3A_103 = arith.maximumf %squeeze3A_97, %max3A_102 : vector<32x128xf32>
    %log3A_104 = math.log %max3A_103 : vector<32x128xf32>
    %mul3A_105 = arith.mulf %convert_element_type3A_100, %log3A_104 : vector<32x128xf32>
    %slice3A_106 = vector.extract_strided_slice %reshape3A {offsets = [10, 0, 0], sizes = [1, 32, 128], strides = [1, 1, 1]} : vector<32x32x128xf32> to vector<1x32x128xf32>
    %squeeze3A_107 = vector.shape_cast %slice3A_106 : vector<1x32x128xf32> to vector<32x128xf32>
    %slice3A_108 = vector.extract_strided_slice %reshape3A_11 {offsets = [10, 0, 0], sizes = [1, 32, 128], strides = [1, 1, 1]} : vector<32x32x128xi32> to vector<1x32x128xi32>
    %squeeze3A_109 = vector.shape_cast %slice3A_108 : vector<1x32x128xi32> to vector<32x128xi32>
    %convert_element_type3A_110 = arith.sitofp %squeeze3A_109 : vector<32x128xi32> to vector<32x128xf32>
    %max3A_111 = arith.constant 1.000000e-30 : f32
    %max3A_112 = vector.broadcast %max3A_111 : f32 to vector<32x128xf32>
    %max3A_113 = arith.maximumf %squeeze3A_107, %max3A_112 : vector<32x128xf32>
    %log3A_114 = math.log %max3A_113 : vector<32x128xf32>
    %mul3A_115 = arith.mulf %convert_element_type3A_110, %log3A_114 : vector<32x128xf32>
    %slice3A_116 = vector.extract_strided_slice %reshape3A {offsets = [11, 0, 0], sizes = [1, 32, 128], strides = [1, 1, 1]} : vector<32x32x128xf32> to vector<1x32x128xf32>
    %squeeze3A_117 = vector.shape_cast %slice3A_116 : vector<1x32x128xf32> to vector<32x128xf32>
    %slice3A_118 = vector.extract_strided_slice %reshape3A_11 {offsets = [11, 0, 0], sizes = [1, 32, 128], strides = [1, 1, 1]} : vector<32x32x128xi32> to vector<1x32x128xi32>
    %squeeze3A_119 = vector.shape_cast %slice3A_118 : vector<1x32x128xi32> to vector<32x128xi32>
    %convert_element_type3A_120 = arith.sitofp %squeeze3A_119 : vector<32x128xi32> to vector<32x128xf32>
    %max3A_121 = arith.constant 1.000000e-30 : f32
    %max3A_122 = vector.broadcast %max3A_121 : f32 to vector<32x128xf32>
    %max3A_123 = arith.maximumf %squeeze3A_117, %max3A_122 : vector<32x128xf32>
    %log3A_124 = math.log %max3A_123 : vector<32x128xf32>
    %mul3A_125 = arith.mulf %convert_element_type3A_120, %log3A_124 : vector<32x128xf32>
    %slice3A_126 = vector.extract_strided_slice %reshape3A {offsets = [12, 0, 0], sizes = [1, 32, 128], strides = [1, 1, 1]} : vector<32x32x128xf32> to vector<1x32x128xf32>
    %squeeze3A_127 = vector.shape_cast %slice3A_126 : vector<1x32x128xf32> to vector<32x128xf32>
    %slice3A_128 = vector.extract_strided_slice %reshape3A_11 {offsets = [12, 0, 0], sizes = [1, 32, 128], strides = [1, 1, 1]} : vector<32x32x128xi32> to vector<1x32x128xi32>
    %squeeze3A_129 = vector.shape_cast %slice3A_128 : vector<1x32x128xi32> to vector<32x128xi32>
    %convert_element_type3A_130 = arith.sitofp %squeeze3A_129 : vector<32x128xi32> to vector<32x128xf32>
    %max3A_131 = arith.constant 1.000000e-30 : f32
    %max3A_132 = vector.broadcast %max3A_131 : f32 to vector<32x128xf32>
    %max3A_133 = arith.maximumf %squeeze3A_127, %max3A_132 : vector<32x128xf32>
    %log3A_134 = math.log %max3A_133 : vector<32x128xf32>
    %mul3A_135 = arith.mulf %convert_element_type3A_130, %log3A_134 : vector<32x128xf32>
    %slice3A_136 = vector.extract_strided_slice %reshape3A {offsets = [13, 0, 0], sizes = [1, 32, 128], strides = [1, 1, 1]} : vector<32x32x128xf32> to vector<1x32x128xf32>
    %squeeze3A_137 = vector.shape_cast %slice3A_136 : vector<1x32x128xf32> to vector<32x128xf32>
    %slice3A_138 = vector.extract_strided_slice %reshape3A_11 {offsets = [13, 0, 0], sizes = [1, 32, 128], strides = [1, 1, 1]} : vector<32x32x128xi32> to vector<1x32x128xi32>
    %squeeze3A_139 = vector.shape_cast %slice3A_138 : vector<1x32x128xi32> to vector<32x128xi32>
    %convert_element_type3A_140 = arith.sitofp %squeeze3A_139 : vector<32x128xi32> to vector<32x128xf32>
    %max3A_141 = arith.constant 1.000000e-30 : f32
    %max3A_142 = vector.broadcast %max3A_141 : f32 to vector<32x128xf32>
    %max3A_143 = arith.maximumf %squeeze3A_137, %max3A_142 : vector<32x128xf32>
    %log3A_144 = math.log %max3A_143 : vector<32x128xf32>
    %mul3A_145 = arith.mulf %convert_element_type3A_140, %log3A_144 : vector<32x128xf32>
    %slice3A_146 = vector.extract_strided_slice %reshape3A {offsets = [14, 0, 0], sizes = [1, 32, 128], strides = [1, 1, 1]} : vector<32x32x128xf32> to vector<1x32x128xf32>
    %squeeze3A_147 = vector.shape_cast %slice3A_146 : vector<1x32x128xf32> to vector<32x128xf32>
    %slice3A_148 = vector.extract_strided_slice %reshape3A_11 {offsets = [14, 0, 0], sizes = [1, 32, 128], strides = [1, 1, 1]} : vector<32x32x128xi32> to vector<1x32x128xi32>
    %squeeze3A_149 = vector.shape_cast %slice3A_148 : vector<1x32x128xi32> to vector<32x128xi32>
    %convert_element_type3A_150 = arith.sitofp %squeeze3A_149 : vector<32x128xi32> to vector<32x128xf32>
    %max3A_151 = arith.constant 1.000000e-30 : f32
    %max3A_152 = vector.broadcast %max3A_151 : f32 to vector<32x128xf32>
    %max3A_153 = arith.maximumf %squeeze3A_147, %max3A_152 : vector<32x128xf32>
    %log3A_154 = math.log %max3A_153 : vector<32x128xf32>
    %mul3A_155 = arith.mulf %convert_element_type3A_150, %log3A_154 : vector<32x128xf32>
    %slice3A_156 = vector.extract_strided_slice %reshape3A {offsets = [15, 0, 0], sizes = [1, 32, 128], strides = [1, 1, 1]} : vector<32x32x128xf32> to vector<1x32x128xf32>
    %squeeze3A_157 = vector.shape_cast %slice3A_156 : vector<1x32x128xf32> to vector<32x128xf32>
    %slice3A_158 = vector.extract_strided_slice %reshape3A_11 {offsets = [15, 0, 0], sizes = [1, 32, 128], strides = [1, 1, 1]} : vector<32x32x128xi32> to vector<1x32x128xi32>
    %squeeze3A_159 = vector.shape_cast %slice3A_158 : vector<1x32x128xi32> to vector<32x128xi32>
    %convert_element_type3A_160 = arith.sitofp %squeeze3A_159 : vector<32x128xi32> to vector<32x128xf32>
    %max3A_161 = arith.constant 1.000000e-30 : f32
    %max3A_162 = vector.broadcast %max3A_161 : f32 to vector<32x128xf32>
    %max3A_163 = arith.maximumf %squeeze3A_157, %max3A_162 : vector<32x128xf32>
    %log3A_164 = math.log %max3A_163 : vector<32x128xf32>
    %mul3A_165 = arith.mulf %convert_element_type3A_160, %log3A_164 : vector<32x128xf32>
    %slice3A_166 = vector.extract_strided_slice %reshape3A {offsets = [16, 0, 0], sizes = [1, 32, 128], strides = [1, 1, 1]} : vector<32x32x128xf32> to vector<1x32x128xf32>
    %squeeze3A_167 = vector.shape_cast %slice3A_166 : vector<1x32x128xf32> to vector<32x128xf32>
    %slice3A_168 = vector.extract_strided_slice %reshape3A_11 {offsets = [16, 0, 0], sizes = [1, 32, 128], strides = [1, 1, 1]} : vector<32x32x128xi32> to vector<1x32x128xi32>
    %squeeze3A_169 = vector.shape_cast %slice3A_168 : vector<1x32x128xi32> to vector<32x128xi32>
    %convert_element_type3A_170 = arith.sitofp %squeeze3A_169 : vector<32x128xi32> to vector<32x128xf32>
    %max3A_171 = arith.constant 1.000000e-30 : f32
    %max3A_172 = vector.broadcast %max3A_171 : f32 to vector<32x128xf32>
    %max3A_173 = arith.maximumf %squeeze3A_167, %max3A_172 : vector<32x128xf32>
    %log3A_174 = math.log %max3A_173 : vector<32x128xf32>
    %mul3A_175 = arith.mulf %convert_element_type3A_170, %log3A_174 : vector<32x128xf32>
    %slice3A_176 = vector.extract_strided_slice %reshape3A {offsets = [17, 0, 0], sizes = [1, 32, 128], strides = [1, 1, 1]} : vector<32x32x128xf32> to vector<1x32x128xf32>
    %squeeze3A_177 = vector.shape_cast %slice3A_176 : vector<1x32x128xf32> to vector<32x128xf32>
    %slice3A_178 = vector.extract_strided_slice %reshape3A_11 {offsets = [17, 0, 0], sizes = [1, 32, 128], strides = [1, 1, 1]} : vector<32x32x128xi32> to vector<1x32x128xi32>
    %squeeze3A_179 = vector.shape_cast %slice3A_178 : vector<1x32x128xi32> to vector<32x128xi32>
    %convert_element_type3A_180 = arith.sitofp %squeeze3A_179 : vector<32x128xi32> to vector<32x128xf32>
    %max3A_181 = arith.constant 1.000000e-30 : f32
    %max3A_182 = vector.broadcast %max3A_181 : f32 to vector<32x128xf32>
    %max3A_183 = arith.maximumf %squeeze3A_177, %max3A_182 : vector<32x128xf32>
    %log3A_184 = math.log %max3A_183 : vector<32x128xf32>
    %mul3A_185 = arith.mulf %convert_element_type3A_180, %log3A_184 : vector<32x128xf32>
    %slice3A_186 = vector.extract_strided_slice %reshape3A {offsets = [18, 0, 0], sizes = [1, 32, 128], strides = [1, 1, 1]} : vector<32x32x128xf32> to vector<1x32x128xf32>
    %squeeze3A_187 = vector.shape_cast %slice3A_186 : vector<1x32x128xf32> to vector<32x128xf32>
    %slice3A_188 = vector.extract_strided_slice %reshape3A_11 {offsets = [18, 0, 0], sizes = [1, 32, 128], strides = [1, 1, 1]} : vector<32x32x128xi32> to vector<1x32x128xi32>
    %squeeze3A_189 = vector.shape_cast %slice3A_188 : vector<1x32x128xi32> to vector<32x128xi32>
    %convert_element_type3A_190 = arith.sitofp %squeeze3A_189 : vector<32x128xi32> to vector<32x128xf32>
    %max3A_191 = arith.constant 1.000000e-30 : f32
    %max3A_192 = vector.broadcast %max3A_191 : f32 to vector<32x128xf32>
    %max3A_193 = arith.maximumf %squeeze3A_187, %max3A_192 : vector<32x128xf32>
    %log3A_194 = math.log %max3A_193 : vector<32x128xf32>
    %mul3A_195 = arith.mulf %convert_element_type3A_190, %log3A_194 : vector<32x128xf32>
    %slice3A_196 = vector.extract_strided_slice %reshape3A {offsets = [19, 0, 0], sizes = [1, 32, 128], strides = [1, 1, 1]} : vector<32x32x128xf32> to vector<1x32x128xf32>
    %squeeze3A_197 = vector.shape_cast %slice3A_196 : vector<1x32x128xf32> to vector<32x128xf32>
    %slice3A_198 = vector.extract_strided_slice %reshape3A_11 {offsets = [19, 0, 0], sizes = [1, 32, 128], strides = [1, 1, 1]} : vector<32x32x128xi32> to vector<1x32x128xi32>
    %squeeze3A_199 = vector.shape_cast %slice3A_198 : vector<1x32x128xi32> to vector<32x128xi32>
    %convert_element_type3A_200 = arith.sitofp %squeeze3A_199 : vector<32x128xi32> to vector<32x128xf32>
    %max3A_201 = arith.constant 1.000000e-30 : f32
    %max3A_202 = vector.broadcast %max3A_201 : f32 to vector<32x128xf32>
    %max3A_203 = arith.maximumf %squeeze3A_197, %max3A_202 : vector<32x128xf32>
    %log3A_204 = math.log %max3A_203 : vector<32x128xf32>
    %mul3A_205 = arith.mulf %convert_element_type3A_200, %log3A_204 : vector<32x128xf32>
    %slice3A_206 = vector.extract_strided_slice %reshape3A {offsets = [20, 0, 0], sizes = [1, 32, 128], strides = [1, 1, 1]} : vector<32x32x128xf32> to vector<1x32x128xf32>
    %squeeze3A_207 = vector.shape_cast %slice3A_206 : vector<1x32x128xf32> to vector<32x128xf32>
    %slice3A_208 = vector.extract_strided_slice %reshape3A_11 {offsets = [20, 0, 0], sizes = [1, 32, 128], strides = [1, 1, 1]} : vector<32x32x128xi32> to vector<1x32x128xi32>
    %squeeze3A_209 = vector.shape_cast %slice3A_208 : vector<1x32x128xi32> to vector<32x128xi32>
    %convert_element_type3A_210 = arith.sitofp %squeeze3A_209 : vector<32x128xi32> to vector<32x128xf32>
    %max3A_211 = arith.constant 1.000000e-30 : f32
    %max3A_212 = vector.broadcast %max3A_211 : f32 to vector<32x128xf32>
    %max3A_213 = arith.maximumf %squeeze3A_207, %max3A_212 : vector<32x128xf32>
    %log3A_214 = math.log %max3A_213 : vector<32x128xf32>
    %mul3A_215 = arith.mulf %convert_element_type3A_210, %log3A_214 : vector<32x128xf32>
    %slice3A_216 = vector.extract_strided_slice %reshape3A {offsets = [21, 0, 0], sizes = [1, 32, 128], strides = [1, 1, 1]} : vector<32x32x128xf32> to vector<1x32x128xf32>
    %squeeze3A_217 = vector.shape_cast %slice3A_216 : vector<1x32x128xf32> to vector<32x128xf32>
    %slice3A_218 = vector.extract_strided_slice %reshape3A_11 {offsets = [21, 0, 0], sizes = [1, 32, 128], strides = [1, 1, 1]} : vector<32x32x128xi32> to vector<1x32x128xi32>
    %squeeze3A_219 = vector.shape_cast %slice3A_218 : vector<1x32x128xi32> to vector<32x128xi32>
    %convert_element_type3A_220 = arith.sitofp %squeeze3A_219 : vector<32x128xi32> to vector<32x128xf32>
    %max3A_221 = arith.constant 1.000000e-30 : f32
    %max3A_222 = vector.broadcast %max3A_221 : f32 to vector<32x128xf32>
    %max3A_223 = arith.maximumf %squeeze3A_217, %max3A_222 : vector<32x128xf32>
    %log3A_224 = math.log %max3A_223 : vector<32x128xf32>
    %mul3A_225 = arith.mulf %convert_element_type3A_220, %log3A_224 : vector<32x128xf32>
    %slice3A_226 = vector.extract_strided_slice %reshape3A {offsets = [22, 0, 0], sizes = [1, 32, 128], strides = [1, 1, 1]} : vector<32x32x128xf32> to vector<1x32x128xf32>
    %squeeze3A_227 = vector.shape_cast %slice3A_226 : vector<1x32x128xf32> to vector<32x128xf32>
    %slice3A_228 = vector.extract_strided_slice %reshape3A_11 {offsets = [22, 0, 0], sizes = [1, 32, 128], strides = [1, 1, 1]} : vector<32x32x128xi32> to vector<1x32x128xi32>
    %squeeze3A_229 = vector.shape_cast %slice3A_228 : vector<1x32x128xi32> to vector<32x128xi32>
    %convert_element_type3A_230 = arith.sitofp %squeeze3A_229 : vector<32x128xi32> to vector<32x128xf32>
    %max3A_231 = arith.constant 1.000000e-30 : f32
    %max3A_232 = vector.broadcast %max3A_231 : f32 to vector<32x128xf32>
    %max3A_233 = arith.maximumf %squeeze3A_227, %max3A_232 : vector<32x128xf32>
    %log3A_234 = math.log %max3A_233 : vector<32x128xf32>
    %mul3A_235 = arith.mulf %convert_element_type3A_230, %log3A_234 : vector<32x128xf32>
    %slice3A_236 = vector.extract_strided_slice %reshape3A {offsets = [23, 0, 0], sizes = [1, 32, 128], strides = [1, 1, 1]} : vector<32x32x128xf32> to vector<1x32x128xf32>
    %squeeze3A_237 = vector.shape_cast %slice3A_236 : vector<1x32x128xf32> to vector<32x128xf32>
    %slice3A_238 = vector.extract_strided_slice %reshape3A_11 {offsets = [23, 0, 0], sizes = [1, 32, 128], strides = [1, 1, 1]} : vector<32x32x128xi32> to vector<1x32x128xi32>
    %squeeze3A_239 = vector.shape_cast %slice3A_238 : vector<1x32x128xi32> to vector<32x128xi32>
    %convert_element_type3A_240 = arith.sitofp %squeeze3A_239 : vector<32x128xi32> to vector<32x128xf32>
    %max3A_241 = arith.constant 1.000000e-30 : f32
    %max3A_242 = vector.broadcast %max3A_241 : f32 to vector<32x128xf32>
    %max3A_243 = arith.maximumf %squeeze3A_237, %max3A_242 : vector<32x128xf32>
    %log3A_244 = math.log %max3A_243 : vector<32x128xf32>
    %mul3A_245 = arith.mulf %convert_element_type3A_240, %log3A_244 : vector<32x128xf32>
    %slice3A_246 = vector.extract_strided_slice %reshape3A {offsets = [24, 0, 0], sizes = [1, 32, 128], strides = [1, 1, 1]} : vector<32x32x128xf32> to vector<1x32x128xf32>
    %squeeze3A_247 = vector.shape_cast %slice3A_246 : vector<1x32x128xf32> to vector<32x128xf32>
    %slice3A_248 = vector.extract_strided_slice %reshape3A_11 {offsets = [24, 0, 0], sizes = [1, 32, 128], strides = [1, 1, 1]} : vector<32x32x128xi32> to vector<1x32x128xi32>
    %squeeze3A_249 = vector.shape_cast %slice3A_248 : vector<1x32x128xi32> to vector<32x128xi32>
    %convert_element_type3A_250 = arith.sitofp %squeeze3A_249 : vector<32x128xi32> to vector<32x128xf32>
    %max3A_251 = arith.constant 1.000000e-30 : f32
    %max3A_252 = vector.broadcast %max3A_251 : f32 to vector<32x128xf32>
    %max3A_253 = arith.maximumf %squeeze3A_247, %max3A_252 : vector<32x128xf32>
    %log3A_254 = math.log %max3A_253 : vector<32x128xf32>
    %mul3A_255 = arith.mulf %convert_element_type3A_250, %log3A_254 : vector<32x128xf32>
    %slice3A_256 = vector.extract_strided_slice %reshape3A {offsets = [25, 0, 0], sizes = [1, 32, 128], strides = [1, 1, 1]} : vector<32x32x128xf32> to vector<1x32x128xf32>
    %squeeze3A_257 = vector.shape_cast %slice3A_256 : vector<1x32x128xf32> to vector<32x128xf32>
    %slice3A_258 = vector.extract_strided_slice %reshape3A_11 {offsets = [25, 0, 0], sizes = [1, 32, 128], strides = [1, 1, 1]} : vector<32x32x128xi32> to vector<1x32x128xi32>
    %squeeze3A_259 = vector.shape_cast %slice3A_258 : vector<1x32x128xi32> to vector<32x128xi32>
    %convert_element_type3A_260 = arith.sitofp %squeeze3A_259 : vector<32x128xi32> to vector<32x128xf32>
    %max3A_261 = arith.constant 1.000000e-30 : f32
    %max3A_262 = vector.broadcast %max3A_261 : f32 to vector<32x128xf32>
    %max3A_263 = arith.maximumf %squeeze3A_257, %max3A_262 : vector<32x128xf32>
    %log3A_264 = math.log %max3A_263 : vector<32x128xf32>
    %mul3A_265 = arith.mulf %convert_element_type3A_260, %log3A_264 : vector<32x128xf32>
    %slice3A_266 = vector.extract_strided_slice %reshape3A {offsets = [26, 0, 0], sizes = [1, 32, 128], strides = [1, 1, 1]} : vector<32x32x128xf32> to vector<1x32x128xf32>
    %squeeze3A_267 = vector.shape_cast %slice3A_266 : vector<1x32x128xf32> to vector<32x128xf32>
    %slice3A_268 = vector.extract_strided_slice %reshape3A_11 {offsets = [26, 0, 0], sizes = [1, 32, 128], strides = [1, 1, 1]} : vector<32x32x128xi32> to vector<1x32x128xi32>
    %squeeze3A_269 = vector.shape_cast %slice3A_268 : vector<1x32x128xi32> to vector<32x128xi32>
    %convert_element_type3A_270 = arith.sitofp %squeeze3A_269 : vector<32x128xi32> to vector<32x128xf32>
    %max3A_271 = arith.constant 1.000000e-30 : f32
    %max3A_272 = vector.broadcast %max3A_271 : f32 to vector<32x128xf32>
    %max3A_273 = arith.maximumf %squeeze3A_267, %max3A_272 : vector<32x128xf32>
    %log3A_274 = math.log %max3A_273 : vector<32x128xf32>
    %mul3A_275 = arith.mulf %convert_element_type3A_270, %log3A_274 : vector<32x128xf32>
    %slice3A_276 = vector.extract_strided_slice %reshape3A {offsets = [27, 0, 0], sizes = [1, 32, 128], strides = [1, 1, 1]} : vector<32x32x128xf32> to vector<1x32x128xf32>
    %squeeze3A_277 = vector.shape_cast %slice3A_276 : vector<1x32x128xf32> to vector<32x128xf32>
    %slice3A_278 = vector.extract_strided_slice %reshape3A_11 {offsets = [27, 0, 0], sizes = [1, 32, 128], strides = [1, 1, 1]} : vector<32x32x128xi32> to vector<1x32x128xi32>
    %squeeze3A_279 = vector.shape_cast %slice3A_278 : vector<1x32x128xi32> to vector<32x128xi32>
    %convert_element_type3A_280 = arith.sitofp %squeeze3A_279 : vector<32x128xi32> to vector<32x128xf32>
    %max3A_281 = arith.constant 1.000000e-30 : f32
    %max3A_282 = vector.broadcast %max3A_281 : f32 to vector<32x128xf32>
    %max3A_283 = arith.maximumf %squeeze3A_277, %max3A_282 : vector<32x128xf32>
    %log3A_284 = math.log %max3A_283 : vector<32x128xf32>
    %mul3A_285 = arith.mulf %convert_element_type3A_280, %log3A_284 : vector<32x128xf32>
    %slice3A_286 = vector.extract_strided_slice %reshape3A {offsets = [28, 0, 0], sizes = [1, 32, 128], strides = [1, 1, 1]} : vector<32x32x128xf32> to vector<1x32x128xf32>
    %squeeze3A_287 = vector.shape_cast %slice3A_286 : vector<1x32x128xf32> to vector<32x128xf32>
    %slice3A_288 = vector.extract_strided_slice %reshape3A_11 {offsets = [28, 0, 0], sizes = [1, 32, 128], strides = [1, 1, 1]} : vector<32x32x128xi32> to vector<1x32x128xi32>
    %squeeze3A_289 = vector.shape_cast %slice3A_288 : vector<1x32x128xi32> to vector<32x128xi32>
    %convert_element_type3A_290 = arith.sitofp %squeeze3A_289 : vector<32x128xi32> to vector<32x128xf32>
    %max3A_291 = arith.constant 1.000000e-30 : f32
    %max3A_292 = vector.broadcast %max3A_291 : f32 to vector<32x128xf32>
    %max3A_293 = arith.maximumf %squeeze3A_287, %max3A_292 : vector<32x128xf32>
    %log3A_294 = math.log %max3A_293 : vector<32x128xf32>
    %mul3A_295 = arith.mulf %convert_element_type3A_290, %log3A_294 : vector<32x128xf32>
    %slice3A_296 = vector.extract_strided_slice %reshape3A {offsets = [29, 0, 0], sizes = [1, 32, 128], strides = [1, 1, 1]} : vector<32x32x128xf32> to vector<1x32x128xf32>
    %squeeze3A_297 = vector.shape_cast %slice3A_296 : vector<1x32x128xf32> to vector<32x128xf32>
    %slice3A_298 = vector.extract_strided_slice %reshape3A_11 {offsets = [29, 0, 0], sizes = [1, 32, 128], strides = [1, 1, 1]} : vector<32x32x128xi32> to vector<1x32x128xi32>
    %squeeze3A_299 = vector.shape_cast %slice3A_298 : vector<1x32x128xi32> to vector<32x128xi32>
    %convert_element_type3A_300 = arith.sitofp %squeeze3A_299 : vector<32x128xi32> to vector<32x128xf32>
    %max3A_301 = arith.constant 1.000000e-30 : f32
    %max3A_302 = vector.broadcast %max3A_301 : f32 to vector<32x128xf32>
    %max3A_303 = arith.maximumf %squeeze3A_297, %max3A_302 : vector<32x128xf32>
    %log3A_304 = math.log %max3A_303 : vector<32x128xf32>
    %mul3A_305 = arith.mulf %convert_element_type3A_300, %log3A_304 : vector<32x128xf32>
    %slice3A_306 = vector.extract_strided_slice %reshape3A {offsets = [30, 0, 0], sizes = [1, 32, 128], strides = [1, 1, 1]} : vector<32x32x128xf32> to vector<1x32x128xf32>
    %squeeze3A_307 = vector.shape_cast %slice3A_306 : vector<1x32x128xf32> to vector<32x128xf32>
    %slice3A_308 = vector.extract_strided_slice %reshape3A_11 {offsets = [30, 0, 0], sizes = [1, 32, 128], strides = [1, 1, 1]} : vector<32x32x128xi32> to vector<1x32x128xi32>
    %squeeze3A_309 = vector.shape_cast %slice3A_308 : vector<1x32x128xi32> to vector<32x128xi32>
    %convert_element_type3A_310 = arith.sitofp %squeeze3A_309 : vector<32x128xi32> to vector<32x128xf32>
    %max3A_311 = arith.constant 1.000000e-30 : f32
    %max3A_312 = vector.broadcast %max3A_311 : f32 to vector<32x128xf32>
    %max3A_313 = arith.maximumf %squeeze3A_307, %max3A_312 : vector<32x128xf32>
    %log3A_314 = math.log %max3A_313 : vector<32x128xf32>
    %mul3A_315 = arith.mulf %convert_element_type3A_310, %log3A_314 : vector<32x128xf32>
    %slice3A_316 = vector.extract_strided_slice %reshape3A {offsets = [31, 0, 0], sizes = [1, 32, 128], strides = [1, 1, 1]} : vector<32x32x128xf32> to vector<1x32x128xf32>
    %squeeze3A_317 = vector.shape_cast %slice3A_316 : vector<1x32x128xf32> to vector<32x128xf32>
    %slice3A_318 = vector.extract_strided_slice %reshape3A_11 {offsets = [31, 0, 0], sizes = [1, 32, 128], strides = [1, 1, 1]} : vector<32x32x128xi32> to vector<1x32x128xi32>
    %squeeze3A_319 = vector.shape_cast %slice3A_318 : vector<1x32x128xi32> to vector<32x128xi32>
    %convert_element_type3A_320 = arith.sitofp %squeeze3A_319 : vector<32x128xi32> to vector<32x128xf32>
    %max3A_321 = arith.constant 1.000000e-30 : f32
    %max3A_322 = vector.broadcast %max3A_321 : f32 to vector<32x128xf32>
    %max3A_323 = arith.maximumf %squeeze3A_317, %max3A_322 : vector<32x128xf32>
    %log3A_324 = math.log %max3A_323 : vector<32x128xf32>
    %mul3A_325 = arith.mulf %convert_element_type3A_320, %log3A_324 : vector<32x128xf32>
    %concatenate3A = tpu.concatenate %max3A_15, %convert_element_type3A, %log3A, %mul3A, %max3A_23, %convert_element_type3A_20, %log3A_24, %mul3A_25, %max3A_33, %convert_element_type3A_30, %log3A_34, %mul3A_35, %max3A_43, %convert_element_type3A_40, %log3A_44, %mul3A_45, %max3A_53, %convert_element_type3A_50, %log3A_54, %mul3A_55, %max3A_63, %convert_element_type3A_60, %log3A_64, %mul3A_65, %max3A_73, %convert_element_type3A_70, %log3A_74, %mul3A_75, %max3A_83, %convert_element_type3A_80, %log3A_84, %mul3A_85, %max3A_93, %convert_element_type3A_90, %log3A_94, %mul3A_95, %max3A_103, %convert_element_type3A_100, %log3A_104, %mul3A_105, %max3A_113, %convert_element_type3A_110, %log3A_114, %mul3A_115, %max3A_123, %convert_element_type3A_120, %log3A_124, %mul3A_125, %max3A_133, %convert_element_type3A_130, %log3A_134, %mul3A_135, %max3A_143, %convert_element_type3A_140, %log3A_144, %mul3A_145, %max3A_153, %convert_element_type3A_150, %log3A_154, %mul3A_155, %max3A_163, %convert_element_type3A_160, %log3A_164, %mul3A_165, %max3A_173, %convert_element_type3A_170, %log3A_174, %mul3A_175, %max3A_183, %convert_element_type3A_180, %log3A_184, %mul3A_185, %max3A_193, %convert_element_type3A_190, %log3A_194, %mul3A_195, %max3A_203, %convert_element_type3A_200, %log3A_204, %mul3A_205, %max3A_213, %convert_element_type3A_210, %log3A_214, %mul3A_215, %max3A_223, %convert_element_type3A_220, %log3A_224, %mul3A_225, %max3A_233, %convert_element_type3A_230, %log3A_234, %mul3A_235, %max3A_243, %convert_element_type3A_240, %log3A_244, %mul3A_245, %max3A_253, %convert_element_type3A_250, %log3A_254, %mul3A_255, %max3A_263, %convert_element_type3A_260, %log3A_264, %mul3A_265, %max3A_273, %convert_element_type3A_270, %log3A_274, %mul3A_275, %max3A_283, %convert_element_type3A_280, %log3A_284, %mul3A_285, %max3A_293, %convert_element_type3A_290, %log3A_294, %mul3A_295, %max3A_303, %convert_element_type3A_300, %log3A_304, %mul3A_305, %max3A_313, %convert_element_type3A_310, %log3A_314, %mul3A_315, %max3A_323, %convert_element_type3A_320, %log3A_324, %mul3A_325 in 0 : vector<32x128xf32>, vector<32x128xf32>, vector<32x128xf32>, vector<32x128xf32>, vector<32x128xf32>, vector<32x128xf32>, vector<32x128xf32>, vector<32x128xf32>, vector<32x128xf32>, vector<32x128xf32>, vector<32x128xf32>, vector<32x128xf32>, vector<32x128xf32>, vector<32x128xf32>, vector<32x128xf32>, vector<32x128xf32>, vector<32x128xf32>, vector<32x128xf32>, vector<32x128xf32>, vector<32x128xf32>, vector<32x128xf32>, vector<32x128xf32>, vector<32x128xf32>, vector<32x128xf32>, vector<32x128xf32>, vector<32x128xf32>, vector<32x128xf32>, vector<32x128xf32>, vector<32x128xf32>, vector<32x128xf32>, vector<32x128xf32>, vector<32x128xf32>, vector<32x128xf32>, vector<32x128xf32>, vector<32x128xf32>, vector<32x128xf32>, vector<32x128xf32>, vector<32x128xf32>, vector<32x128xf32>, vector<32x128xf32>, vector<32x128xf32>, vector<32x128xf32>, vector<32x128xf32>, vector<32x128xf32>, vector<32x128xf32>, vector<32x128xf32>, vector<32x128xf32>, vector<32x128xf32>, vector<32x128xf32>, vector<32x128xf32>, vector<32x128xf32>, vector<32x128xf32>, vector<32x128xf32>, vector<32x128xf32>, vector<32x128xf32>, vector<32x128xf32>, vector<32x128xf32>, vector<32x128xf32>, vector<32x128xf32>, vector<32x128xf32>, vector<32x128xf32>, vector<32x128xf32>, vector<32x128xf32>, vector<32x128xf32>, vector<32x128xf32>, vector<32x128xf32>, vector<32x128xf32>, vector<32x128xf32>, vector<32x128xf32>, vector<32x128xf32>, vector<32x128xf32>, vector<32x128xf32>, vector<32x128xf32>, vector<32x128xf32>, vector<32x128xf32>, vector<32x128xf32>, vector<32x128xf32>, vector<32x128xf32>, vector<32x128xf32>, vector<32x128xf32>, vector<32x128xf32>, vector<32x128xf32>, vector<32x128xf32>, vector<32x128xf32>, vector<32x128xf32>, vector<32x128xf32>, vector<32x128xf32>, vector<32x128xf32>, vector<32x128xf32>, vector<32x128xf32>, vector<32x128xf32>, vector<32x128xf32>, vector<32x128xf32>, vector<32x128xf32>, vector<32x128xf32>, vector<32x128xf32>, vector<32x128xf32>, vector<32x128xf32>, vector<32x128xf32>, vector<32x128xf32>, vector<32x128xf32>, vector<32x128xf32>, vector<32x128xf32>, vector<32x128xf32>, vector<32x128xf32>, vector<32x128xf32>, vector<32x128xf32>, vector<32x128xf32>, vector<32x128xf32>, vector<32x128xf32>, vector<32x128xf32>, vector<32x128xf32>, vector<32x128xf32>, vector<32x128xf32>, vector<32x128xf32>, vector<32x128xf32>, vector<32x128xf32>, vector<32x128xf32>, vector<32x128xf32>, vector<32x128xf32>, vector<32x128xf32>, vector<32x128xf32>, vector<32x128xf32>, vector<32x128xf32>, vector<32x128xf32>, vector<32x128xf32>, vector<32x128xf32>, vector<32x128xf32> -> vector<4096x128xf32>
    %dot_general3A = arith.constant dense<0.000000e+00> : vector<4096x128xf32>
    %dot_general3A_326 = tpu.matmul %concatenate3A, %get3A_1, %dot_general3A {dimension_numbers = #tpu.dot_dimension_numbers<[1], [0], [0], [1], [0, 0, 1, 1], [], []>, transpose_lhs_hint = false} : vector<4096x128xf32>, vector<128x128xf32>, vector<4096x128xf32> -> vector<4096x128xf32>
    %slice3A_327 = vector.extract_strided_slice %dot_general3A_326 {offsets = [0, 127], sizes = [4096, 1], strides = [1, 1]} : vector<4096x128xf32> to vector<4096x1xf32>
    %slice3A_328 = vector.extract_strided_slice %slice3A_327 {offsets = [0, 0], sizes = [128, 1], strides = [1, 1]} : vector<4096x1xf32> to vector<128x1xf32>
    %slice3A_329 = vector.extract_strided_slice %slice3A_327 {offsets = [128, 0], sizes = [128, 1], strides = [1, 1]} : vector<4096x1xf32> to vector<128x1xf32>
    %slice3A_330 = vector.extract_strided_slice %slice3A_327 {offsets = [256, 0], sizes = [128, 1], strides = [1, 1]} : vector<4096x1xf32> to vector<128x1xf32>
    %slice3A_331 = vector.extract_strided_slice %slice3A_327 {offsets = [384, 0], sizes = [128, 1], strides = [1, 1]} : vector<4096x1xf32> to vector<128x1xf32>
    %slice3A_332 = vector.extract_strided_slice %slice3A_327 {offsets = [512, 0], sizes = [128, 1], strides = [1, 1]} : vector<4096x1xf32> to vector<128x1xf32>
    %slice3A_333 = vector.extract_strided_slice %slice3A_327 {offsets = [640, 0], sizes = [128, 1], strides = [1, 1]} : vector<4096x1xf32> to vector<128x1xf32>
    %slice3A_334 = vector.extract_strided_slice %slice3A_327 {offsets = [768, 0], sizes = [128, 1], strides = [1, 1]} : vector<4096x1xf32> to vector<128x1xf32>
    %slice3A_335 = vector.extract_strided_slice %slice3A_327 {offsets = [896, 0], sizes = [128, 1], strides = [1, 1]} : vector<4096x1xf32> to vector<128x1xf32>
    %slice3A_336 = vector.extract_strided_slice %slice3A_327 {offsets = [1024, 0], sizes = [128, 1], strides = [1, 1]} : vector<4096x1xf32> to vector<128x1xf32>
    %slice3A_337 = vector.extract_strided_slice %slice3A_327 {offsets = [1152, 0], sizes = [128, 1], strides = [1, 1]} : vector<4096x1xf32> to vector<128x1xf32>
    %slice3A_338 = vector.extract_strided_slice %slice3A_327 {offsets = [1280, 0], sizes = [128, 1], strides = [1, 1]} : vector<4096x1xf32> to vector<128x1xf32>
    %slice3A_339 = vector.extract_strided_slice %slice3A_327 {offsets = [1408, 0], sizes = [128, 1], strides = [1, 1]} : vector<4096x1xf32> to vector<128x1xf32>
    %slice3A_340 = vector.extract_strided_slice %slice3A_327 {offsets = [1536, 0], sizes = [128, 1], strides = [1, 1]} : vector<4096x1xf32> to vector<128x1xf32>
    %slice3A_341 = vector.extract_strided_slice %slice3A_327 {offsets = [1664, 0], sizes = [128, 1], strides = [1, 1]} : vector<4096x1xf32> to vector<128x1xf32>
    %slice3A_342 = vector.extract_strided_slice %slice3A_327 {offsets = [1792, 0], sizes = [128, 1], strides = [1, 1]} : vector<4096x1xf32> to vector<128x1xf32>
    %slice3A_343 = vector.extract_strided_slice %slice3A_327 {offsets = [1920, 0], sizes = [128, 1], strides = [1, 1]} : vector<4096x1xf32> to vector<128x1xf32>
    %slice3A_344 = vector.extract_strided_slice %slice3A_327 {offsets = [2048, 0], sizes = [128, 1], strides = [1, 1]} : vector<4096x1xf32> to vector<128x1xf32>
    %slice3A_345 = vector.extract_strided_slice %slice3A_327 {offsets = [2176, 0], sizes = [128, 1], strides = [1, 1]} : vector<4096x1xf32> to vector<128x1xf32>
    %slice3A_346 = vector.extract_strided_slice %slice3A_327 {offsets = [2304, 0], sizes = [128, 1], strides = [1, 1]} : vector<4096x1xf32> to vector<128x1xf32>
    %slice3A_347 = vector.extract_strided_slice %slice3A_327 {offsets = [2432, 0], sizes = [128, 1], strides = [1, 1]} : vector<4096x1xf32> to vector<128x1xf32>
    %slice3A_348 = vector.extract_strided_slice %slice3A_327 {offsets = [2560, 0], sizes = [128, 1], strides = [1, 1]} : vector<4096x1xf32> to vector<128x1xf32>
    %slice3A_349 = vector.extract_strided_slice %slice3A_327 {offsets = [2688, 0], sizes = [128, 1], strides = [1, 1]} : vector<4096x1xf32> to vector<128x1xf32>
    %slice3A_350 = vector.extract_strided_slice %slice3A_327 {offsets = [2816, 0], sizes = [128, 1], strides = [1, 1]} : vector<4096x1xf32> to vector<128x1xf32>
    %slice3A_351 = vector.extract_strided_slice %slice3A_327 {offsets = [2944, 0], sizes = [128, 1], strides = [1, 1]} : vector<4096x1xf32> to vector<128x1xf32>
    %slice3A_352 = vector.extract_strided_slice %slice3A_327 {offsets = [3072, 0], sizes = [128, 1], strides = [1, 1]} : vector<4096x1xf32> to vector<128x1xf32>
    %slice3A_353 = vector.extract_strided_slice %slice3A_327 {offsets = [3200, 0], sizes = [128, 1], strides = [1, 1]} : vector<4096x1xf32> to vector<128x1xf32>
    %slice3A_354 = vector.extract_strided_slice %slice3A_327 {offsets = [3328, 0], sizes = [128, 1], strides = [1, 1]} : vector<4096x1xf32> to vector<128x1xf32>
    %slice3A_355 = vector.extract_strided_slice %slice3A_327 {offsets = [3456, 0], sizes = [128, 1], strides = [1, 1]} : vector<4096x1xf32> to vector<128x1xf32>
    %slice3A_356 = vector.extract_strided_slice %slice3A_327 {offsets = [3584, 0], sizes = [128, 1], strides = [1, 1]} : vector<4096x1xf32> to vector<128x1xf32>
    %slice3A_357 = vector.extract_strided_slice %slice3A_327 {offsets = [3712, 0], sizes = [128, 1], strides = [1, 1]} : vector<4096x1xf32> to vector<128x1xf32>
    %slice3A_358 = vector.extract_strided_slice %slice3A_327 {offsets = [3840, 0], sizes = [128, 1], strides = [1, 1]} : vector<4096x1xf32> to vector<128x1xf32>
    %slice3A_359 = vector.extract_strided_slice %slice3A_327 {offsets = [3968, 0], sizes = [128, 1], strides = [1, 1]} : vector<4096x1xf32> to vector<128x1xf32>
    %concatenate3A_360 = tpu.concatenate %slice3A_328, %slice3A_329, %slice3A_330, %slice3A_331, %slice3A_332, %slice3A_333, %slice3A_334, %slice3A_335, %slice3A_336, %slice3A_337, %slice3A_338, %slice3A_339, %slice3A_340, %slice3A_341, %slice3A_342, %slice3A_343, %slice3A_344, %slice3A_345, %slice3A_346, %slice3A_347, %slice3A_348, %slice3A_349, %slice3A_350, %slice3A_351, %slice3A_352, %slice3A_353, %slice3A_354, %slice3A_355, %slice3A_356, %slice3A_357, %slice3A_358, %slice3A_359 in 1 : vector<128x1xf32>, vector<128x1xf32>, vector<128x1xf32>, vector<128x1xf32>, vector<128x1xf32>, vector<128x1xf32>, vector<128x1xf32>, vector<128x1xf32>, vector<128x1xf32>, vector<128x1xf32>, vector<128x1xf32>, vector<128x1xf32>, vector<128x1xf32>, vector<128x1xf32>, vector<128x1xf32>, vector<128x1xf32>, vector<128x1xf32>, vector<128x1xf32>, vector<128x1xf32>, vector<128x1xf32>, vector<128x1xf32>, vector<128x1xf32>, vector<128x1xf32>, vector<128x1xf32>, vector<128x1xf32>, vector<128x1xf32>, vector<128x1xf32>, vector<128x1xf32>, vector<128x1xf32>, vector<128x1xf32>, vector<128x1xf32>, vector<128x1xf32> -> vector<128x32xf32>
    %dot_general3A_361 = arith.constant dense<0.000000e+00> : vector<128x32xf32>
    %dot_general3A_362 = tpu.matmul %get3A_4, %concatenate3A_360, %dot_general3A_361 {dimension_numbers = #tpu.dot_dimension_numbers<[1], [0], [0], [1], [0, 0, 1, 1], [], []>, transpose_lhs_hint = false} : vector<128x128xf32>, vector<128x32xf32>, vector<128x32xf32> -> vector<128x32xf32>
    %slice3A_363 = vector.extract_strided_slice %dot_general3A_326 {offsets = [0, 0], sizes = [128, 128], strides = [1, 1]} : vector<4096x128xf32> to vector<128x128xf32>
    %slice3A_364 = vector.extract_strided_slice %dot_general3A_362 {offsets = [0, 0], sizes = [128, 1], strides = [1, 1]} : vector<128x32xf32> to vector<128x1xf32>
    %add3A = vector.broadcast %slice3A_364 : vector<128x1xf32> to vector<128x128xf32>
    %add3A_365 = arith.addf %slice3A_363, %add3A : vector<128x128xf32>
    %slice3A_366 = vector.extract_strided_slice %add3A_365 {offsets = [0, 0], sizes = [32, 128], strides = [1, 1]} : vector<128x128xf32> to vector<32x128xf32>
    %slice3A_367 = vector.extract_strided_slice %add3A_365 {offsets = [32, 0], sizes = [32, 128], strides = [1, 1]} : vector<128x128xf32> to vector<32x128xf32>
    %slice3A_368 = vector.extract_strided_slice %add3A_365 {offsets = [64, 0], sizes = [32, 128], strides = [1, 1]} : vector<128x128xf32> to vector<32x128xf32>
    %slice3A_369 = vector.extract_strided_slice %add3A_365 {offsets = [96, 0], sizes = [32, 128], strides = [1, 1]} : vector<128x128xf32> to vector<32x128xf32>
    %convert_element_type3A_370 = arith.fptosi %slice3A_367 : vector<32x128xf32> to vector<32x128xi32>
    %convert_element_type3A_371 = arith.truncf %slice3A_368 : vector<32x128xf32> to vector<32x128xbf16>
    %convert_element_type3A_372 = arith.extf %convert_element_type3A_371 : vector<32x128xbf16> to vector<32x128xf32>
    %bitcast_convert_type3A = tpu.bitcast %convert_element_type3A_372 : vector<32x128xf32> -> vector<32x128xi32>
    %shift_left3A = arith.constant 16 : i32
    %shift_left3A_373 = vector.broadcast %shift_left3A : i32 to vector<32x128xi32>
    %shift_left3A_374 = arith.shli %convert_element_type3A_370, %shift_left3A_373 : vector<32x128xi32>
    %shift_right_logical3A = arith.constant 16 : i32
    %shift_right_logical3A_375 = vector.broadcast %shift_right_logical3A : i32 to vector<32x128xi32>
    %shift_right_logical3A_376 = arith.shrui %bitcast_convert_type3A, %shift_right_logical3A_375 : vector<32x128xi32>
    %or3A = arith.ori %shift_left3A_374, %shift_right_logical3A_376 : vector<32x128xi32>
    %bitcast_convert_type3A_377 = tpu.bitcast %or3A : vector<32x128xi32> -> vector<32x128xf32>
    %concatenate3A_378 = tpu.concatenate %slice3A_366, %slice3A_369, %bitcast_convert_type3A_377 in 0 : vector<32x128xf32>, vector<32x128xf32>, vector<32x128xf32> -> vector<96x128xf32>
    %swap3A = arith.constant 0 : index
    %swap3A_379 = arith.constant 0 : index
    %swap3A_380 = arith.constant 0 : index
    %swap3A_381 = vector.load %arg5[%swap3A, %swap3A_379, %swap3A_380] : memref<32x96x128xf32, #tpu.memory_space<vmem>>, vector<1x96x128xf32>
    %swap3A_382 = vector.shape_cast %swap3A_381 : vector<1x96x128xf32> to vector<96x128xf32>
    %swap3A_383 = vector.shape_cast %concatenate3A_378 : vector<96x128xf32> to vector<1x96x128xf32>
    tpu.vector_store %arg5[%swap3A, %swap3A_379, %swap3A_380], %swap3A_383 {strides = array<i32>} : memref<32x96x128xf32, #tpu.memory_space<vmem>>, vector<1x96x128xf32>,
    %slice3A_384 = vector.extract_strided_slice %dot_general3A_326 {offsets = [128, 0], sizes = [128, 128], strides = [1, 1]} : vector<4096x128xf32> to vector<128x128xf32>
    %slice3A_385 = vector.extract_strided_slice %dot_general3A_362 {offsets = [0, 1], sizes = [128, 1], strides = [1, 1]} : vector<128x32xf32> to vector<128x1xf32>
    %add3A_386 = vector.broadcast %slice3A_385 : vector<128x1xf32> to vector<128x128xf32>
    %add3A_387 = arith.addf %slice3A_384, %add3A_386 : vector<128x128xf32>
    %slice3A_388 = vector.extract_strided_slice %add3A_387 {offsets = [0, 0], sizes = [32, 128], strides = [1, 1]} : vector<128x128xf32> to vector<32x128xf32>
    %slice3A_389 = vector.extract_strided_slice %add3A_387 {offsets = [32, 0], sizes = [32, 128], strides = [1, 1]} : vector<128x128xf32> to vector<32x128xf32>
    %slice3A_390 = vector.extract_strided_slice %add3A_387 {offsets = [64, 0], sizes = [32, 128], strides = [1, 1]} : vector<128x128xf32> to vector<32x128xf32>
    %slice3A_391 = vector.extract_strided_slice %add3A_387 {offsets = [96, 0], sizes = [32, 128], strides = [1, 1]} : vector<128x128xf32> to vector<32x128xf32>
    %convert_element_type3A_392 = arith.fptosi %slice3A_389 : vector<32x128xf32> to vector<32x128xi32>
    %convert_element_type3A_393 = arith.truncf %slice3A_390 : vector<32x128xf32> to vector<32x128xbf16>
    %convert_element_type3A_394 = arith.extf %convert_element_type3A_393 : vector<32x128xbf16> to vector<32x128xf32>
    %bitcast_convert_type3A_395 = tpu.bitcast %convert_element_type3A_394 : vector<32x128xf32> -> vector<32x128xi32>
    %shift_left3A_396 = arith.constant 16 : i32
    %shift_left3A_397 = vector.broadcast %shift_left3A_396 : i32 to vector<32x128xi32>
    %shift_left3A_398 = arith.shli %convert_element_type3A_392, %shift_left3A_397 : vector<32x128xi32>
    %shift_right_logical3A_399 = arith.constant 16 : i32
    %shift_right_logical3A_400 = vector.broadcast %shift_right_logical3A_399 : i32 to vector<32x128xi32>
    %shift_right_logical3A_401 = arith.shrui %bitcast_convert_type3A_395, %shift_right_logical3A_400 : vector<32x128xi32>
    %or3A_402 = arith.ori %shift_left3A_398, %shift_right_logical3A_401 : vector<32x128xi32>
    %bitcast_convert_type3A_403 = tpu.bitcast %or3A_402 : vector<32x128xi32> -> vector<32x128xf32>
    %concatenate3A_404 = tpu.concatenate %slice3A_388, %slice3A_391, %bitcast_convert_type3A_403 in 0 : vector<32x128xf32>, vector<32x128xf32>, vector<32x128xf32> -> vector<96x128xf32>
    %swap3A_405 = arith.constant 1 : index
    %swap3A_406 = arith.constant 0 : index
    %swap3A_407 = arith.constant 0 : index
    %swap3A_408 = vector.load %arg5[%swap3A_405, %swap3A_406, %swap3A_407] : memref<32x96x128xf32, #tpu.memory_space<vmem>>, vector<1x96x128xf32>
    %swap3A_409 = vector.shape_cast %swap3A_408 : vector<1x96x128xf32> to vector<96x128xf32>
    %swap3A_410 = vector.shape_cast %concatenate3A_404 : vector<96x128xf32> to vector<1x96x128xf32>
    tpu.vector_store %arg5[%swap3A_405, %swap3A_406, %swap3A_407], %swap3A_410 {strides = array<i32>} : memref<32x96x128xf32, #tpu.memory_space<vmem>>, vector<1x96x128xf32>,
    %slice3A_411 = vector.extract_strided_slice %dot_general3A_326 {offsets = [256, 0], sizes = [128, 128], strides = [1, 1]} : vector<4096x128xf32> to vector<128x128xf32>
    %slice3A_412 = vector.extract_strided_slice %dot_general3A_362 {offsets = [0, 2], sizes = [128, 1], strides = [1, 1]} : vector<128x32xf32> to vector<128x1xf32>
    %add3A_413 = vector.broadcast %slice3A_412 : vector<128x1xf32> to vector<128x128xf32>
    %add3A_414 = arith.addf %slice3A_411, %add3A_413 : vector<128x128xf32>
    %slice3A_415 = vector.extract_strided_slice %add3A_414 {offsets = [0, 0], sizes = [32, 128], strides = [1, 1]} : vector<128x128xf32> to vector<32x128xf32>
    %slice3A_416 = vector.extract_strided_slice %add3A_414 {offsets = [32, 0], sizes = [32, 128], strides = [1, 1]} : vector<128x128xf32> to vector<32x128xf32>
    %slice3A_417 = vector.extract_strided_slice %add3A_414 {offsets = [64, 0], sizes = [32, 128], strides = [1, 1]} : vector<128x128xf32> to vector<32x128xf32>
    %slice3A_418 = vector.extract_strided_slice %add3A_414 {offsets = [96, 0], sizes = [32, 128], strides = [1, 1]} : vector<128x128xf32> to vector<32x128xf32>
    %convert_element_type3A_419 = arith.fptosi %slice3A_416 : vector<32x128xf32> to vector<32x128xi32>
    %convert_element_type3A_420 = arith.truncf %slice3A_417 : vector<32x128xf32> to vector<32x128xbf16>
    %convert_element_type3A_421 = arith.extf %convert_element_type3A_420 : vector<32x128xbf16> to vector<32x128xf32>
    %bitcast_convert_type3A_422 = tpu.bitcast %convert_element_type3A_421 : vector<32x128xf32> -> vector<32x128xi32>
    %shift_left3A_423 = arith.constant 16 : i32
    %shift_left3A_424 = vector.broadcast %shift_left3A_423 : i32 to vector<32x128xi32>
    %shift_left3A_425 = arith.shli %convert_element_type3A_419, %shift_left3A_424 : vector<32x128xi32>
    %shift_right_logical3A_426 = arith.constant 16 : i32
    %shift_right_logical3A_427 = vector.broadcast %shift_right_logical3A_426 : i32 to vector<32x128xi32>
    %shift_right_logical3A_428 = arith.shrui %bitcast_convert_type3A_422, %shift_right_logical3A_427 : vector<32x128xi32>
    %or3A_429 = arith.ori %shift_left3A_425, %shift_right_logical3A_428 : vector<32x128xi32>
    %bitcast_convert_type3A_430 = tpu.bitcast %or3A_429 : vector<32x128xi32> -> vector<32x128xf32>
    %concatenate3A_431 = tpu.concatenate %slice3A_415, %slice3A_418, %bitcast_convert_type3A_430 in 0 : vector<32x128xf32>, vector<32x128xf32>, vector<32x128xf32> -> vector<96x128xf32>
    %swap3A_432 = arith.constant 2 : index
    %swap3A_433 = arith.constant 0 : index
    %swap3A_434 = arith.constant 0 : index
    %swap3A_435 = vector.load %arg5[%swap3A_432, %swap3A_433, %swap3A_434] : memref<32x96x128xf32, #tpu.memory_space<vmem>>, vector<1x96x128xf32>
    %swap3A_436 = vector.shape_cast %swap3A_435 : vector<1x96x128xf32> to vector<96x128xf32>
    %swap3A_437 = vector.shape_cast %concatenate3A_431 : vector<96x128xf32> to vector<1x96x128xf32>
    tpu.vector_store %arg5[%swap3A_432, %swap3A_433, %swap3A_434], %swap3A_437 {strides = array<i32>} : memref<32x96x128xf32, #tpu.memory_space<vmem>>, vector<1x96x128xf32>,
    %slice3A_438 = vector.extract_strided_slice %dot_general3A_326 {offsets = [384, 0], sizes = [128, 128], strides = [1, 1]} : vector<4096x128xf32> to vector<128x128xf32>
    %slice3A_439 = vector.extract_strided_slice %dot_general3A_362 {offsets = [0, 3], sizes = [128, 1], strides = [1, 1]} : vector<128x32xf32> to vector<128x1xf32>
    %add3A_440 = vector.broadcast %slice3A_439 : vector<128x1xf32> to vector<128x128xf32>
    %add3A_441 = arith.addf %slice3A_438, %add3A_440 : vector<128x128xf32>
    %slice3A_442 = vector.extract_strided_slice %add3A_441 {offsets = [0, 0], sizes = [32, 128], strides = [1, 1]} : vector<128x128xf32> to vector<32x128xf32>
    %slice3A_443 = vector.extract_strided_slice %add3A_441 {offsets = [32, 0], sizes = [32, 128], strides = [1, 1]} : vector<128x128xf32> to vector<32x128xf32>
    %slice3A_444 = vector.extract_strided_slice %add3A_441 {offsets = [64, 0], sizes = [32, 128], strides = [1, 1]} : vector<128x128xf32> to vector<32x128xf32>
    %slice3A_445 = vector.extract_strided_slice %add3A_441 {offsets = [96, 0], sizes = [32, 128], strides = [1, 1]} : vector<128x128xf32> to vector<32x128xf32>
    %convert_element_type3A_446 = arith.fptosi %slice3A_443 : vector<32x128xf32> to vector<32x128xi32>
    %convert_element_type3A_447 = arith.truncf %slice3A_444 : vector<32x128xf32> to vector<32x128xbf16>
    %convert_element_type3A_448 = arith.extf %convert_element_type3A_447 : vector<32x128xbf16> to vector<32x128xf32>
    %bitcast_convert_type3A_449 = tpu.bitcast %convert_element_type3A_448 : vector<32x128xf32> -> vector<32x128xi32>
    %shift_left3A_450 = arith.constant 16 : i32
    %shift_left3A_451 = vector.broadcast %shift_left3A_450 : i32 to vector<32x128xi32>
    %shift_left3A_452 = arith.shli %convert_element_type3A_446, %shift_left3A_451 : vector<32x128xi32>
    %shift_right_logical3A_453 = arith.constant 16 : i32
    %shift_right_logical3A_454 = vector.broadcast %shift_right_logical3A_453 : i32 to vector<32x128xi32>
    %shift_right_logical3A_455 = arith.shrui %bitcast_convert_type3A_449, %shift_right_logical3A_454 : vector<32x128xi32>
    %or3A_456 = arith.ori %shift_left3A_452, %shift_right_logical3A_455 : vector<32x128xi32>
    %bitcast_convert_type3A_457 = tpu.bitcast %or3A_456 : vector<32x128xi32> -> vector<32x128xf32>
    %concatenate3A_458 = tpu.concatenate %slice3A_442, %slice3A_445, %bitcast_convert_type3A_457 in 0 : vector<32x128xf32>, vector<32x128xf32>, vector<32x128xf32> -> vector<96x128xf32>
    %swap3A_459 = arith.constant 3 : index
    %swap3A_460 = arith.constant 0 : index
    %swap3A_461 = arith.constant 0 : index
    %swap3A_462 = vector.load %arg5[%swap3A_459, %swap3A_460, %swap3A_461] : memref<32x96x128xf32, #tpu.memory_space<vmem>>, vector<1x96x128xf32>
    %swap3A_463 = vector.shape_cast %swap3A_462 : vector<1x96x128xf32> to vector<96x128xf32>
    %swap3A_464 = vector.shape_cast %concatenate3A_458 : vector<96x128xf32> to vector<1x96x128xf32>
    tpu.vector_store %arg5[%swap3A_459, %swap3A_460, %swap3A_461], %swap3A_464 {strides = array<i32>} : memref<32x96x128xf32, #tpu.memory_space<vmem>>, vector<1x96x128xf32>,
    %slice3A_465 = vector.extract_strided_slice %dot_general3A_326 {offsets = [512, 0], sizes = [128, 128], strides = [1, 1]} : vector<4096x128xf32> to vector<128x128xf32>
    %slice3A_466 = vector.extract_strided_slice %dot_general3A_362 {offsets = [0, 4], sizes = [128, 1], strides = [1, 1]} : vector<128x32xf32> to vector<128x1xf32>
    %add3A_467 = vector.broadcast %slice3A_466 : vector<128x1xf32> to vector<128x128xf32>
    %add3A_468 = arith.addf %slice3A_465, %add3A_467 : vector<128x128xf32>
    %slice3A_469 = vector.extract_strided_slice %add3A_468 {offsets = [0, 0], sizes = [32, 128], strides = [1, 1]} : vector<128x128xf32> to vector<32x128xf32>
    %slice3A_470 = vector.extract_strided_slice %add3A_468 {offsets = [32, 0], sizes = [32, 128], strides = [1, 1]} : vector<128x128xf32> to vector<32x128xf32>
    %slice3A_471 = vector.extract_strided_slice %add3A_468 {offsets = [64, 0], sizes = [32, 128], strides = [1, 1]} : vector<128x128xf32> to vector<32x128xf32>
    %slice3A_472 = vector.extract_strided_slice %add3A_468 {offsets = [96, 0], sizes = [32, 128], strides = [1, 1]} : vector<128x128xf32> to vector<32x128xf32>
    %convert_element_type3A_473 = arith.fptosi %slice3A_470 : vector<32x128xf32> to vector<32x128xi32>
    %convert_element_type3A_474 = arith.truncf %slice3A_471 : vector<32x128xf32> to vector<32x128xbf16>
    %convert_element_type3A_475 = arith.extf %convert_element_type3A_474 : vector<32x128xbf16> to vector<32x128xf32>
    %bitcast_convert_type3A_476 = tpu.bitcast %convert_element_type3A_475 : vector<32x128xf32> -> vector<32x128xi32>
    %shift_left3A_477 = arith.constant 16 : i32
    %shift_left3A_478 = vector.broadcast %shift_left3A_477 : i32 to vector<32x128xi32>
    %shift_left3A_479 = arith.shli %convert_element_type3A_473, %shift_left3A_478 : vector<32x128xi32>
    %shift_right_logical3A_480 = arith.constant 16 : i32
    %shift_right_logical3A_481 = vector.broadcast %shift_right_logical3A_480 : i32 to vector<32x128xi32>
    %shift_right_logical3A_482 = arith.shrui %bitcast_convert_type3A_476, %shift_right_logical3A_481 : vector<32x128xi32>
    %or3A_483 = arith.ori %shift_left3A_479, %shift_right_logical3A_482 : vector<32x128xi32>
    %bitcast_convert_type3A_484 = tpu.bitcast %or3A_483 : vector<32x128xi32> -> vector<32x128xf32>
    %concatenate3A_485 = tpu.concatenate %slice3A_469, %slice3A_472, %bitcast_convert_type3A_484 in 0 : vector<32x128xf32>, vector<32x128xf32>, vector<32x128xf32> -> vector<96x128xf32>
    %swap3A_486 = arith.constant 4 : index
    %swap3A_487 = arith.constant 0 : index
    %swap3A_488 = arith.constant 0 : index
    %swap3A_489 = vector.load %arg5[%swap3A_486, %swap3A_487, %swap3A_488] : memref<32x96x128xf32, #tpu.memory_space<vmem>>, vector<1x96x128xf32>
    %swap3A_490 = vector.shape_cast %swap3A_489 : vector<1x96x128xf32> to vector<96x128xf32>
    %swap3A_491 = vector.shape_cast %concatenate3A_485 : vector<96x128xf32> to vector<1x96x128xf32>
    tpu.vector_store %arg5[%swap3A_486, %swap3A_487, %swap3A_488], %swap3A_491 {strides = array<i32>} : memref<32x96x128xf32, #tpu.memory_space<vmem>>, vector<1x96x128xf32>,
    %slice3A_492 = vector.extract_strided_slice %dot_general3A_326 {offsets = [640, 0], sizes = [128, 128], strides = [1, 1]} : vector<4096x128xf32> to vector<128x128xf32>
    %slice3A_493 = vector.extract_strided_slice %dot_general3A_362 {offsets = [0, 5], sizes = [128, 1], strides = [1, 1]} : vector<128x32xf32> to vector<128x1xf32>
    %add3A_494 = vector.broadcast %slice3A_493 : vector<128x1xf32> to vector<128x128xf32>
    %add3A_495 = arith.addf %slice3A_492, %add3A_494 : vector<128x128xf32>
    %slice3A_496 = vector.extract_strided_slice %add3A_495 {offsets = [0, 0], sizes = [32, 128], strides = [1, 1]} : vector<128x128xf32> to vector<32x128xf32>
    %slice3A_497 = vector.extract_strided_slice %add3A_495 {offsets = [32, 0], sizes = [32, 128], strides = [1, 1]} : vector<128x128xf32> to vector<32x128xf32>
    %slice3A_498 = vector.extract_strided_slice %add3A_495 {offsets = [64, 0], sizes = [32, 128], strides = [1, 1]} : vector<128x128xf32> to vector<32x128xf32>
    %slice3A_499 = vector.extract_strided_slice %add3A_495 {offsets = [96, 0], sizes = [32, 128], strides = [1, 1]} : vector<128x128xf32> to vector<32x128xf32>
    %convert_element_type3A_500 = arith.fptosi %slice3A_497 : vector<32x128xf32> to vector<32x128xi32>
    %convert_element_type3A_501 = arith.truncf %slice3A_498 : vector<32x128xf32> to vector<32x128xbf16>
    %convert_element_type3A_502 = arith.extf %convert_element_type3A_501 : vector<32x128xbf16> to vector<32x128xf32>
    %bitcast_convert_type3A_503 = tpu.bitcast %convert_element_type3A_502 : vector<32x128xf32> -> vector<32x128xi32>
    %shift_left3A_504 = arith.constant 16 : i32
    %shift_left3A_505 = vector.broadcast %shift_left3A_504 : i32 to vector<32x128xi32>
    %shift_left3A_506 = arith.shli %convert_element_type3A_500, %shift_left3A_505 : vector<32x128xi32>
    %shift_right_logical3A_507 = arith.constant 16 : i32
    %shift_right_logical3A_508 = vector.broadcast %shift_right_logical3A_507 : i32 to vector<32x128xi32>
    %shift_right_logical3A_509 = arith.shrui %bitcast_convert_type3A_503, %shift_right_logical3A_508 : vector<32x128xi32>
    %or3A_510 = arith.ori %shift_left3A_506, %shift_right_logical3A_509 : vector<32x128xi32>
    %bitcast_convert_type3A_511 = tpu.bitcast %or3A_510 : vector<32x128xi32> -> vector<32x128xf32>
    %concatenate3A_512 = tpu.concatenate %slice3A_496, %slice3A_499, %bitcast_convert_type3A_511 in 0 : vector<32x128xf32>, vector<32x128xf32>, vector<32x128xf32> -> vector<96x128xf32>
    %swap3A_513 = arith.constant 5 : index
    %swap3A_514 = arith.constant 0 : index
    %swap3A_515 = arith.constant 0 : index
    %swap3A_516 = vector.load %arg5[%swap3A_513, %swap3A_514, %swap3A_515] : memref<32x96x128xf32, #tpu.memory_space<vmem>>, vector<1x96x128xf32>
    %swap3A_517 = vector.shape_cast %swap3A_516 : vector<1x96x128xf32> to vector<96x128xf32>
    %swap3A_518 = vector.shape_cast %concatenate3A_512 : vector<96x128xf32> to vector<1x96x128xf32>
    tpu.vector_store %arg5[%swap3A_513, %swap3A_514, %swap3A_515], %swap3A_518 {strides = array<i32>} : memref<32x96x128xf32, #tpu.memory_space<vmem>>, vector<1x96x128xf32>,
    %slice3A_519 = vector.extract_strided_slice %dot_general3A_326 {offsets = [768, 0], sizes = [128, 128], strides = [1, 1]} : vector<4096x128xf32> to vector<128x128xf32>
    %slice3A_520 = vector.extract_strided_slice %dot_general3A_362 {offsets = [0, 6], sizes = [128, 1], strides = [1, 1]} : vector<128x32xf32> to vector<128x1xf32>
    %add3A_521 = vector.broadcast %slice3A_520 : vector<128x1xf32> to vector<128x128xf32>
    %add3A_522 = arith.addf %slice3A_519, %add3A_521 : vector<128x128xf32>
    %slice3A_523 = vector.extract_strided_slice %add3A_522 {offsets = [0, 0], sizes = [32, 128], strides = [1, 1]} : vector<128x128xf32> to vector<32x128xf32>
    %slice3A_524 = vector.extract_strided_slice %add3A_522 {offsets = [32, 0], sizes = [32, 128], strides = [1, 1]} : vector<128x128xf32> to vector<32x128xf32>
    %slice3A_525 = vector.extract_strided_slice %add3A_522 {offsets = [64, 0], sizes = [32, 128], strides = [1, 1]} : vector<128x128xf32> to vector<32x128xf32>
    %slice3A_526 = vector.extract_strided_slice %add3A_522 {offsets = [96, 0], sizes = [32, 128], strides = [1, 1]} : vector<128x128xf32> to vector<32x128xf32>
    %convert_element_type3A_527 = arith.fptosi %slice3A_524 : vector<32x128xf32> to vector<32x128xi32>
    %convert_element_type3A_528 = arith.truncf %slice3A_525 : vector<32x128xf32> to vector<32x128xbf16>
    %convert_element_type3A_529 = arith.extf %convert_element_type3A_528 : vector<32x128xbf16> to vector<32x128xf32>
    %bitcast_convert_type3A_530 = tpu.bitcast %convert_element_type3A_529 : vector<32x128xf32> -> vector<32x128xi32>
    %shift_left3A_531 = arith.constant 16 : i32
    %shift_left3A_532 = vector.broadcast %shift_left3A_531 : i32 to vector<32x128xi32>
    %shift_left3A_533 = arith.shli %convert_element_type3A_527, %shift_left3A_532 : vector<32x128xi32>
    %shift_right_logical3A_534 = arith.constant 16 : i32
    %shift_right_logical3A_535 = vector.broadcast %shift_right_logical3A_534 : i32 to vector<32x128xi32>
    %shift_right_logical3A_536 = arith.shrui %bitcast_convert_type3A_530, %shift_right_logical3A_535 : vector<32x128xi32>
    %or3A_537 = arith.ori %shift_left3A_533, %shift_right_logical3A_536 : vector<32x128xi32>
    %bitcast_convert_type3A_538 = tpu.bitcast %or3A_537 : vector<32x128xi32> -> vector<32x128xf32>
    %concatenate3A_539 = tpu.concatenate %slice3A_523, %slice3A_526, %bitcast_convert_type3A_538 in 0 : vector<32x128xf32>, vector<32x128xf32>, vector<32x128xf32> -> vector<96x128xf32>
    %swap3A_540 = arith.constant 6 : index
    %swap3A_541 = arith.constant 0 : index
    %swap3A_542 = arith.constant 0 : index
    %swap3A_543 = vector.load %arg5[%swap3A_540, %swap3A_541, %swap3A_542] : memref<32x96x128xf32, #tpu.memory_space<vmem>>, vector<1x96x128xf32>
    %swap3A_544 = vector.shape_cast %swap3A_543 : vector<1x96x128xf32> to vector<96x128xf32>
    %swap3A_545 = vector.shape_cast %concatenate3A_539 : vector<96x128xf32> to vector<1x96x128xf32>
    tpu.vector_store %arg5[%swap3A_540, %swap3A_541, %swap3A_542], %swap3A_545 {strides = array<i32>} : memref<32x96x128xf32, #tpu.memory_space<vmem>>, vector<1x96x128xf32>,
    %slice3A_546 = vector.extract_strided_slice %dot_general3A_326 {offsets = [896, 0], sizes = [128, 128], strides = [1, 1]} : vector<4096x128xf32> to vector<128x128xf32>
    %slice3A_547 = vector.extract_strided_slice %dot_general3A_362 {offsets = [0, 7], sizes = [128, 1], strides = [1, 1]} : vector<128x32xf32> to vector<128x1xf32>
    %add3A_548 = vector.broadcast %slice3A_547 : vector<128x1xf32> to vector<128x128xf32>
    %add3A_549 = arith.addf %slice3A_546, %add3A_548 : vector<128x128xf32>
    %slice3A_550 = vector.extract_strided_slice %add3A_549 {offsets = [0, 0], sizes = [32, 128], strides = [1, 1]} : vector<128x128xf32> to vector<32x128xf32>
    %slice3A_551 = vector.extract_strided_slice %add3A_549 {offsets = [32, 0], sizes = [32, 128], strides = [1, 1]} : vector<128x128xf32> to vector<32x128xf32>
    %slice3A_552 = vector.extract_strided_slice %add3A_549 {offsets = [64, 0], sizes = [32, 128], strides = [1, 1]} : vector<128x128xf32> to vector<32x128xf32>
    %slice3A_553 = vector.extract_strided_slice %add3A_549 {offsets = [96, 0], sizes = [32, 128], strides = [1, 1]} : vector<128x128xf32> to vector<32x128xf32>
    %convert_element_type3A_554 = arith.fptosi %slice3A_551 : vector<32x128xf32> to vector<32x128xi32>
    %convert_element_type3A_555 = arith.truncf %slice3A_552 : vector<32x128xf32> to vector<32x128xbf16>
    %convert_element_type3A_556 = arith.extf %convert_element_type3A_555 : vector<32x128xbf16> to vector<32x128xf32>
    %bitcast_convert_type3A_557 = tpu.bitcast %convert_element_type3A_556 : vector<32x128xf32> -> vector<32x128xi32>
    %shift_left3A_558 = arith.constant 16 : i32
    %shift_left3A_559 = vector.broadcast %shift_left3A_558 : i32 to vector<32x128xi32>
    %shift_left3A_560 = arith.shli %convert_element_type3A_554, %shift_left3A_559 : vector<32x128xi32>
    %shift_right_logical3A_561 = arith.constant 16 : i32
    %shift_right_logical3A_562 = vector.broadcast %shift_right_logical3A_561 : i32 to vector<32x128xi32>
    %shift_right_logical3A_563 = arith.shrui %bitcast_convert_type3A_557, %shift_right_logical3A_562 : vector<32x128xi32>
    %or3A_564 = arith.ori %shift_left3A_560, %shift_right_logical3A_563 : vector<32x128xi32>
    %bitcast_convert_type3A_565 = tpu.bitcast %or3A_564 : vector<32x128xi32> -> vector<32x128xf32>
    %concatenate3A_566 = tpu.concatenate %slice3A_550, %slice3A_553, %bitcast_convert_type3A_565 in 0 : vector<32x128xf32>, vector<32x128xf32>, vector<32x128xf32> -> vector<96x128xf32>
    %swap3A_567 = arith.constant 7 : index
    %swap3A_568 = arith.constant 0 : index
    %swap3A_569 = arith.constant 0 : index
    %swap3A_570 = vector.load %arg5[%swap3A_567, %swap3A_568, %swap3A_569] : memref<32x96x128xf32, #tpu.memory_space<vmem>>, vector<1x96x128xf32>
    %swap3A_571 = vector.shape_cast %swap3A_570 : vector<1x96x128xf32> to vector<96x128xf32>
    %swap3A_572 = vector.shape_cast %concatenate3A_566 : vector<96x128xf32> to vector<1x96x128xf32>
    tpu.vector_store %arg5[%swap3A_567, %swap3A_568, %swap3A_569], %swap3A_572 {strides = array<i32>} : memref<32x96x128xf32, #tpu.memory_space<vmem>>, vector<1x96x128xf32>,
    %slice3A_573 = vector.extract_strided_slice %dot_general3A_326 {offsets = [1024, 0], sizes = [128, 128], strides = [1, 1]} : vector<4096x128xf32> to vector<128x128xf32>
    %slice3A_574 = vector.extract_strided_slice %dot_general3A_362 {offsets = [0, 8], sizes = [128, 1], strides = [1, 1]} : vector<128x32xf32> to vector<128x1xf32>
    %add3A_575 = vector.broadcast %slice3A_574 : vector<128x1xf32> to vector<128x128xf32>
    %add3A_576 = arith.addf %slice3A_573, %add3A_575 : vector<128x128xf32>
    %slice3A_577 = vector.extract_strided_slice %add3A_576 {offsets = [0, 0], sizes = [32, 128], strides = [1, 1]} : vector<128x128xf32> to vector<32x128xf32>
    %slice3A_578 = vector.extract_strided_slice %add3A_576 {offsets = [32, 0], sizes = [32, 128], strides = [1, 1]} : vector<128x128xf32> to vector<32x128xf32>
    %slice3A_579 = vector.extract_strided_slice %add3A_576 {offsets = [64, 0], sizes = [32, 128], strides = [1, 1]} : vector<128x128xf32> to vector<32x128xf32>
    %slice3A_580 = vector.extract_strided_slice %add3A_576 {offsets = [96, 0], sizes = [32, 128], strides = [1, 1]} : vector<128x128xf32> to vector<32x128xf32>
    %convert_element_type3A_581 = arith.fptosi %slice3A_578 : vector<32x128xf32> to vector<32x128xi32>
    %convert_element_type3A_582 = arith.truncf %slice3A_579 : vector<32x128xf32> to vector<32x128xbf16>
    %convert_element_type3A_583 = arith.extf %convert_element_type3A_582 : vector<32x128xbf16> to vector<32x128xf32>
    %bitcast_convert_type3A_584 = tpu.bitcast %convert_element_type3A_583 : vector<32x128xf32> -> vector<32x128xi32>
    %shift_left3A_585 = arith.constant 16 : i32
    %shift_left3A_586 = vector.broadcast %shift_left3A_585 : i32 to vector<32x128xi32>
    %shift_left3A_587 = arith.shli %convert_element_type3A_581, %shift_left3A_586 : vector<32x128xi32>
    %shift_right_logical3A_588 = arith.constant 16 : i32
    %shift_right_logical3A_589 = vector.broadcast %shift_right_logical3A_588 : i32 to vector<32x128xi32>
    %shift_right_logical3A_590 = arith.shrui %bitcast_convert_type3A_584, %shift_right_logical3A_589 : vector<32x128xi32>
    %or3A_591 = arith.ori %shift_left3A_587, %shift_right_logical3A_590 : vector<32x128xi32>
    %bitcast_convert_type3A_592 = tpu.bitcast %or3A_591 : vector<32x128xi32> -> vector<32x128xf32>
    %concatenate3A_593 = tpu.concatenate %slice3A_577, %slice3A_580, %bitcast_convert_type3A_592 in 0 : vector<32x128xf32>, vector<32x128xf32>, vector<32x128xf32> -> vector<96x128xf32>
    %swap3A_594 = arith.constant 8 : index
    %swap3A_595 = arith.constant 0 : index
    %swap3A_596 = arith.constant 0 : index
    %swap3A_597 = vector.load %arg5[%swap3A_594, %swap3A_595, %swap3A_596] : memref<32x96x128xf32, #tpu.memory_space<vmem>>, vector<1x96x128xf32>
    %swap3A_598 = vector.shape_cast %swap3A_597 : vector<1x96x128xf32> to vector<96x128xf32>
    %swap3A_599 = vector.shape_cast %concatenate3A_593 : vector<96x128xf32> to vector<1x96x128xf32>
    tpu.vector_store %arg5[%swap3A_594, %swap3A_595, %swap3A_596], %swap3A_599 {strides = array<i32>} : memref<32x96x128xf32, #tpu.memory_space<vmem>>, vector<1x96x128xf32>,
    %slice3A_600 = vector.extract_strided_slice %dot_general3A_326 {offsets = [1152, 0], sizes = [128, 128], strides = [1, 1]} : vector<4096x128xf32> to vector<128x128xf32>
    %slice3A_601 = vector.extract_strided_slice %dot_general3A_362 {offsets = [0, 9], sizes = [128, 1], strides = [1, 1]} : vector<128x32xf32> to vector<128x1xf32>
    %add3A_602 = vector.broadcast %slice3A_601 : vector<128x1xf32> to vector<128x128xf32>
    %add3A_603 = arith.addf %slice3A_600, %add3A_602 : vector<128x128xf32>
    %slice3A_604 = vector.extract_strided_slice %add3A_603 {offsets = [0, 0], sizes = [32, 128], strides = [1, 1]} : vector<128x128xf32> to vector<32x128xf32>
    %slice3A_605 = vector.extract_strided_slice %add3A_603 {offsets = [32, 0], sizes = [32, 128], strides = [1, 1]} : vector<128x128xf32> to vector<32x128xf32>
    %slice3A_606 = vector.extract_strided_slice %add3A_603 {offsets = [64, 0], sizes = [32, 128], strides = [1, 1]} : vector<128x128xf32> to vector<32x128xf32>
    %slice3A_607 = vector.extract_strided_slice %add3A_603 {offsets = [96, 0], sizes = [32, 128], strides = [1, 1]} : vector<128x128xf32> to vector<32x128xf32>
    %convert_element_type3A_608 = arith.fptosi %slice3A_605 : vector<32x128xf32> to vector<32x128xi32>
    %convert_element_type3A_609 = arith.truncf %slice3A_606 : vector<32x128xf32> to vector<32x128xbf16>
    %convert_element_type3A_610 = arith.extf %convert_element_type3A_609 : vector<32x128xbf16> to vector<32x128xf32>
    %bitcast_convert_type3A_611 = tpu.bitcast %convert_element_type3A_610 : vector<32x128xf32> -> vector<32x128xi32>
    %shift_left3A_612 = arith.constant 16 : i32
    %shift_left3A_613 = vector.broadcast %shift_left3A_612 : i32 to vector<32x128xi32>
    %shift_left3A_614 = arith.shli %convert_element_type3A_608, %shift_left3A_613 : vector<32x128xi32>
    %shift_right_logical3A_615 = arith.constant 16 : i32
    %shift_right_logical3A_616 = vector.broadcast %shift_right_logical3A_615 : i32 to vector<32x128xi32>
    %shift_right_logical3A_617 = arith.shrui %bitcast_convert_type3A_611, %shift_right_logical3A_616 : vector<32x128xi32>
    %or3A_618 = arith.ori %shift_left3A_614, %shift_right_logical3A_617 : vector<32x128xi32>
    %bitcast_convert_type3A_619 = tpu.bitcast %or3A_618 : vector<32x128xi32> -> vector<32x128xf32>
    %concatenate3A_620 = tpu.concatenate %slice3A_604, %slice3A_607, %bitcast_convert_type3A_619 in 0 : vector<32x128xf32>, vector<32x128xf32>, vector<32x128xf32> -> vector<96x128xf32>
    %swap3A_621 = arith.constant 9 : index
    %swap3A_622 = arith.constant 0 : index
    %swap3A_623 = arith.constant 0 : index
    %swap3A_624 = vector.load %arg5[%swap3A_621, %swap3A_622, %swap3A_623] : memref<32x96x128xf32, #tpu.memory_space<vmem>>, vector<1x96x128xf32>
    %swap3A_625 = vector.shape_cast %swap3A_624 : vector<1x96x128xf32> to vector<96x128xf32>
    %swap3A_626 = vector.shape_cast %concatenate3A_620 : vector<96x128xf32> to vector<1x96x128xf32>
    tpu.vector_store %arg5[%swap3A_621, %swap3A_622, %swap3A_623], %swap3A_626 {strides = array<i32>} : memref<32x96x128xf32, #tpu.memory_space<vmem>>, vector<1x96x128xf32>,
    %slice3A_627 = vector.extract_strided_slice %dot_general3A_326 {offsets = [1280, 0], sizes = [128, 128], strides = [1, 1]} : vector<4096x128xf32> to vector<128x128xf32>
    %slice3A_628 = vector.extract_strided_slice %dot_general3A_362 {offsets = [0, 10], sizes = [128, 1], strides = [1, 1]} : vector<128x32xf32> to vector<128x1xf32>
    %add3A_629 = vector.broadcast %slice3A_628 : vector<128x1xf32> to vector<128x128xf32>
    %add3A_630 = arith.addf %slice3A_627, %add3A_629 : vector<128x128xf32>
    %slice3A_631 = vector.extract_strided_slice %add3A_630 {offsets = [0, 0], sizes = [32, 128], strides = [1, 1]} : vector<128x128xf32> to vector<32x128xf32>
    %slice3A_632 = vector.extract_strided_slice %add3A_630 {offsets = [32, 0], sizes = [32, 128], strides = [1, 1]} : vector<128x128xf32> to vector<32x128xf32>
    %slice3A_633 = vector.extract_strided_slice %add3A_630 {offsets = [64, 0], sizes = [32, 128], strides = [1, 1]} : vector<128x128xf32> to vector<32x128xf32>
    %slice3A_634 = vector.extract_strided_slice %add3A_630 {offsets = [96, 0], sizes = [32, 128], strides = [1, 1]} : vector<128x128xf32> to vector<32x128xf32>
    %convert_element_type3A_635 = arith.fptosi %slice3A_632 : vector<32x128xf32> to vector<32x128xi32>
    %convert_element_type3A_636 = arith.truncf %slice3A_633 : vector<32x128xf32> to vector<32x128xbf16>
    %convert_element_type3A_637 = arith.extf %convert_element_type3A_636 : vector<32x128xbf16> to vector<32x128xf32>
    %bitcast_convert_type3A_638 = tpu.bitcast %convert_element_type3A_637 : vector<32x128xf32> -> vector<32x128xi32>
    %shift_left3A_639 = arith.constant 16 : i32
    %shift_left3A_640 = vector.broadcast %shift_left3A_639 : i32 to vector<32x128xi32>
    %shift_left3A_641 = arith.shli %convert_element_type3A_635, %shift_left3A_640 : vector<32x128xi32>
    %shift_right_logical3A_642 = arith.constant 16 : i32
    %shift_right_logical3A_643 = vector.broadcast %shift_right_logical3A_642 : i32 to vector<32x128xi32>
    %shift_right_logical3A_644 = arith.shrui %bitcast_convert_type3A_638, %shift_right_logical3A_643 : vector<32x128xi32>
    %or3A_645 = arith.ori %shift_left3A_641, %shift_right_logical3A_644 : vector<32x128xi32>
    %bitcast_convert_type3A_646 = tpu.bitcast %or3A_645 : vector<32x128xi32> -> vector<32x128xf32>
    %concatenate3A_647 = tpu.concatenate %slice3A_631, %slice3A_634, %bitcast_convert_type3A_646 in 0 : vector<32x128xf32>, vector<32x128xf32>, vector<32x128xf32> -> vector<96x128xf32>
    %swap3A_648 = arith.constant 10 : index
    %swap3A_649 = arith.constant 0 : index
    %swap3A_650 = arith.constant 0 : index
    %swap3A_651 = vector.load %arg5[%swap3A_648, %swap3A_649, %swap3A_650] : memref<32x96x128xf32, #tpu.memory_space<vmem>>, vector<1x96x128xf32>
    %swap3A_652 = vector.shape_cast %swap3A_651 : vector<1x96x128xf32> to vector<96x128xf32>
    %swap3A_653 = vector.shape_cast %concatenate3A_647 : vector<96x128xf32> to vector<1x96x128xf32>
    tpu.vector_store %arg5[%swap3A_648, %swap3A_649, %swap3A_650], %swap3A_653 {strides = array<i32>} : memref<32x96x128xf32, #tpu.memory_space<vmem>>, vector<1x96x128xf32>,
    %slice3A_654 = vector.extract_strided_slice %dot_general3A_326 {offsets = [1408, 0], sizes = [128, 128], strides = [1, 1]} : vector<4096x128xf32> to vector<128x128xf32>
    %slice3A_655 = vector.extract_strided_slice %dot_general3A_362 {offsets = [0, 11], sizes = [128, 1], strides = [1, 1]} : vector<128x32xf32> to vector<128x1xf32>
    %add3A_656 = vector.broadcast %slice3A_655 : vector<128x1xf32> to vector<128x128xf32>
    %add3A_657 = arith.addf %slice3A_654, %add3A_656 : vector<128x128xf32>
    %slice3A_658 = vector.extract_strided_slice %add3A_657 {offsets = [0, 0], sizes = [32, 128], strides = [1, 1]} : vector<128x128xf32> to vector<32x128xf32>
    %slice3A_659 = vector.extract_strided_slice %add3A_657 {offsets = [32, 0], sizes = [32, 128], strides = [1, 1]} : vector<128x128xf32> to vector<32x128xf32>
    %slice3A_660 = vector.extract_strided_slice %add3A_657 {offsets = [64, 0], sizes = [32, 128], strides = [1, 1]} : vector<128x128xf32> to vector<32x128xf32>
    %slice3A_661 = vector.extract_strided_slice %add3A_657 {offsets = [96, 0], sizes = [32, 128], strides = [1, 1]} : vector<128x128xf32> to vector<32x128xf32>
    %convert_element_type3A_662 = arith.fptosi %slice3A_659 : vector<32x128xf32> to vector<32x128xi32>
    %convert_element_type3A_663 = arith.truncf %slice3A_660 : vector<32x128xf32> to vector<32x128xbf16>
    %convert_element_type3A_664 = arith.extf %convert_element_type3A_663 : vector<32x128xbf16> to vector<32x128xf32>
    %bitcast_convert_type3A_665 = tpu.bitcast %convert_element_type3A_664 : vector<32x128xf32> -> vector<32x128xi32>
    %shift_left3A_666 = arith.constant 16 : i32
    %shift_left3A_667 = vector.broadcast %shift_left3A_666 : i32 to vector<32x128xi32>
    %shift_left3A_668 = arith.shli %convert_element_type3A_662, %shift_left3A_667 : vector<32x128xi32>
    %shift_right_logical3A_669 = arith.constant 16 : i32
    %shift_right_logical3A_670 = vector.broadcast %shift_right_logical3A_669 : i32 to vector<32x128xi32>
    %shift_right_logical3A_671 = arith.shrui %bitcast_convert_type3A_665, %shift_right_logical3A_670 : vector<32x128xi32>
    %or3A_672 = arith.ori %shift_left3A_668, %shift_right_logical3A_671 : vector<32x128xi32>
    %bitcast_convert_type3A_673 = tpu.bitcast %or3A_672 : vector<32x128xi32> -> vector<32x128xf32>
    %concatenate3A_674 = tpu.concatenate %slice3A_658, %slice3A_661, %bitcast_convert_type3A_673 in 0 : vector<32x128xf32>, vector<32x128xf32>, vector<32x128xf32> -> vector<96x128xf32>
    %swap3A_675 = arith.constant 11 : index
    %swap3A_676 = arith.constant 0 : index
    %swap3A_677 = arith.constant 0 : index
    %swap3A_678 = vector.load %arg5[%swap3A_675, %swap3A_676, %swap3A_677] : memref<32x96x128xf32, #tpu.memory_space<vmem>>, vector<1x96x128xf32>
    %swap3A_679 = vector.shape_cast %swap3A_678 : vector<1x96x128xf32> to vector<96x128xf32>
    %swap3A_680 = vector.shape_cast %concatenate3A_674 : vector<96x128xf32> to vector<1x96x128xf32>
    tpu.vector_store %arg5[%swap3A_675, %swap3A_676, %swap3A_677], %swap3A_680 {strides = array<i32>} : memref<32x96x128xf32, #tpu.memory_space<vmem>>, vector<1x96x128xf32>,
    %slice3A_681 = vector.extract_strided_slice %dot_general3A_326 {offsets = [1536, 0], sizes = [128, 128], strides = [1, 1]} : vector<4096x128xf32> to vector<128x128xf32>
    %slice3A_682 = vector.extract_strided_slice %dot_general3A_362 {offsets = [0, 12], sizes = [128, 1], strides = [1, 1]} : vector<128x32xf32> to vector<128x1xf32>
    %add3A_683 = vector.broadcast %slice3A_682 : vector<128x1xf32> to vector<128x128xf32>
    %add3A_684 = arith.addf %slice3A_681, %add3A_683 : vector<128x128xf32>
    %slice3A_685 = vector.extract_strided_slice %add3A_684 {offsets = [0, 0], sizes = [32, 128], strides = [1, 1]} : vector<128x128xf32> to vector<32x128xf32>
    %slice3A_686 = vector.extract_strided_slice %add3A_684 {offsets = [32, 0], sizes = [32, 128], strides = [1, 1]} : vector<128x128xf32> to vector<32x128xf32>
    %slice3A_687 = vector.extract_strided_slice %add3A_684 {offsets = [64, 0], sizes = [32, 128], strides = [1, 1]} : vector<128x128xf32> to vector<32x128xf32>
    %slice3A_688 = vector.extract_strided_slice %add3A_684 {offsets = [96, 0], sizes = [32, 128], strides = [1, 1]} : vector<128x128xf32> to vector<32x128xf32>
    %convert_element_type3A_689 = arith.fptosi %slice3A_686 : vector<32x128xf32> to vector<32x128xi32>
    %convert_element_type3A_690 = arith.truncf %slice3A_687 : vector<32x128xf32> to vector<32x128xbf16>
    %convert_element_type3A_691 = arith.extf %convert_element_type3A_690 : vector<32x128xbf16> to vector<32x128xf32>
    %bitcast_convert_type3A_692 = tpu.bitcast %convert_element_type3A_691 : vector<32x128xf32> -> vector<32x128xi32>
    %shift_left3A_693 = arith.constant 16 : i32
    %shift_left3A_694 = vector.broadcast %shift_left3A_693 : i32 to vector<32x128xi32>
    %shift_left3A_695 = arith.shli %convert_element_type3A_689, %shift_left3A_694 : vector<32x128xi32>
    %shift_right_logical3A_696 = arith.constant 16 : i32
    %shift_right_logical3A_697 = vector.broadcast %shift_right_logical3A_696 : i32 to vector<32x128xi32>
    %shift_right_logical3A_698 = arith.shrui %bitcast_convert_type3A_692, %shift_right_logical3A_697 : vector<32x128xi32>
    %or3A_699 = arith.ori %shift_left3A_695, %shift_right_logical3A_698 : vector<32x128xi32>
    %bitcast_convert_type3A_700 = tpu.bitcast %or3A_699 : vector<32x128xi32> -> vector<32x128xf32>
    %concatenate3A_701 = tpu.concatenate %slice3A_685, %slice3A_688, %bitcast_convert_type3A_700 in 0 : vector<32x128xf32>, vector<32x128xf32>, vector<32x128xf32> -> vector<96x128xf32>
    %swap3A_702 = arith.constant 12 : index
    %swap3A_703 = arith.constant 0 : index
    %swap3A_704 = arith.constant 0 : index
    %swap3A_705 = vector.load %arg5[%swap3A_702, %swap3A_703, %swap3A_704] : memref<32x96x128xf32, #tpu.memory_space<vmem>>, vector<1x96x128xf32>
    %swap3A_706 = vector.shape_cast %swap3A_705 : vector<1x96x128xf32> to vector<96x128xf32>
    %swap3A_707 = vector.shape_cast %concatenate3A_701 : vector<96x128xf32> to vector<1x96x128xf32>
    tpu.vector_store %arg5[%swap3A_702, %swap3A_703, %swap3A_704], %swap3A_707 {strides = array<i32>} : memref<32x96x128xf32, #tpu.memory_space<vmem>>, vector<1x96x128xf32>,
    %slice3A_708 = vector.extract_strided_slice %dot_general3A_326 {offsets = [1664, 0], sizes = [128, 128], strides = [1, 1]} : vector<4096x128xf32> to vector<128x128xf32>
    %slice3A_709 = vector.extract_strided_slice %dot_general3A_362 {offsets = [0, 13], sizes = [128, 1], strides = [1, 1]} : vector<128x32xf32> to vector<128x1xf32>
    %add3A_710 = vector.broadcast %slice3A_709 : vector<128x1xf32> to vector<128x128xf32>
    %add3A_711 = arith.addf %slice3A_708, %add3A_710 : vector<128x128xf32>
    %slice3A_712 = vector.extract_strided_slice %add3A_711 {offsets = [0, 0], sizes = [32, 128], strides = [1, 1]} : vector<128x128xf32> to vector<32x128xf32>
    %slice3A_713 = vector.extract_strided_slice %add3A_711 {offsets = [32, 0], sizes = [32, 128], strides = [1, 1]} : vector<128x128xf32> to vector<32x128xf32>
    %slice3A_714 = vector.extract_strided_slice %add3A_711 {offsets = [64, 0], sizes = [32, 128], strides = [1, 1]} : vector<128x128xf32> to vector<32x128xf32>
    %slice3A_715 = vector.extract_strided_slice %add3A_711 {offsets = [96, 0], sizes = [32, 128], strides = [1, 1]} : vector<128x128xf32> to vector<32x128xf32>
    %convert_element_type3A_716 = arith.fptosi %slice3A_713 : vector<32x128xf32> to vector<32x128xi32>
    %convert_element_type3A_717 = arith.truncf %slice3A_714 : vector<32x128xf32> to vector<32x128xbf16>
    %convert_element_type3A_718 = arith.extf %convert_element_type3A_717 : vector<32x128xbf16> to vector<32x128xf32>
    %bitcast_convert_type3A_719 = tpu.bitcast %convert_element_type3A_718 : vector<32x128xf32> -> vector<32x128xi32>
    %shift_left3A_720 = arith.constant 16 : i32
    %shift_left3A_721 = vector.broadcast %shift_left3A_720 : i32 to vector<32x128xi32>
    %shift_left3A_722 = arith.shli %convert_element_type3A_716, %shift_left3A_721 : vector<32x128xi32>
    %shift_right_logical3A_723 = arith.constant 16 : i32
    %shift_right_logical3A_724 = vector.broadcast %shift_right_logical3A_723 : i32 to vector<32x128xi32>
    %shift_right_logical3A_725 = arith.shrui %bitcast_convert_type3A_719, %shift_right_logical3A_724 : vector<32x128xi32>
    %or3A_726 = arith.ori %shift_left3A_722, %shift_right_logical3A_725 : vector<32x128xi32>
    %bitcast_convert_type3A_727 = tpu.bitcast %or3A_726 : vector<32x128xi32> -> vector<32x128xf32>
    %concatenate3A_728 = tpu.concatenate %slice3A_712, %slice3A_715, %bitcast_convert_type3A_727 in 0 : vector<32x128xf32>, vector<32x128xf32>, vector<32x128xf32> -> vector<96x128xf32>
    %swap3A_729 = arith.constant 13 : index
    %swap3A_730 = arith.constant 0 : index
    %swap3A_731 = arith.constant 0 : index
    %swap3A_732 = vector.load %arg5[%swap3A_729, %swap3A_730, %swap3A_731] : memref<32x96x128xf32, #tpu.memory_space<vmem>>, vector<1x96x128xf32>
    %swap3A_733 = vector.shape_cast %swap3A_732 : vector<1x96x128xf32> to vector<96x128xf32>
    %swap3A_734 = vector.shape_cast %concatenate3A_728 : vector<96x128xf32> to vector<1x96x128xf32>
    tpu.vector_store %arg5[%swap3A_729, %swap3A_730, %swap3A_731], %swap3A_734 {strides = array<i32>} : memref<32x96x128xf32, #tpu.memory_space<vmem>>, vector<1x96x128xf32>,
    %slice3A_735 = vector.extract_strided_slice %dot_general3A_326 {offsets = [1792, 0], sizes = [128, 128], strides = [1, 1]} : vector<4096x128xf32> to vector<128x128xf32>
    %slice3A_736 = vector.extract_strided_slice %dot_general3A_362 {offsets = [0, 14], sizes = [128, 1], strides = [1, 1]} : vector<128x32xf32> to vector<128x1xf32>
    %add3A_737 = vector.broadcast %slice3A_736 : vector<128x1xf32> to vector<128x128xf32>
    %add3A_738 = arith.addf %slice3A_735, %add3A_737 : vector<128x128xf32>
    %slice3A_739 = vector.extract_strided_slice %add3A_738 {offsets = [0, 0], sizes = [32, 128], strides = [1, 1]} : vector<128x128xf32> to vector<32x128xf32>
    %slice3A_740 = vector.extract_strided_slice %add3A_738 {offsets = [32, 0], sizes = [32, 128], strides = [1, 1]} : vector<128x128xf32> to vector<32x128xf32>
    %slice3A_741 = vector.extract_strided_slice %add3A_738 {offsets = [64, 0], sizes = [32, 128], strides = [1, 1]} : vector<128x128xf32> to vector<32x128xf32>
    %slice3A_742 = vector.extract_strided_slice %add3A_738 {offsets = [96, 0], sizes = [32, 128], strides = [1, 1]} : vector<128x128xf32> to vector<32x128xf32>
    %convert_element_type3A_743 = arith.fptosi %slice3A_740 : vector<32x128xf32> to vector<32x128xi32>
    %convert_element_type3A_744 = arith.truncf %slice3A_741 : vector<32x128xf32> to vector<32x128xbf16>
    %convert_element_type3A_745 = arith.extf %convert_element_type3A_744 : vector<32x128xbf16> to vector<32x128xf32>
    %bitcast_convert_type3A_746 = tpu.bitcast %convert_element_type3A_745 : vector<32x128xf32> -> vector<32x128xi32>
    %shift_left3A_747 = arith.constant 16 : i32
    %shift_left3A_748 = vector.broadcast %shift_left3A_747 : i32 to vector<32x128xi32>
    %shift_left3A_749 = arith.shli %convert_element_type3A_743, %shift_left3A_748 : vector<32x128xi32>
    %shift_right_logical3A_750 = arith.constant 16 : i32
    %shift_right_logical3A_751 = vector.broadcast %shift_right_logical3A_750 : i32 to vector<32x128xi32>
    %shift_right_logical3A_752 = arith.shrui %bitcast_convert_type3A_746, %shift_right_logical3A_751 : vector<32x128xi32>
    %or3A_753 = arith.ori %shift_left3A_749, %shift_right_logical3A_752 : vector<32x128xi32>
    %bitcast_convert_type3A_754 = tpu.bitcast %or3A_753 : vector<32x128xi32> -> vector<32x128xf32>
    %concatenate3A_755 = tpu.concatenate %slice3A_739, %slice3A_742, %bitcast_convert_type3A_754 in 0 : vector<32x128xf32>, vector<32x128xf32>, vector<32x128xf32> -> vector<96x128xf32>
    %swap3A_756 = arith.constant 14 : index
    %swap3A_757 = arith.constant 0 : index
    %swap3A_758 = arith.constant 0 : index
    %swap3A_759 = vector.load %arg5[%swap3A_756, %swap3A_757, %swap3A_758] : memref<32x96x128xf32, #tpu.memory_space<vmem>>, vector<1x96x128xf32>
    %swap3A_760 = vector.shape_cast %swap3A_759 : vector<1x96x128xf32> to vector<96x128xf32>
    %swap3A_761 = vector.shape_cast %concatenate3A_755 : vector<96x128xf32> to vector<1x96x128xf32>
    tpu.vector_store %arg5[%swap3A_756, %swap3A_757, %swap3A_758], %swap3A_761 {strides = array<i32>} : memref<32x96x128xf32, #tpu.memory_space<vmem>>, vector<1x96x128xf32>,
    %slice3A_762 = vector.extract_strided_slice %dot_general3A_326 {offsets = [1920, 0], sizes = [128, 128], strides = [1, 1]} : vector<4096x128xf32> to vector<128x128xf32>
    %slice3A_763 = vector.extract_strided_slice %dot_general3A_362 {offsets = [0, 15], sizes = [128, 1], strides = [1, 1]} : vector<128x32xf32> to vector<128x1xf32>
    %add3A_764 = vector.broadcast %slice3A_763 : vector<128x1xf32> to vector<128x128xf32>
    %add3A_765 = arith.addf %slice3A_762, %add3A_764 : vector<128x128xf32>
    %slice3A_766 = vector.extract_strided_slice %add3A_765 {offsets = [0, 0], sizes = [32, 128], strides = [1, 1]} : vector<128x128xf32> to vector<32x128xf32>
    %slice3A_767 = vector.extract_strided_slice %add3A_765 {offsets = [32, 0], sizes = [32, 128], strides = [1, 1]} : vector<128x128xf32> to vector<32x128xf32>
    %slice3A_768 = vector.extract_strided_slice %add3A_765 {offsets = [64, 0], sizes = [32, 128], strides = [1, 1]} : vector<128x128xf32> to vector<32x128xf32>
    %slice3A_769 = vector.extract_strided_slice %add3A_765 {offsets = [96, 0], sizes = [32, 128], strides = [1, 1]} : vector<128x128xf32> to vector<32x128xf32>
    %convert_element_type3A_770 = arith.fptosi %slice3A_767 : vector<32x128xf32> to vector<32x128xi32>
    %convert_element_type3A_771 = arith.truncf %slice3A_768 : vector<32x128xf32> to vector<32x128xbf16>
    %convert_element_type3A_772 = arith.extf %convert_element_type3A_771 : vector<32x128xbf16> to vector<32x128xf32>
    %bitcast_convert_type3A_773 = tpu.bitcast %convert_element_type3A_772 : vector<32x128xf32> -> vector<32x128xi32>
    %shift_left3A_774 = arith.constant 16 : i32
    %shift_left3A_775 = vector.broadcast %shift_left3A_774 : i32 to vector<32x128xi32>
    %shift_left3A_776 = arith.shli %convert_element_type3A_770, %shift_left3A_775 : vector<32x128xi32>
    %shift_right_logical3A_777 = arith.constant 16 : i32
    %shift_right_logical3A_778 = vector.broadcast %shift_right_logical3A_777 : i32 to vector<32x128xi32>
    %shift_right_logical3A_779 = arith.shrui %bitcast_convert_type3A_773, %shift_right_logical3A_778 : vector<32x128xi32>
    %or3A_780 = arith.ori %shift_left3A_776, %shift_right_logical3A_779 : vector<32x128xi32>
    %bitcast_convert_type3A_781 = tpu.bitcast %or3A_780 : vector<32x128xi32> -> vector<32x128xf32>
    %concatenate3A_782 = tpu.concatenate %slice3A_766, %slice3A_769, %bitcast_convert_type3A_781 in 0 : vector<32x128xf32>, vector<32x128xf32>, vector<32x128xf32> -> vector<96x128xf32>
    %swap3A_783 = arith.constant 15 : index
    %swap3A_784 = arith.constant 0 : index
    %swap3A_785 = arith.constant 0 : index
    %swap3A_786 = vector.load %arg5[%swap3A_783, %swap3A_784, %swap3A_785] : memref<32x96x128xf32, #tpu.memory_space<vmem>>, vector<1x96x128xf32>
    %swap3A_787 = vector.shape_cast %swap3A_786 : vector<1x96x128xf32> to vector<96x128xf32>
    %swap3A_788 = vector.shape_cast %concatenate3A_782 : vector<96x128xf32> to vector<1x96x128xf32>
    tpu.vector_store %arg5[%swap3A_783, %swap3A_784, %swap3A_785], %swap3A_788 {strides = array<i32>} : memref<32x96x128xf32, #tpu.memory_space<vmem>>, vector<1x96x128xf32>,
    %slice3A_789 = vector.extract_strided_slice %dot_general3A_326 {offsets = [2048, 0], sizes = [128, 128], strides = [1, 1]} : vector<4096x128xf32> to vector<128x128xf32>
    %slice3A_790 = vector.extract_strided_slice %dot_general3A_362 {offsets = [0, 16], sizes = [128, 1], strides = [1, 1]} : vector<128x32xf32> to vector<128x1xf32>
    %add3A_791 = vector.broadcast %slice3A_790 : vector<128x1xf32> to vector<128x128xf32>
    %add3A_792 = arith.addf %slice3A_789, %add3A_791 : vector<128x128xf32>
    %slice3A_793 = vector.extract_strided_slice %add3A_792 {offsets = [0, 0], sizes = [32, 128], strides = [1, 1]} : vector<128x128xf32> to vector<32x128xf32>
    %slice3A_794 = vector.extract_strided_slice %add3A_792 {offsets = [32, 0], sizes = [32, 128], strides = [1, 1]} : vector<128x128xf32> to vector<32x128xf32>
    %slice3A_795 = vector.extract_strided_slice %add3A_792 {offsets = [64, 0], sizes = [32, 128], strides = [1, 1]} : vector<128x128xf32> to vector<32x128xf32>
    %slice3A_796 = vector.extract_strided_slice %add3A_792 {offsets = [96, 0], sizes = [32, 128], strides = [1, 1]} : vector<128x128xf32> to vector<32x128xf32>
    %convert_element_type3A_797 = arith.fptosi %slice3A_794 : vector<32x128xf32> to vector<32x128xi32>
    %convert_element_type3A_798 = arith.truncf %slice3A_795 : vector<32x128xf32> to vector<32x128xbf16>
    %convert_element_type3A_799 = arith.extf %convert_element_type3A_798 : vector<32x128xbf16> to vector<32x128xf32>
    %bitcast_convert_type3A_800 = tpu.bitcast %convert_element_type3A_799 : vector<32x128xf32> -> vector<32x128xi32>
    %shift_left3A_801 = arith.constant 16 : i32
    %shift_left3A_802 = vector.broadcast %shift_left3A_801 : i32 to vector<32x128xi32>
    %shift_left3A_803 = arith.shli %convert_element_type3A_797, %shift_left3A_802 : vector<32x128xi32>
    %shift_right_logical3A_804 = arith.constant 16 : i32
    %shift_right_logical3A_805 = vector.broadcast %shift_right_logical3A_804 : i32 to vector<32x128xi32>
    %shift_right_logical3A_806 = arith.shrui %bitcast_convert_type3A_800, %shift_right_logical3A_805 : vector<32x128xi32>
    %or3A_807 = arith.ori %shift_left3A_803, %shift_right_logical3A_806 : vector<32x128xi32>
    %bitcast_convert_type3A_808 = tpu.bitcast %or3A_807 : vector<32x128xi32> -> vector<32x128xf32>
    %concatenate3A_809 = tpu.concatenate %slice3A_793, %slice3A_796, %bitcast_convert_type3A_808 in 0 : vector<32x128xf32>, vector<32x128xf32>, vector<32x128xf32> -> vector<96x128xf32>
    %swap3A_810 = arith.constant 16 : index
    %swap3A_811 = arith.constant 0 : index
    %swap3A_812 = arith.constant 0 : index
    %swap3A_813 = vector.load %arg5[%swap3A_810, %swap3A_811, %swap3A_812] : memref<32x96x128xf32, #tpu.memory_space<vmem>>, vector<1x96x128xf32>
    %swap3A_814 = vector.shape_cast %swap3A_813 : vector<1x96x128xf32> to vector<96x128xf32>
    %swap3A_815 = vector.shape_cast %concatenate3A_809 : vector<96x128xf32> to vector<1x96x128xf32>
    tpu.vector_store %arg5[%swap3A_810, %swap3A_811, %swap3A_812], %swap3A_815 {strides = array<i32>} : memref<32x96x128xf32, #tpu.memory_space<vmem>>, vector<1x96x128xf32>,
    %slice3A_816 = vector.extract_strided_slice %dot_general3A_326 {offsets = [2176, 0], sizes = [128, 128], strides = [1, 1]} : vector<4096x128xf32> to vector<128x128xf32>
    %slice3A_817 = vector.extract_strided_slice %dot_general3A_362 {offsets = [0, 17], sizes = [128, 1], strides = [1, 1]} : vector<128x32xf32> to vector<128x1xf32>
    %add3A_818 = vector.broadcast %slice3A_817 : vector<128x1xf32> to vector<128x128xf32>
    %add3A_819 = arith.addf %slice3A_816, %add3A_818 : vector<128x128xf32>
    %slice3A_820 = vector.extract_strided_slice %add3A_819 {offsets = [0, 0], sizes = [32, 128], strides = [1, 1]} : vector<128x128xf32> to vector<32x128xf32>
    %slice3A_821 = vector.extract_strided_slice %add3A_819 {offsets = [32, 0], sizes = [32, 128], strides = [1, 1]} : vector<128x128xf32> to vector<32x128xf32>
    %slice3A_822 = vector.extract_strided_slice %add3A_819 {offsets = [64, 0], sizes = [32, 128], strides = [1, 1]} : vector<128x128xf32> to vector<32x128xf32>
    %slice3A_823 = vector.extract_strided_slice %add3A_819 {offsets = [96, 0], sizes = [32, 128], strides = [1, 1]} : vector<128x128xf32> to vector<32x128xf32>
    %convert_element_type3A_824 = arith.fptosi %slice3A_821 : vector<32x128xf32> to vector<32x128xi32>
    %convert_element_type3A_825 = arith.truncf %slice3A_822 : vector<32x128xf32> to vector<32x128xbf16>
    %convert_element_type3A_826 = arith.extf %convert_element_type3A_825 : vector<32x128xbf16> to vector<32x128xf32>
    %bitcast_convert_type3A_827 = tpu.bitcast %convert_element_type3A_826 : vector<32x128xf32> -> vector<32x128xi32>
    %shift_left3A_828 = arith.constant 16 : i32
    %shift_left3A_829 = vector.broadcast %shift_left3A_828 : i32 to vector<32x128xi32>
    %shift_left3A_830 = arith.shli %convert_element_type3A_824, %shift_left3A_829 : vector<32x128xi32>
    %shift_right_logical3A_831 = arith.constant 16 : i32
    %shift_right_logical3A_832 = vector.broadcast %shift_right_logical3A_831 : i32 to vector<32x128xi32>
    %shift_right_logical3A_833 = arith.shrui %bitcast_convert_type3A_827, %shift_right_logical3A_832 : vector<32x128xi32>
    %or3A_834 = arith.ori %shift_left3A_830, %shift_right_logical3A_833 : vector<32x128xi32>
    %bitcast_convert_type3A_835 = tpu.bitcast %or3A_834 : vector<32x128xi32> -> vector<32x128xf32>
    %concatenate3A_836 = tpu.concatenate %slice3A_820, %slice3A_823, %bitcast_convert_type3A_835 in 0 : vector<32x128xf32>, vector<32x128xf32>, vector<32x128xf32> -> vector<96x128xf32>
    %swap3A_837 = arith.constant 17 : index
    %swap3A_838 = arith.constant 0 : index
    %swap3A_839 = arith.constant 0 : index
    %swap3A_840 = vector.load %arg5[%swap3A_837, %swap3A_838, %swap3A_839] : memref<32x96x128xf32, #tpu.memory_space<vmem>>, vector<1x96x128xf32>
    %swap3A_841 = vector.shape_cast %swap3A_840 : vector<1x96x128xf32> to vector<96x128xf32>
    %swap3A_842 = vector.shape_cast %concatenate3A_836 : vector<96x128xf32> to vector<1x96x128xf32>
    tpu.vector_store %arg5[%swap3A_837, %swap3A_838, %swap3A_839], %swap3A_842 {strides = array<i32>} : memref<32x96x128xf32, #tpu.memory_space<vmem>>, vector<1x96x128xf32>,
    %slice3A_843 = vector.extract_strided_slice %dot_general3A_326 {offsets = [2304, 0], sizes = [128, 128], strides = [1, 1]} : vector<4096x128xf32> to vector<128x128xf32>
    %slice3A_844 = vector.extract_strided_slice %dot_general3A_362 {offsets = [0, 18], sizes = [128, 1], strides = [1, 1]} : vector<128x32xf32> to vector<128x1xf32>
    %add3A_845 = vector.broadcast %slice3A_844 : vector<128x1xf32> to vector<128x128xf32>
    %add3A_846 = arith.addf %slice3A_843, %add3A_845 : vector<128x128xf32>
    %slice3A_847 = vector.extract_strided_slice %add3A_846 {offsets = [0, 0], sizes = [32, 128], strides = [1, 1]} : vector<128x128xf32> to vector<32x128xf32>
    %slice3A_848 = vector.extract_strided_slice %add3A_846 {offsets = [32, 0], sizes = [32, 128], strides = [1, 1]} : vector<128x128xf32> to vector<32x128xf32>
    %slice3A_849 = vector.extract_strided_slice %add3A_846 {offsets = [64, 0], sizes = [32, 128], strides = [1, 1]} : vector<128x128xf32> to vector<32x128xf32>
    %slice3A_850 = vector.extract_strided_slice %add3A_846 {offsets = [96, 0], sizes = [32, 128], strides = [1, 1]} : vector<128x128xf32> to vector<32x128xf32>
    %convert_element_type3A_851 = arith.fptosi %slice3A_848 : vector<32x128xf32> to vector<32x128xi32>
    %convert_element_type3A_852 = arith.truncf %slice3A_849 : vector<32x128xf32> to vector<32x128xbf16>
    %convert_element_type3A_853 = arith.extf %convert_element_type3A_852 : vector<32x128xbf16> to vector<32x128xf32>
    %bitcast_convert_type3A_854 = tpu.bitcast %convert_element_type3A_853 : vector<32x128xf32> -> vector<32x128xi32>
    %shift_left3A_855 = arith.constant 16 : i32
    %shift_left3A_856 = vector.broadcast %shift_left3A_855 : i32 to vector<32x128xi32>
    %shift_left3A_857 = arith.shli %convert_element_type3A_851, %shift_left3A_856 : vector<32x128xi32>
    %shift_right_logical3A_858 = arith.constant 16 : i32
    %shift_right_logical3A_859 = vector.broadcast %shift_right_logical3A_858 : i32 to vector<32x128xi32>
    %shift_right_logical3A_860 = arith.shrui %bitcast_convert_type3A_854, %shift_right_logical3A_859 : vector<32x128xi32>
    %or3A_861 = arith.ori %shift_left3A_857, %shift_right_logical3A_860 : vector<32x128xi32>
    %bitcast_convert_type3A_862 = tpu.bitcast %or3A_861 : vector<32x128xi32> -> vector<32x128xf32>
    %concatenate3A_863 = tpu.concatenate %slice3A_847, %slice3A_850, %bitcast_convert_type3A_862 in 0 : vector<32x128xf32>, vector<32x128xf32>, vector<32x128xf32> -> vector<96x128xf32>
    %swap3A_864 = arith.constant 18 : index
    %swap3A_865 = arith.constant 0 : index
    %swap3A_866 = arith.constant 0 : index
    %swap3A_867 = vector.load %arg5[%swap3A_864, %swap3A_865, %swap3A_866] : memref<32x96x128xf32, #tpu.memory_space<vmem>>, vector<1x96x128xf32>
    %swap3A_868 = vector.shape_cast %swap3A_867 : vector<1x96x128xf32> to vector<96x128xf32>
    %swap3A_869 = vector.shape_cast %concatenate3A_863 : vector<96x128xf32> to vector<1x96x128xf32>
    tpu.vector_store %arg5[%swap3A_864, %swap3A_865, %swap3A_866], %swap3A_869 {strides = array<i32>} : memref<32x96x128xf32, #tpu.memory_space<vmem>>, vector<1x96x128xf32>,
    %slice3A_870 = vector.extract_strided_slice %dot_general3A_326 {offsets = [2432, 0], sizes = [128, 128], strides = [1, 1]} : vector<4096x128xf32> to vector<128x128xf32>
    %slice3A_871 = vector.extract_strided_slice %dot_general3A_362 {offsets = [0, 19], sizes = [128, 1], strides = [1, 1]} : vector<128x32xf32> to vector<128x1xf32>
    %add3A_872 = vector.broadcast %slice3A_871 : vector<128x1xf32> to vector<128x128xf32>
    %add3A_873 = arith.addf %slice3A_870, %add3A_872 : vector<128x128xf32>
    %slice3A_874 = vector.extract_strided_slice %add3A_873 {offsets = [0, 0], sizes = [32, 128], strides = [1, 1]} : vector<128x128xf32> to vector<32x128xf32>
    %slice3A_875 = vector.extract_strided_slice %add3A_873 {offsets = [32, 0], sizes = [32, 128], strides = [1, 1]} : vector<128x128xf32> to vector<32x128xf32>
    %slice3A_876 = vector.extract_strided_slice %add3A_873 {offsets = [64, 0], sizes = [32, 128], strides = [1, 1]} : vector<128x128xf32> to vector<32x128xf32>
    %slice3A_877 = vector.extract_strided_slice %add3A_873 {offsets = [96, 0], sizes = [32, 128], strides = [1, 1]} : vector<128x128xf32> to vector<32x128xf32>
    %convert_element_type3A_878 = arith.fptosi %slice3A_875 : vector<32x128xf32> to vector<32x128xi32>
    %convert_element_type3A_879 = arith.truncf %slice3A_876 : vector<32x128xf32> to vector<32x128xbf16>
    %convert_element_type3A_880 = arith.extf %convert_element_type3A_879 : vector<32x128xbf16> to vector<32x128xf32>
    %bitcast_convert_type3A_881 = tpu.bitcast %convert_element_type3A_880 : vector<32x128xf32> -> vector<32x128xi32>
    %shift_left3A_882 = arith.constant 16 : i32
    %shift_left3A_883 = vector.broadcast %shift_left3A_882 : i32 to vector<32x128xi32>
    %shift_left3A_884 = arith.shli %convert_element_type3A_878, %shift_left3A_883 : vector<32x128xi32>
    %shift_right_logical3A_885 = arith.constant 16 : i32
    %shift_right_logical3A_886 = vector.broadcast %shift_right_logical3A_885 : i32 to vector<32x128xi32>
    %shift_right_logical3A_887 = arith.shrui %bitcast_convert_type3A_881, %shift_right_logical3A_886 : vector<32x128xi32>
    %or3A_888 = arith.ori %shift_left3A_884, %shift_right_logical3A_887 : vector<32x128xi32>
    %bitcast_convert_type3A_889 = tpu.bitcast %or3A_888 : vector<32x128xi32> -> vector<32x128xf32>
    %concatenate3A_890 = tpu.concatenate %slice3A_874, %slice3A_877, %bitcast_convert_type3A_889 in 0 : vector<32x128xf32>, vector<32x128xf32>, vector<32x128xf32> -> vector<96x128xf32>
    %swap3A_891 = arith.constant 19 : index
    %swap3A_892 = arith.constant 0 : index
    %swap3A_893 = arith.constant 0 : index
    %swap3A_894 = vector.load %arg5[%swap3A_891, %swap3A_892, %swap3A_893] : memref<32x96x128xf32, #tpu.memory_space<vmem>>, vector<1x96x128xf32>
    %swap3A_895 = vector.shape_cast %swap3A_894 : vector<1x96x128xf32> to vector<96x128xf32>
    %swap3A_896 = vector.shape_cast %concatenate3A_890 : vector<96x128xf32> to vector<1x96x128xf32>
    tpu.vector_store %arg5[%swap3A_891, %swap3A_892, %swap3A_893], %swap3A_896 {strides = array<i32>} : memref<32x96x128xf32, #tpu.memory_space<vmem>>, vector<1x96x128xf32>,
    %slice3A_897 = vector.extract_strided_slice %dot_general3A_326 {offsets = [2560, 0], sizes = [128, 128], strides = [1, 1]} : vector<4096x128xf32> to vector<128x128xf32>
    %slice3A_898 = vector.extract_strided_slice %dot_general3A_362 {offsets = [0, 20], sizes = [128, 1], strides = [1, 1]} : vector<128x32xf32> to vector<128x1xf32>
    %add3A_899 = vector.broadcast %slice3A_898 : vector<128x1xf32> to vector<128x128xf32>
    %add3A_900 = arith.addf %slice3A_897, %add3A_899 : vector<128x128xf32>
    %slice3A_901 = vector.extract_strided_slice %add3A_900 {offsets = [0, 0], sizes = [32, 128], strides = [1, 1]} : vector<128x128xf32> to vector<32x128xf32>
    %slice3A_902 = vector.extract_strided_slice %add3A_900 {offsets = [32, 0], sizes = [32, 128], strides = [1, 1]} : vector<128x128xf32> to vector<32x128xf32>
    %slice3A_903 = vector.extract_strided_slice %add3A_900 {offsets = [64, 0], sizes = [32, 128], strides = [1, 1]} : vector<128x128xf32> to vector<32x128xf32>
    %slice3A_904 = vector.extract_strided_slice %add3A_900 {offsets = [96, 0], sizes = [32, 128], strides = [1, 1]} : vector<128x128xf32> to vector<32x128xf32>
    %convert_element_type3A_905 = arith.fptosi %slice3A_902 : vector<32x128xf32> to vector<32x128xi32>
    %convert_element_type3A_906 = arith.truncf %slice3A_903 : vector<32x128xf32> to vector<32x128xbf16>
    %convert_element_type3A_907 = arith.extf %convert_element_type3A_906 : vector<32x128xbf16> to vector<32x128xf32>
    %bitcast_convert_type3A_908 = tpu.bitcast %convert_element_type3A_907 : vector<32x128xf32> -> vector<32x128xi32>
    %shift_left3A_909 = arith.constant 16 : i32
    %shift_left3A_910 = vector.broadcast %shift_left3A_909 : i32 to vector<32x128xi32>
    %shift_left3A_911 = arith.shli %convert_element_type3A_905, %shift_left3A_910 : vector<32x128xi32>
    %shift_right_logical3A_912 = arith.constant 16 : i32
    %shift_right_logical3A_913 = vector.broadcast %shift_right_logical3A_912 : i32 to vector<32x128xi32>
    %shift_right_logical3A_914 = arith.shrui %bitcast_convert_type3A_908, %shift_right_logical3A_913 : vector<32x128xi32>
    %or3A_915 = arith.ori %shift_left3A_911, %shift_right_logical3A_914 : vector<32x128xi32>
    %bitcast_convert_type3A_916 = tpu.bitcast %or3A_915 : vector<32x128xi32> -> vector<32x128xf32>
    %concatenate3A_917 = tpu.concatenate %slice3A_901, %slice3A_904, %bitcast_convert_type3A_916 in 0 : vector<32x128xf32>, vector<32x128xf32>, vector<32x128xf32> -> vector<96x128xf32>
    %swap3A_918 = arith.constant 20 : index
    %swap3A_919 = arith.constant 0 : index
    %swap3A_920 = arith.constant 0 : index
    %swap3A_921 = vector.load %arg5[%swap3A_918, %swap3A_919, %swap3A_920] : memref<32x96x128xf32, #tpu.memory_space<vmem>>, vector<1x96x128xf32>
    %swap3A_922 = vector.shape_cast %swap3A_921 : vector<1x96x128xf32> to vector<96x128xf32>
    %swap3A_923 = vector.shape_cast %concatenate3A_917 : vector<96x128xf32> to vector<1x96x128xf32>
    tpu.vector_store %arg5[%swap3A_918, %swap3A_919, %swap3A_920], %swap3A_923 {strides = array<i32>} : memref<32x96x128xf32, #tpu.memory_space<vmem>>, vector<1x96x128xf32>,
    %slice3A_924 = vector.extract_strided_slice %dot_general3A_326 {offsets = [2688, 0], sizes = [128, 128], strides = [1, 1]} : vector<4096x128xf32> to vector<128x128xf32>
    %slice3A_925 = vector.extract_strided_slice %dot_general3A_362 {offsets = [0, 21], sizes = [128, 1], strides = [1, 1]} : vector<128x32xf32> to vector<128x1xf32>
    %add3A_926 = vector.broadcast %slice3A_925 : vector<128x1xf32> to vector<128x128xf32>
    %add3A_927 = arith.addf %slice3A_924, %add3A_926 : vector<128x128xf32>
    %slice3A_928 = vector.extract_strided_slice %add3A_927 {offsets = [0, 0], sizes = [32, 128], strides = [1, 1]} : vector<128x128xf32> to vector<32x128xf32>
    %slice3A_929 = vector.extract_strided_slice %add3A_927 {offsets = [32, 0], sizes = [32, 128], strides = [1, 1]} : vector<128x128xf32> to vector<32x128xf32>
    %slice3A_930 = vector.extract_strided_slice %add3A_927 {offsets = [64, 0], sizes = [32, 128], strides = [1, 1]} : vector<128x128xf32> to vector<32x128xf32>
    %slice3A_931 = vector.extract_strided_slice %add3A_927 {offsets = [96, 0], sizes = [32, 128], strides = [1, 1]} : vector<128x128xf32> to vector<32x128xf32>
    %convert_element_type3A_932 = arith.fptosi %slice3A_929 : vector<32x128xf32> to vector<32x128xi32>
    %convert_element_type3A_933 = arith.truncf %slice3A_930 : vector<32x128xf32> to vector<32x128xbf16>
    %convert_element_type3A_934 = arith.extf %convert_element_type3A_933 : vector<32x128xbf16> to vector<32x128xf32>
    %bitcast_convert_type3A_935 = tpu.bitcast %convert_element_type3A_934 : vector<32x128xf32> -> vector<32x128xi32>
    %shift_left3A_936 = arith.constant 16 : i32
    %shift_left3A_937 = vector.broadcast %shift_left3A_936 : i32 to vector<32x128xi32>
    %shift_left3A_938 = arith.shli %convert_element_type3A_932, %shift_left3A_937 : vector<32x128xi32>
    %shift_right_logical3A_939 = arith.constant 16 : i32
    %shift_right_logical3A_940 = vector.broadcast %shift_right_logical3A_939 : i32 to vector<32x128xi32>
    %shift_right_logical3A_941 = arith.shrui %bitcast_convert_type3A_935, %shift_right_logical3A_940 : vector<32x128xi32>
    %or3A_942 = arith.ori %shift_left3A_938, %shift_right_logical3A_941 : vector<32x128xi32>
    %bitcast_convert_type3A_943 = tpu.bitcast %or3A_942 : vector<32x128xi32> -> vector<32x128xf32>
    %concatenate3A_944 = tpu.concatenate %slice3A_928, %slice3A_931, %bitcast_convert_type3A_943 in 0 : vector<32x128xf32>, vector<32x128xf32>, vector<32x128xf32> -> vector<96x128xf32>
    %swap3A_945 = arith.constant 21 : index
    %swap3A_946 = arith.constant 0 : index
    %swap3A_947 = arith.constant 0 : index
    %swap3A_948 = vector.load %arg5[%swap3A_945, %swap3A_946, %swap3A_947] : memref<32x96x128xf32, #tpu.memory_space<vmem>>, vector<1x96x128xf32>
    %swap3A_949 = vector.shape_cast %swap3A_948 : vector<1x96x128xf32> to vector<96x128xf32>
    %swap3A_950 = vector.shape_cast %concatenate3A_944 : vector<96x128xf32> to vector<1x96x128xf32>
    tpu.vector_store %arg5[%swap3A_945, %swap3A_946, %swap3A_947], %swap3A_950 {strides = array<i32>} : memref<32x96x128xf32, #tpu.memory_space<vmem>>, vector<1x96x128xf32>,
    %slice3A_951 = vector.extract_strided_slice %dot_general3A_326 {offsets = [2816, 0], sizes = [128, 128], strides = [1, 1]} : vector<4096x128xf32> to vector<128x128xf32>
    %slice3A_952 = vector.extract_strided_slice %dot_general3A_362 {offsets = [0, 22], sizes = [128, 1], strides = [1, 1]} : vector<128x32xf32> to vector<128x1xf32>
    %add3A_953 = vector.broadcast %slice3A_952 : vector<128x1xf32> to vector<128x128xf32>
    %add3A_954 = arith.addf %slice3A_951, %add3A_953 : vector<128x128xf32>
    %slice3A_955 = vector.extract_strided_slice %add3A_954 {offsets = [0, 0], sizes = [32, 128], strides = [1, 1]} : vector<128x128xf32> to vector<32x128xf32>
    %slice3A_956 = vector.extract_strided_slice %add3A_954 {offsets = [32, 0], sizes = [32, 128], strides = [1, 1]} : vector<128x128xf32> to vector<32x128xf32>
    %slice3A_957 = vector.extract_strided_slice %add3A_954 {offsets = [64, 0], sizes = [32, 128], strides = [1, 1]} : vector<128x128xf32> to vector<32x128xf32>
    %slice3A_958 = vector.extract_strided_slice %add3A_954 {offsets = [96, 0], sizes = [32, 128], strides = [1, 1]} : vector<128x128xf32> to vector<32x128xf32>
    %convert_element_type3A_959 = arith.fptosi %slice3A_956 : vector<32x128xf32> to vector<32x128xi32>
    %convert_element_type3A_960 = arith.truncf %slice3A_957 : vector<32x128xf32> to vector<32x128xbf16>
    %convert_element_type3A_961 = arith.extf %convert_element_type3A_960 : vector<32x128xbf16> to vector<32x128xf32>
    %bitcast_convert_type3A_962 = tpu.bitcast %convert_element_type3A_961 : vector<32x128xf32> -> vector<32x128xi32>
    %shift_left3A_963 = arith.constant 16 : i32
    %shift_left3A_964 = vector.broadcast %shift_left3A_963 : i32 to vector<32x128xi32>
    %shift_left3A_965 = arith.shli %convert_element_type3A_959, %shift_left3A_964 : vector<32x128xi32>
    %shift_right_logical3A_966 = arith.constant 16 : i32
    %shift_right_logical3A_967 = vector.broadcast %shift_right_logical3A_966 : i32 to vector<32x128xi32>
    %shift_right_logical3A_968 = arith.shrui %bitcast_convert_type3A_962, %shift_right_logical3A_967 : vector<32x128xi32>
    %or3A_969 = arith.ori %shift_left3A_965, %shift_right_logical3A_968 : vector<32x128xi32>
    %bitcast_convert_type3A_970 = tpu.bitcast %or3A_969 : vector<32x128xi32> -> vector<32x128xf32>
    %concatenate3A_971 = tpu.concatenate %slice3A_955, %slice3A_958, %bitcast_convert_type3A_970 in 0 : vector<32x128xf32>, vector<32x128xf32>, vector<32x128xf32> -> vector<96x128xf32>
    %swap3A_972 = arith.constant 22 : index
    %swap3A_973 = arith.constant 0 : index
    %swap3A_974 = arith.constant 0 : index
    %swap3A_975 = vector.load %arg5[%swap3A_972, %swap3A_973, %swap3A_974] : memref<32x96x128xf32, #tpu.memory_space<vmem>>, vector<1x96x128xf32>
    %swap3A_976 = vector.shape_cast %swap3A_975 : vector<1x96x128xf32> to vector<96x128xf32>
    %swap3A_977 = vector.shape_cast %concatenate3A_971 : vector<96x128xf32> to vector<1x96x128xf32>
    tpu.vector_store %arg5[%swap3A_972, %swap3A_973, %swap3A_974], %swap3A_977 {strides = array<i32>} : memref<32x96x128xf32, #tpu.memory_space<vmem>>, vector<1x96x128xf32>,
    %slice3A_978 = vector.extract_strided_slice %dot_general3A_326 {offsets = [2944, 0], sizes = [128, 128], strides = [1, 1]} : vector<4096x128xf32> to vector<128x128xf32>
    %slice3A_979 = vector.extract_strided_slice %dot_general3A_362 {offsets = [0, 23], sizes = [128, 1], strides = [1, 1]} : vector<128x32xf32> to vector<128x1xf32>
    %add3A_980 = vector.broadcast %slice3A_979 : vector<128x1xf32> to vector<128x128xf32>
    %add3A_981 = arith.addf %slice3A_978, %add3A_980 : vector<128x128xf32>
    %slice3A_982 = vector.extract_strided_slice %add3A_981 {offsets = [0, 0], sizes = [32, 128], strides = [1, 1]} : vector<128x128xf32> to vector<32x128xf32>
    %slice3A_983 = vector.extract_strided_slice %add3A_981 {offsets = [32, 0], sizes = [32, 128], strides = [1, 1]} : vector<128x128xf32> to vector<32x128xf32>
    %slice3A_984 = vector.extract_strided_slice %add3A_981 {offsets = [64, 0], sizes = [32, 128], strides = [1, 1]} : vector<128x128xf32> to vector<32x128xf32>
    %slice3A_985 = vector.extract_strided_slice %add3A_981 {offsets = [96, 0], sizes = [32, 128], strides = [1, 1]} : vector<128x128xf32> to vector<32x128xf32>
    %convert_element_type3A_986 = arith.fptosi %slice3A_983 : vector<32x128xf32> to vector<32x128xi32>
    %convert_element_type3A_987 = arith.truncf %slice3A_984 : vector<32x128xf32> to vector<32x128xbf16>
    %convert_element_type3A_988 = arith.extf %convert_element_type3A_987 : vector<32x128xbf16> to vector<32x128xf32>
    %bitcast_convert_type3A_989 = tpu.bitcast %convert_element_type3A_988 : vector<32x128xf32> -> vector<32x128xi32>
    %shift_left3A_990 = arith.constant 16 : i32
    %shift_left3A_991 = vector.broadcast %shift_left3A_990 : i32 to vector<32x128xi32>
    %shift_left3A_992 = arith.shli %convert_element_type3A_986, %shift_left3A_991 : vector<32x128xi32>
    %shift_right_logical3A_993 = arith.constant 16 : i32
    %shift_right_logical3A_994 = vector.broadcast %shift_right_logical3A_993 : i32 to vector<32x128xi32>
    %shift_right_logical3A_995 = arith.shrui %bitcast_convert_type3A_989, %shift_right_logical3A_994 : vector<32x128xi32>
    %or3A_996 = arith.ori %shift_left3A_992, %shift_right_logical3A_995 : vector<32x128xi32>
    %bitcast_convert_type3A_997 = tpu.bitcast %or3A_996 : vector<32x128xi32> -> vector<32x128xf32>
    %concatenate3A_998 = tpu.concatenate %slice3A_982, %slice3A_985, %bitcast_convert_type3A_997 in 0 : vector<32x128xf32>, vector<32x128xf32>, vector<32x128xf32> -> vector<96x128xf32>
    %swap3A_999 = arith.constant 23 : index
    %swap3A_1000 = arith.constant 0 : index
    %swap3A_1001 = arith.constant 0 : index
    %swap3A_1002 = vector.load %arg5[%swap3A_999, %swap3A_1000, %swap3A_1001] : memref<32x96x128xf32, #tpu.memory_space<vmem>>, vector<1x96x128xf32>
    %swap3A_1003 = vector.shape_cast %swap3A_1002 : vector<1x96x128xf32> to vector<96x128xf32>
    %swap3A_1004 = vector.shape_cast %concatenate3A_998 : vector<96x128xf32> to vector<1x96x128xf32>
    tpu.vector_store %arg5[%swap3A_999, %swap3A_1000, %swap3A_1001], %swap3A_1004 {strides = array<i32>} : memref<32x96x128xf32, #tpu.memory_space<vmem>>, vector<1x96x128xf32>,
    %slice3A_1005 = vector.extract_strided_slice %dot_general3A_326 {offsets = [3072, 0], sizes = [128, 128], strides = [1, 1]} : vector<4096x128xf32> to vector<128x128xf32>
    %slice3A_1006 = vector.extract_strided_slice %dot_general3A_362 {offsets = [0, 24], sizes = [128, 1], strides = [1, 1]} : vector<128x32xf32> to vector<128x1xf32>
    %add3A_1007 = vector.broadcast %slice3A_1006 : vector<128x1xf32> to vector<128x128xf32>
    %add3A_1008 = arith.addf %slice3A_1005, %add3A_1007 : vector<128x128xf32>
    %slice3A_1009 = vector.extract_strided_slice %add3A_1008 {offsets = [0, 0], sizes = [32, 128], strides = [1, 1]} : vector<128x128xf32> to vector<32x128xf32>
    %slice3A_1010 = vector.extract_strided_slice %add3A_1008 {offsets = [32, 0], sizes = [32, 128], strides = [1, 1]} : vector<128x128xf32> to vector<32x128xf32>
    %slice3A_1011 = vector.extract_strided_slice %add3A_1008 {offsets = [64, 0], sizes = [32, 128], strides = [1, 1]} : vector<128x128xf32> to vector<32x128xf32>
    %slice3A_1012 = vector.extract_strided_slice %add3A_1008 {offsets = [96, 0], sizes = [32, 128], strides = [1, 1]} : vector<128x128xf32> to vector<32x128xf32>
    %convert_element_type3A_1013 = arith.fptosi %slice3A_1010 : vector<32x128xf32> to vector<32x128xi32>
    %convert_element_type3A_1014 = arith.truncf %slice3A_1011 : vector<32x128xf32> to vector<32x128xbf16>
    %convert_element_type3A_1015 = arith.extf %convert_element_type3A_1014 : vector<32x128xbf16> to vector<32x128xf32>
    %bitcast_convert_type3A_1016 = tpu.bitcast %convert_element_type3A_1015 : vector<32x128xf32> -> vector<32x128xi32>
    %shift_left3A_1017 = arith.constant 16 : i32
    %shift_left3A_1018 = vector.broadcast %shift_left3A_1017 : i32 to vector<32x128xi32>
    %shift_left3A_1019 = arith.shli %convert_element_type3A_1013, %shift_left3A_1018 : vector<32x128xi32>
    %shift_right_logical3A_1020 = arith.constant 16 : i32
    %shift_right_logical3A_1021 = vector.broadcast %shift_right_logical3A_1020 : i32 to vector<32x128xi32>
    %shift_right_logical3A_1022 = arith.shrui %bitcast_convert_type3A_1016, %shift_right_logical3A_1021 : vector<32x128xi32>
    %or3A_1023 = arith.ori %shift_left3A_1019, %shift_right_logical3A_1022 : vector<32x128xi32>
    %bitcast_convert_type3A_1024 = tpu.bitcast %or3A_1023 : vector<32x128xi32> -> vector<32x128xf32>
    %concatenate3A_1025 = tpu.concatenate %slice3A_1009, %slice3A_1012, %bitcast_convert_type3A_1024 in 0 : vector<32x128xf32>, vector<32x128xf32>, vector<32x128xf32> -> vector<96x128xf32>
    %swap3A_1026 = arith.constant 24 : index
    %swap3A_1027 = arith.constant 0 : index
    %swap3A_1028 = arith.constant 0 : index
    %swap3A_1029 = vector.load %arg5[%swap3A_1026, %swap3A_1027, %swap3A_1028] : memref<32x96x128xf32, #tpu.memory_space<vmem>>, vector<1x96x128xf32>
    %swap3A_1030 = vector.shape_cast %swap3A_1029 : vector<1x96x128xf32> to vector<96x128xf32>
    %swap3A_1031 = vector.shape_cast %concatenate3A_1025 : vector<96x128xf32> to vector<1x96x128xf32>
    tpu.vector_store %arg5[%swap3A_1026, %swap3A_1027, %swap3A_1028], %swap3A_1031 {strides = array<i32>} : memref<32x96x128xf32, #tpu.memory_space<vmem>>, vector<1x96x128xf32>,
    %slice3A_1032 = vector.extract_strided_slice %dot_general3A_326 {offsets = [3200, 0], sizes = [128, 128], strides = [1, 1]} : vector<4096x128xf32> to vector<128x128xf32>
    %slice3A_1033 = vector.extract_strided_slice %dot_general3A_362 {offsets = [0, 25], sizes = [128, 1], strides = [1, 1]} : vector<128x32xf32> to vector<128x1xf32>
    %add3A_1034 = vector.broadcast %slice3A_1033 : vector<128x1xf32> to vector<128x128xf32>
    %add3A_1035 = arith.addf %slice3A_1032, %add3A_1034 : vector<128x128xf32>
    %slice3A_1036 = vector.extract_strided_slice %add3A_1035 {offsets = [0, 0], sizes = [32, 128], strides = [1, 1]} : vector<128x128xf32> to vector<32x128xf32>
    %slice3A_1037 = vector.extract_strided_slice %add3A_1035 {offsets = [32, 0], sizes = [32, 128], strides = [1, 1]} : vector<128x128xf32> to vector<32x128xf32>
    %slice3A_1038 = vector.extract_strided_slice %add3A_1035 {offsets = [64, 0], sizes = [32, 128], strides = [1, 1]} : vector<128x128xf32> to vector<32x128xf32>
    %slice3A_1039 = vector.extract_strided_slice %add3A_1035 {offsets = [96, 0], sizes = [32, 128], strides = [1, 1]} : vector<128x128xf32> to vector<32x128xf32>
    %convert_element_type3A_1040 = arith.fptosi %slice3A_1037 : vector<32x128xf32> to vector<32x128xi32>
    %convert_element_type3A_1041 = arith.truncf %slice3A_1038 : vector<32x128xf32> to vector<32x128xbf16>
    %convert_element_type3A_1042 = arith.extf %convert_element_type3A_1041 : vector<32x128xbf16> to vector<32x128xf32>
    %bitcast_convert_type3A_1043 = tpu.bitcast %convert_element_type3A_1042 : vector<32x128xf32> -> vector<32x128xi32>
    %shift_left3A_1044 = arith.constant 16 : i32
    %shift_left3A_1045 = vector.broadcast %shift_left3A_1044 : i32 to vector<32x128xi32>
    %shift_left3A_1046 = arith.shli %convert_element_type3A_1040, %shift_left3A_1045 : vector<32x128xi32>
    %shift_right_logical3A_1047 = arith.constant 16 : i32
    %shift_right_logical3A_1048 = vector.broadcast %shift_right_logical3A_1047 : i32 to vector<32x128xi32>
    %shift_right_logical3A_1049 = arith.shrui %bitcast_convert_type3A_1043, %shift_right_logical3A_1048 : vector<32x128xi32>
    %or3A_1050 = arith.ori %shift_left3A_1046, %shift_right_logical3A_1049 : vector<32x128xi32>
    %bitcast_convert_type3A_1051 = tpu.bitcast %or3A_1050 : vector<32x128xi32> -> vector<32x128xf32>
    %concatenate3A_1052 = tpu.concatenate %slice3A_1036, %slice3A_1039, %bitcast_convert_type3A_1051 in 0 : vector<32x128xf32>, vector<32x128xf32>, vector<32x128xf32> -> vector<96x128xf32>
    %swap3A_1053 = arith.constant 25 : index
    %swap3A_1054 = arith.constant 0 : index
    %swap3A_1055 = arith.constant 0 : index
    %swap3A_1056 = vector.load %arg5[%swap3A_1053, %swap3A_1054, %swap3A_1055] : memref<32x96x128xf32, #tpu.memory_space<vmem>>, vector<1x96x128xf32>
    %swap3A_1057 = vector.shape_cast %swap3A_1056 : vector<1x96x128xf32> to vector<96x128xf32>
    %swap3A_1058 = vector.shape_cast %concatenate3A_1052 : vector<96x128xf32> to vector<1x96x128xf32>
    tpu.vector_store %arg5[%swap3A_1053, %swap3A_1054, %swap3A_1055], %swap3A_1058 {strides = array<i32>} : memref<32x96x128xf32, #tpu.memory_space<vmem>>, vector<1x96x128xf32>,
    %slice3A_1059 = vector.extract_strided_slice %dot_general3A_326 {offsets = [3328, 0], sizes = [128, 128], strides = [1, 1]} : vector<4096x128xf32> to vector<128x128xf32>
    %slice3A_1060 = vector.extract_strided_slice %dot_general3A_362 {offsets = [0, 26], sizes = [128, 1], strides = [1, 1]} : vector<128x32xf32> to vector<128x1xf32>
    %add3A_1061 = vector.broadcast %slice3A_1060 : vector<128x1xf32> to vector<128x128xf32>
    %add3A_1062 = arith.addf %slice3A_1059, %add3A_1061 : vector<128x128xf32>
    %slice3A_1063 = vector.extract_strided_slice %add3A_1062 {offsets = [0, 0], sizes = [32, 128], strides = [1, 1]} : vector<128x128xf32> to vector<32x128xf32>
    %slice3A_1064 = vector.extract_strided_slice %add3A_1062 {offsets = [32, 0], sizes = [32, 128], strides = [1, 1]} : vector<128x128xf32> to vector<32x128xf32>
    %slice3A_1065 = vector.extract_strided_slice %add3A_1062 {offsets = [64, 0], sizes = [32, 128], strides = [1, 1]} : vector<128x128xf32> to vector<32x128xf32>
    %slice3A_1066 = vector.extract_strided_slice %add3A_1062 {offsets = [96, 0], sizes = [32, 128], strides = [1, 1]} : vector<128x128xf32> to vector<32x128xf32>
    %convert_element_type3A_1067 = arith.fptosi %slice3A_1064 : vector<32x128xf32> to vector<32x128xi32>
    %convert_element_type3A_1068 = arith.truncf %slice3A_1065 : vector<32x128xf32> to vector<32x128xbf16>
    %convert_element_type3A_1069 = arith.extf %convert_element_type3A_1068 : vector<32x128xbf16> to vector<32x128xf32>
    %bitcast_convert_type3A_1070 = tpu.bitcast %convert_element_type3A_1069 : vector<32x128xf32> -> vector<32x128xi32>
    %shift_left3A_1071 = arith.constant 16 : i32
    %shift_left3A_1072 = vector.broadcast %shift_left3A_1071 : i32 to vector<32x128xi32>
    %shift_left3A_1073 = arith.shli %convert_element_type3A_1067, %shift_left3A_1072 : vector<32x128xi32>
    %shift_right_logical3A_1074 = arith.constant 16 : i32
    %shift_right_logical3A_1075 = vector.broadcast %shift_right_logical3A_1074 : i32 to vector<32x128xi32>
    %shift_right_logical3A_1076 = arith.shrui %bitcast_convert_type3A_1070, %shift_right_logical3A_1075 : vector<32x128xi32>
    %or3A_1077 = arith.ori %shift_left3A_1073, %shift_right_logical3A_1076 : vector<32x128xi32>
    %bitcast_convert_type3A_1078 = tpu.bitcast %or3A_1077 : vector<32x128xi32> -> vector<32x128xf32>
    %concatenate3A_1079 = tpu.concatenate %slice3A_1063, %slice3A_1066, %bitcast_convert_type3A_1078 in 0 : vector<32x128xf32>, vector<32x128xf32>, vector<32x128xf32> -> vector<96x128xf32>
    %swap3A_1080 = arith.constant 26 : index
    %swap3A_1081 = arith.constant 0 : index
    %swap3A_1082 = arith.constant 0 : index
    %swap3A_1083 = vector.load %arg5[%swap3A_1080, %swap3A_1081, %swap3A_1082] : memref<32x96x128xf32, #tpu.memory_space<vmem>>, vector<1x96x128xf32>
    %swap3A_1084 = vector.shape_cast %swap3A_1083 : vector<1x96x128xf32> to vector<96x128xf32>
    %swap3A_1085 = vector.shape_cast %concatenate3A_1079 : vector<96x128xf32> to vector<1x96x128xf32>
    tpu.vector_store %arg5[%swap3A_1080, %swap3A_1081, %swap3A_1082], %swap3A_1085 {strides = array<i32>} : memref<32x96x128xf32, #tpu.memory_space<vmem>>, vector<1x96x128xf32>,
    %slice3A_1086 = vector.extract_strided_slice %dot_general3A_326 {offsets = [3456, 0], sizes = [128, 128], strides = [1, 1]} : vector<4096x128xf32> to vector<128x128xf32>
    %slice3A_1087 = vector.extract_strided_slice %dot_general3A_362 {offsets = [0, 27], sizes = [128, 1], strides = [1, 1]} : vector<128x32xf32> to vector<128x1xf32>
    %add3A_1088 = vector.broadcast %slice3A_1087 : vector<128x1xf32> to vector<128x128xf32>
    %add3A_1089 = arith.addf %slice3A_1086, %add3A_1088 : vector<128x128xf32>
    %slice3A_1090 = vector.extract_strided_slice %add3A_1089 {offsets = [0, 0], sizes = [32, 128], strides = [1, 1]} : vector<128x128xf32> to vector<32x128xf32>
    %slice3A_1091 = vector.extract_strided_slice %add3A_1089 {offsets = [32, 0], sizes = [32, 128], strides = [1, 1]} : vector<128x128xf32> to vector<32x128xf32>
    %slice3A_1092 = vector.extract_strided_slice %add3A_1089 {offsets = [64, 0], sizes = [32, 128], strides = [1, 1]} : vector<128x128xf32> to vector<32x128xf32>
    %slice3A_1093 = vector.extract_strided_slice %add3A_1089 {offsets = [96, 0], sizes = [32, 128], strides = [1, 1]} : vector<128x128xf32> to vector<32x128xf32>
    %convert_element_type3A_1094 = arith.fptosi %slice3A_1091 : vector<32x128xf32> to vector<32x128xi32>
    %convert_element_type3A_1095 = arith.truncf %slice3A_1092 : vector<32x128xf32> to vector<32x128xbf16>
    %convert_element_type3A_1096 = arith.extf %convert_element_type3A_1095 : vector<32x128xbf16> to vector<32x128xf32>
    %bitcast_convert_type3A_1097 = tpu.bitcast %convert_element_type3A_1096 : vector<32x128xf32> -> vector<32x128xi32>
    %shift_left3A_1098 = arith.constant 16 : i32
    %shift_left3A_1099 = vector.broadcast %shift_left3A_1098 : i32 to vector<32x128xi32>
    %shift_left3A_1100 = arith.shli %convert_element_type3A_1094, %shift_left3A_1099 : vector<32x128xi32>
    %shift_right_logical3A_1101 = arith.constant 16 : i32
    %shift_right_logical3A_1102 = vector.broadcast %shift_right_logical3A_1101 : i32 to vector<32x128xi32>
    %shift_right_logical3A_1103 = arith.shrui %bitcast_convert_type3A_1097, %shift_right_logical3A_1102 : vector<32x128xi32>
    %or3A_1104 = arith.ori %shift_left3A_1100, %shift_right_logical3A_1103 : vector<32x128xi32>
    %bitcast_convert_type3A_1105 = tpu.bitcast %or3A_1104 : vector<32x128xi32> -> vector<32x128xf32>
    %concatenate3A_1106 = tpu.concatenate %slice3A_1090, %slice3A_1093, %bitcast_convert_type3A_1105 in 0 : vector<32x128xf32>, vector<32x128xf32>, vector<32x128xf32> -> vector<96x128xf32>
    %swap3A_1107 = arith.constant 27 : index
    %swap3A_1108 = arith.constant 0 : index
    %swap3A_1109 = arith.constant 0 : index
    %swap3A_1110 = vector.load %arg5[%swap3A_1107, %swap3A_1108, %swap3A_1109] : memref<32x96x128xf32, #tpu.memory_space<vmem>>, vector<1x96x128xf32>
    %swap3A_1111 = vector.shape_cast %swap3A_1110 : vector<1x96x128xf32> to vector<96x128xf32>
    %swap3A_1112 = vector.shape_cast %concatenate3A_1106 : vector<96x128xf32> to vector<1x96x128xf32>
    tpu.vector_store %arg5[%swap3A_1107, %swap3A_1108, %swap3A_1109], %swap3A_1112 {strides = array<i32>} : memref<32x96x128xf32, #tpu.memory_space<vmem>>, vector<1x96x128xf32>,
    %slice3A_1113 = vector.extract_strided_slice %dot_general3A_326 {offsets = [3584, 0], sizes = [128, 128], strides = [1, 1]} : vector<4096x128xf32> to vector<128x128xf32>
    %slice3A_1114 = vector.extract_strided_slice %dot_general3A_362 {offsets = [0, 28], sizes = [128, 1], strides = [1, 1]} : vector<128x32xf32> to vector<128x1xf32>
    %add3A_1115 = vector.broadcast %slice3A_1114 : vector<128x1xf32> to vector<128x128xf32>
    %add3A_1116 = arith.addf %slice3A_1113, %add3A_1115 : vector<128x128xf32>
    %slice3A_1117 = vector.extract_strided_slice %add3A_1116 {offsets = [0, 0], sizes = [32, 128], strides = [1, 1]} : vector<128x128xf32> to vector<32x128xf32>
    %slice3A_1118 = vector.extract_strided_slice %add3A_1116 {offsets = [32, 0], sizes = [32, 128], strides = [1, 1]} : vector<128x128xf32> to vector<32x128xf32>
    %slice3A_1119 = vector.extract_strided_slice %add3A_1116 {offsets = [64, 0], sizes = [32, 128], strides = [1, 1]} : vector<128x128xf32> to vector<32x128xf32>
    %slice3A_1120 = vector.extract_strided_slice %add3A_1116 {offsets = [96, 0], sizes = [32, 128], strides = [1, 1]} : vector<128x128xf32> to vector<32x128xf32>
    %convert_element_type3A_1121 = arith.fptosi %slice3A_1118 : vector<32x128xf32> to vector<32x128xi32>
    %convert_element_type3A_1122 = arith.truncf %slice3A_1119 : vector<32x128xf32> to vector<32x128xbf16>
    %convert_element_type3A_1123 = arith.extf %convert_element_type3A_1122 : vector<32x128xbf16> to vector<32x128xf32>
    %bitcast_convert_type3A_1124 = tpu.bitcast %convert_element_type3A_1123 : vector<32x128xf32> -> vector<32x128xi32>
    %shift_left3A_1125 = arith.constant 16 : i32
    %shift_left3A_1126 = vector.broadcast %shift_left3A_1125 : i32 to vector<32x128xi32>
    %shift_left3A_1127 = arith.shli %convert_element_type3A_1121, %shift_left3A_1126 : vector<32x128xi32>
    %shift_right_logical3A_1128 = arith.constant 16 : i32
    %shift_right_logical3A_1129 = vector.broadcast %shift_right_logical3A_1128 : i32 to vector<32x128xi32>
    %shift_right_logical3A_1130 = arith.shrui %bitcast_convert_type3A_1124, %shift_right_logical3A_1129 : vector<32x128xi32>
    %or3A_1131 = arith.ori %shift_left3A_1127, %shift_right_logical3A_1130 : vector<32x128xi32>
    %bitcast_convert_type3A_1132 = tpu.bitcast %or3A_1131 : vector<32x128xi32> -> vector<32x128xf32>
    %concatenate3A_1133 = tpu.concatenate %slice3A_1117, %slice3A_1120, %bitcast_convert_type3A_1132 in 0 : vector<32x128xf32>, vector<32x128xf32>, vector<32x128xf32> -> vector<96x128xf32>
    %swap3A_1134 = arith.constant 28 : index
    %swap3A_1135 = arith.constant 0 : index
    %swap3A_1136 = arith.constant 0 : index
    %swap3A_1137 = vector.load %arg5[%swap3A_1134, %swap3A_1135, %swap3A_1136] : memref<32x96x128xf32, #tpu.memory_space<vmem>>, vector<1x96x128xf32>
    %swap3A_1138 = vector.shape_cast %swap3A_1137 : vector<1x96x128xf32> to vector<96x128xf32>
    %swap3A_1139 = vector.shape_cast %concatenate3A_1133 : vector<96x128xf32> to vector<1x96x128xf32>
    tpu.vector_store %arg5[%swap3A_1134, %swap3A_1135, %swap3A_1136], %swap3A_1139 {strides = array<i32>} : memref<32x96x128xf32, #tpu.memory_space<vmem>>, vector<1x96x128xf32>,
    %slice3A_1140 = vector.extract_strided_slice %dot_general3A_326 {offsets = [3712, 0], sizes = [128, 128], strides = [1, 1]} : vector<4096x128xf32> to vector<128x128xf32>
    %slice3A_1141 = vector.extract_strided_slice %dot_general3A_362 {offsets = [0, 29], sizes = [128, 1], strides = [1, 1]} : vector<128x32xf32> to vector<128x1xf32>
    %add3A_1142 = vector.broadcast %slice3A_1141 : vector<128x1xf32> to vector<128x128xf32>
    %add3A_1143 = arith.addf %slice3A_1140, %add3A_1142 : vector<128x128xf32>
    %slice3A_1144 = vector.extract_strided_slice %add3A_1143 {offsets = [0, 0], sizes = [32, 128], strides = [1, 1]} : vector<128x128xf32> to vector<32x128xf32>
    %slice3A_1145 = vector.extract_strided_slice %add3A_1143 {offsets = [32, 0], sizes = [32, 128], strides = [1, 1]} : vector<128x128xf32> to vector<32x128xf32>
    %slice3A_1146 = vector.extract_strided_slice %add3A_1143 {offsets = [64, 0], sizes = [32, 128], strides = [1, 1]} : vector<128x128xf32> to vector<32x128xf32>
    %slice3A_1147 = vector.extract_strided_slice %add3A_1143 {offsets = [96, 0], sizes = [32, 128], strides = [1, 1]} : vector<128x128xf32> to vector<32x128xf32>
    %convert_element_type3A_1148 = arith.fptosi %slice3A_1145 : vector<32x128xf32> to vector<32x128xi32>
    %convert_element_type3A_1149 = arith.truncf %slice3A_1146 : vector<32x128xf32> to vector<32x128xbf16>
    %convert_element_type3A_1150 = arith.extf %convert_element_type3A_1149 : vector<32x128xbf16> to vector<32x128xf32>
    %bitcast_convert_type3A_1151 = tpu.bitcast %convert_element_type3A_1150 : vector<32x128xf32> -> vector<32x128xi32>
    %shift_left3A_1152 = arith.constant 16 : i32
    %shift_left3A_1153 = vector.broadcast %shift_left3A_1152 : i32 to vector<32x128xi32>
    %shift_left3A_1154 = arith.shli %convert_element_type3A_1148, %shift_left3A_1153 : vector<32x128xi32>
    %shift_right_logical3A_1155 = arith.constant 16 : i32
    %shift_right_logical3A_1156 = vector.broadcast %shift_right_logical3A_1155 : i32 to vector<32x128xi32>
    %shift_right_logical3A_1157 = arith.shrui %bitcast_convert_type3A_1151, %shift_right_logical3A_1156 : vector<32x128xi32>
    %or3A_1158 = arith.ori %shift_left3A_1154, %shift_right_logical3A_1157 : vector<32x128xi32>
    %bitcast_convert_type3A_1159 = tpu.bitcast %or3A_1158 : vector<32x128xi32> -> vector<32x128xf32>
    %concatenate3A_1160 = tpu.concatenate %slice3A_1144, %slice3A_1147, %bitcast_convert_type3A_1159 in 0 : vector<32x128xf32>, vector<32x128xf32>, vector<32x128xf32> -> vector<96x128xf32>
    %swap3A_1161 = arith.constant 29 : index
    %swap3A_1162 = arith.constant 0 : index
    %swap3A_1163 = arith.constant 0 : index
    %swap3A_1164 = vector.load %arg5[%swap3A_1161, %swap3A_1162, %swap3A_1163] : memref<32x96x128xf32, #tpu.memory_space<vmem>>, vector<1x96x128xf32>
    %swap3A_1165 = vector.shape_cast %swap3A_1164 : vector<1x96x128xf32> to vector<96x128xf32>
    %swap3A_1166 = vector.shape_cast %concatenate3A_1160 : vector<96x128xf32> to vector<1x96x128xf32>
    tpu.vector_store %arg5[%swap3A_1161, %swap3A_1162, %swap3A_1163], %swap3A_1166 {strides = array<i32>} : memref<32x96x128xf32, #tpu.memory_space<vmem>>, vector<1x96x128xf32>,
    %slice3A_1167 = vector.extract_strided_slice %dot_general3A_326 {offsets = [3840, 0], sizes = [128, 128], strides = [1, 1]} : vector<4096x128xf32> to vector<128x128xf32>
    %slice3A_1168 = vector.extract_strided_slice %dot_general3A_362 {offsets = [0, 30], sizes = [128, 1], strides = [1, 1]} : vector<128x32xf32> to vector<128x1xf32>
    %add3A_1169 = vector.broadcast %slice3A_1168 : vector<128x1xf32> to vector<128x128xf32>
    %add3A_1170 = arith.addf %slice3A_1167, %add3A_1169 : vector<128x128xf32>
    %slice3A_1171 = vector.extract_strided_slice %add3A_1170 {offsets = [0, 0], sizes = [32, 128], strides = [1, 1]} : vector<128x128xf32> to vector<32x128xf32>
    %slice3A_1172 = vector.extract_strided_slice %add3A_1170 {offsets = [32, 0], sizes = [32, 128], strides = [1, 1]} : vector<128x128xf32> to vector<32x128xf32>
    %slice3A_1173 = vector.extract_strided_slice %add3A_1170 {offsets = [64, 0], sizes = [32, 128], strides = [1, 1]} : vector<128x128xf32> to vector<32x128xf32>
    %slice3A_1174 = vector.extract_strided_slice %add3A_1170 {offsets = [96, 0], sizes = [32, 128], strides = [1, 1]} : vector<128x128xf32> to vector<32x128xf32>
    %convert_element_type3A_1175 = arith.fptosi %slice3A_1172 : vector<32x128xf32> to vector<32x128xi32>
    %convert_element_type3A_1176 = arith.truncf %slice3A_1173 : vector<32x128xf32> to vector<32x128xbf16>
    %convert_element_type3A_1177 = arith.extf %convert_element_type3A_1176 : vector<32x128xbf16> to vector<32x128xf32>
    %bitcast_convert_type3A_1178 = tpu.bitcast %convert_element_type3A_1177 : vector<32x128xf32> -> vector<32x128xi32>
    %shift_left3A_1179 = arith.constant 16 : i32
    %shift_left3A_1180 = vector.broadcast %shift_left3A_1179 : i32 to vector<32x128xi32>
    %shift_left3A_1181 = arith.shli %convert_element_type3A_1175, %shift_left3A_1180 : vector<32x128xi32>
    %shift_right_logical3A_1182 = arith.constant 16 : i32
    %shift_right_logical3A_1183 = vector.broadcast %shift_right_logical3A_1182 : i32 to vector<32x128xi32>
    %shift_right_logical3A_1184 = arith.shrui %bitcast_convert_type3A_1178, %shift_right_logical3A_1183 : vector<32x128xi32>
    %or3A_1185 = arith.ori %shift_left3A_1181, %shift_right_logical3A_1184 : vector<32x128xi32>
    %bitcast_convert_type3A_1186 = tpu.bitcast %or3A_1185 : vector<32x128xi32> -> vector<32x128xf32>
    %concatenate3A_1187 = tpu.concatenate %slice3A_1171, %slice3A_1174, %bitcast_convert_type3A_1186 in 0 : vector<32x128xf32>, vector<32x128xf32>, vector<32x128xf32> -> vector<96x128xf32>
    %swap3A_1188 = arith.constant 30 : index
    %swap3A_1189 = arith.constant 0 : index
    %swap3A_1190 = arith.constant 0 : index
    %swap3A_1191 = vector.load %arg5[%swap3A_1188, %swap3A_1189, %swap3A_1190] : memref<32x96x128xf32, #tpu.memory_space<vmem>>, vector<1x96x128xf32>
    %swap3A_1192 = vector.shape_cast %swap3A_1191 : vector<1x96x128xf32> to vector<96x128xf32>
    %swap3A_1193 = vector.shape_cast %concatenate3A_1187 : vector<96x128xf32> to vector<1x96x128xf32>
    tpu.vector_store %arg5[%swap3A_1188, %swap3A_1189, %swap3A_1190], %swap3A_1193 {strides = array<i32>} : memref<32x96x128xf32, #tpu.memory_space<vmem>>, vector<1x96x128xf32>,
    %slice3A_1194 = vector.extract_strided_slice %dot_general3A_326 {offsets = [3968, 0], sizes = [128, 128], strides = [1, 1]} : vector<4096x128xf32> to vector<128x128xf32>
    %slice3A_1195 = vector.extract_strided_slice %dot_general3A_362 {offsets = [0, 31], sizes = [128, 1], strides = [1, 1]} : vector<128x32xf32> to vector<128x1xf32>
    %add3A_1196 = vector.broadcast %slice3A_1195 : vector<128x1xf32> to vector<128x128xf32>
    %add3A_1197 = arith.addf %slice3A_1194, %add3A_1196 : vector<128x128xf32>
    %slice3A_1198 = vector.extract_strided_slice %add3A_1197 {offsets = [0, 0], sizes = [32, 128], strides = [1, 1]} : vector<128x128xf32> to vector<32x128xf32>
    %slice3A_1199 = vector.extract_strided_slice %add3A_1197 {offsets = [32, 0], sizes = [32, 128], strides = [1, 1]} : vector<128x128xf32> to vector<32x128xf32>
    %slice3A_1200 = vector.extract_strided_slice %add3A_1197 {offsets = [64, 0], sizes = [32, 128], strides = [1, 1]} : vector<128x128xf32> to vector<32x128xf32>
    %slice3A_1201 = vector.extract_strided_slice %add3A_1197 {offsets = [96, 0], sizes = [32, 128], strides = [1, 1]} : vector<128x128xf32> to vector<32x128xf32>
    %convert_element_type3A_1202 = arith.fptosi %slice3A_1199 : vector<32x128xf32> to vector<32x128xi32>
    %convert_element_type3A_1203 = arith.truncf %slice3A_1200 : vector<32x128xf32> to vector<32x128xbf16>
    %convert_element_type3A_1204 = arith.extf %convert_element_type3A_1203 : vector<32x128xbf16> to vector<32x128xf32>
    %bitcast_convert_type3A_1205 = tpu.bitcast %convert_element_type3A_1204 : vector<32x128xf32> -> vector<32x128xi32>
    %shift_left3A_1206 = arith.constant 16 : i32
    %shift_left3A_1207 = vector.broadcast %shift_left3A_1206 : i32 to vector<32x128xi32>
    %shift_left3A_1208 = arith.shli %convert_element_type3A_1202, %shift_left3A_1207 : vector<32x128xi32>
    %shift_right_logical3A_1209 = arith.constant 16 : i32
    %shift_right_logical3A_1210 = vector.broadcast %shift_right_logical3A_1209 : i32 to vector<32x128xi32>
    %shift_right_logical3A_1211 = arith.shrui %bitcast_convert_type3A_1205, %shift_right_logical3A_1210 : vector<32x128xi32>
    %or3A_1212 = arith.ori %shift_left3A_1208, %shift_right_logical3A_1211 : vector<32x128xi32>
    %bitcast_convert_type3A_1213 = tpu.bitcast %or3A_1212 : vector<32x128xi32> -> vector<32x128xf32>
    %concatenate3A_1214 = tpu.concatenate %slice3A_1198, %slice3A_1201, %bitcast_convert_type3A_1213 in 0 : vector<32x128xf32>, vector<32x128xf32>, vector<32x128xf32> -> vector<96x128xf32>
    %swap3A_1215 = arith.constant 31 : index
    %swap3A_1216 = arith.constant 0 : index
    %swap3A_1217 = arith.constant 0 : index
    %swap3A_1218 = vector.load %arg5[%swap3A_1215, %swap3A_1216, %swap3A_1217] : memref<32x96x128xf32, #tpu.memory_space<vmem>>, vector<1x96x128xf32>
    %swap3A_1219 = vector.shape_cast %swap3A_1218 : vector<1x96x128xf32> to vector<96x128xf32>
    %swap3A_1220 = vector.shape_cast %concatenate3A_1214 : vector<96x128xf32> to vector<1x96x128xf32>
    tpu.vector_store %arg5[%swap3A_1215, %swap3A_1216, %swap3A_1217], %swap3A_1220 {strides = array<i32>} : memref<32x96x128xf32, #tpu.memory_space<vmem>>, vector<1x96x128xf32>,
    return
  }
  func.func @transform_0(%arg0: i32) -> (i32, i32) {
    %c0_i32 = arith.constant 0 : i32
    %c0_i32_0 = arith.constant 0 : i32
    return %arg0, %c0_i32 : i32, i32
  }
  func.func @transform_1(%arg0: i32) -> (i32, i32) {
    %c0_i32 = arith.constant 0 : i32
    %c0_i32_0 = arith.constant 0 : i32
    return %arg0, %c0_i32 : i32, i32
  }
  func.func @transform_2(%arg0: i32) -> (i32, i32) {
    %c0_i32 = arith.constant 0 : i32
    %c0_i32_0 = arith.constant 0 : i32
    %c0_i32_1 = arith.constant 0 : i32
    return %c0_i32, %c0_i32_0 : i32, i32
  }
  func.func @transform_3(%arg0: i32) -> (i32, i32) {
    %c0_i32 = arith.constant 0 : i32
    %c0_i32_0 = arith.constant 0 : i32
    %c0_i32_1 = arith.constant 0 : i32
    return %c0_i32, %c0_i32_0 : i32, i32
  }
  func.func @transform_4(%arg0: i32) -> (i32, i32, i32) {
    %c0_i32 = arith.constant 0 : i32
    %c0_i32_0 = arith.constant 0 : i32
    %c0_i32_1 = arith.constant 0 : i32
    return %arg0, %c0_i32, %c0_i32_0 : i32, i32, i32
  }
}

</mosaic_0001>

<sc_bundles>
// kernel: kernel.5.cloned.1.call-start
scs
__scs_entry_jumppad:
0x0: {  	(pc) =	sbr.rel $0x88, $3  }
0x1: {  	(tag) =	ssettag $0x0;
	lr =	simm.s32 $0x1  }
0x2: {  	[smem:$0x3F9D] =	sst lr;
	_ =	strace $0xD0000000  }
0x3: {  	_ = 	snop  }
0x4: {  	_ = 	snop  }
0x5: {  	_ = 	snop  }
0x6: {  	_ = 	snop  }
0x7: {  	_ = 	snop  }
__scs_overlays_trampoline_lowered:
0x8: {  	[smem:$0x3FAC] =	sst s0  }
0x9: {  	[smem:$0x3FAD] =	sst s1  }
0xa: {  	[smem:$0x3FAE] =	sst s2  }
0xb: {  	[smem:$0x3FAF] =	sst s3  }
0xc: {  	[smem:$0x3FB0] =	sst s4  }
0xd: {  	[smem:$0x3FB1] =	sst s5  }
0xe: {  	[smem:$0x3FB2] =	sst s6  }
0xf: {  	[smem:$0x3FB3] =	sst s7  }
0x10: {  	[smem:$0x3FB4] =	sst s8  }
0x11: {  	[smem:$0x3FB5] =	sst s9;
	s0 =	simm.s32 @!p0 $0x0  }
0x12: {  	s1 =	sld [smem:$0x3F9B];
	s0 =	simm.s32 @p0 $0x1  }
0x13: {  	[smem:$0x3FB6] =	sst s0;
	s0 =	simm.s32 @!p1 $0x0  }
0x14: {  	s2 =	sld [smem:$0x3F9A];
	s0 =	simm.s32 @p1 $0x1  }
0x15: {  	[smem:$0x3FB7] =	sst s0;
	s0 =	simm.s32 @!p2 $0x0  }
0x16: {  	s3 =	sld [smem:$0x3FDB];
	s0 =	simm.s32 @p2 $0x1  }
0x17: {  	s4 =	simm.s32 $0x1BF5;
	[smem:$0x3FB9] =	sst s0  }
0x18: {  	s0 =	sld [smem:$0x3F9C];
	_ =	swait.ge [sflag:s4], $0x0  }
0x19: {  	s7 =	sld [smem:$0x3F9D]  }
0x1a: {  	s8 =	sadd.s32 $0xFFFFE003, lr  }
0x1b: {  	s9 =	sadd.s32 $0xFFFFFEF7, lr;
	s5 =	simm.s32 $0xFFFFFFFF;
	p2 =	slt.u32 s8, $0xFFFFF086  }
0x1c: {  	p1 =	slt.u32 s9, $0xF7A;
	s5 =	simm.s32 @!p2 $0x0  }
0x1d: {  	s5 =	simm.s32 @p1 $0x1;
	p0 =	seq.s32 s7, s2  }
0x1e: {  	s7 =	smul.u32 @!p0 $0xF7A, s2;
	p2 =	seq.s32 @!p0 s5, $0x0  }
0x1f: {  	s9 =	smul.u32 $0xF7A, s1;
	s8 =	simm.s32 @!p0 $0x1BF5;
	p2 =	por !p2, p0  }
0x20: {  	[sflag:s8] =	ssyncset.s32 @!p0 $0xFFFFF086;
	s6 =	sadd.s32 @!p0 s3, s7;
	s7 =	simm.s32 @!p0 $0x108  }
0x21: {  	s3 =	sadd.s32 s3, s9;
	s6 =	sadd.s32 @!p0 $0x88, s6;
	s7 =	simm.s32 @p2 $0x1082  }
0x22: {  	[simem:s7], [sflag:s8] =	dma.local @!p0 [hbm:s6], $0xF7A  }
0x23: {  	s9 =	sor.u32 $0xD0000000, s2;
	s6 =	simm.s32 $0x108;
	_ =	swait.ge @!p0 [sflag:s8], $0x0  }
0x24: {  	s3 =	sadd.s32 $0x88, s3;
	s6 =	simm.s32 @!p1 $0x1082;
	[sflag:s4] =	ssyncset.s32 $0xFFFFF086  }
0x25: {  	[simem:s6], [sflag:s4] =	dma.local [hbm:s3], $0xF7A  }
0x26: {  	[smem:$0x3F9D] =	sst s1;
	(tag) =	ssettag s2;
	_ =	strace s9  }
0x27: {  	s1 =	sld [smem:$0x3FAD]  }
0x28: {  	s2 =	sld [smem:$0x3FAE]  }
0x29: {  	s4 =	sld [smem:$0x3FB0]  }
0x2a: {  	p0 =	seq.s32 s5, $0x0;
	s5 =	sld [smem:$0x3FB1]  }
0x2b: {  	s6 =	sld [smem:$0x3FB2]  }
0x2c: {  	s7 =	sld [smem:$0x3FB3]  }
0x2d: {  	s3 =	simm.s32 $0x108;
	s8 =	sld [smem:$0x3FB4]  }
0x2e: {  	s3 =	simm.s32 @!p0 $0x1082;
	s9 =	sld [smem:$0x3FB5]  }
0x2f: {  	lr =	sadd.s32 s0, s3;
	s0 =	sld [smem:$0x3FAC]  }
0x30: {  	s3 =	sld [smem:$0x3FAF]  }
0x31: {  	[smem:$0x3FB8] =	sst s10  }
0x32: {  	s10 =	sld [smem:$0x3FB6];
	_ =	sdelay $0x3  }
0x33: {  	p0 =	seq.s32 s10, $0x1;
	s10 =	sld [smem:$0x3FB8];
	_ =	sdelay $0x3  }
0x34: {  	[smem:$0x3FB8] =	sst s10  }
0x35: {  	s10 =	sld [smem:$0x3FB7];
	_ =	sdelay $0x3  }
0x36: {  	p1 =	seq.s32 s10, $0x1;
	s10 =	sld [smem:$0x3FB8];
	_ =	sdelay $0x3  }
0x37: {  	[smem:$0x3FB8] =	sst s10  }
0x38: {  	s10 =	sld [smem:$0x3FB9]  }
0x39: {  	_ = 	snop;
	(pc) =	sbr.ind lr, $3  }
0x3a: {  	_ = 	snop  }
0x3b: {  	_ = 	snop  }
0x3c: {  	p2 =	seq.s32 s10, $0x1;
	s10 =	sld [smem:$0x3FB8]  }
0x3d: {  	_ =	shalt  }
0x3e: {  	_ =	shalt  }
0x3f: {  	_ =	shalt  }
0x40: {  	_ =	shalt  }
0x41: {  	_ =	shalt  }
0x42: {  	_ =	shalt  }
0x43: {  	_ =	shalt  }
0x44: {  	_ =	shalt  }
0x45: {  	_ =	shalt  }
0x46: {  	_ =	shalt  }
0x47: {  	_ =	shalt  }
0x48: {  	_ =	shalt  }
0x49: {  	_ =	shalt  }
0x4a: {  	_ =	shalt  }
0x4b: {  	_ =	shalt  }
0x4c: {  	_ =	shalt  }
0x4d: {  	_ =	shalt  }
0x4e: {  	_ =	shalt  }
0x4f: {  	_ =	shalt  }
0x50: {  	_ =	shalt  }
0x51: {  	_ =	shalt  }
0x52: {  	_ =	shalt  }
0x53: {  	_ =	shalt  }
0x54: {  	_ =	shalt  }
0x55: {  	_ =	shalt  }
0x56: {  	_ =	shalt  }
0x57: {  	_ =	shalt  }
0x58: {  	_ =	shalt  }
0x59: {  	_ =	shalt  }
0x5a: {  	_ =	shalt  }
0x5b: {  	_ =	shalt  }
0x5c: {  	_ =	shalt  }
0x5d: {  	_ =	shalt  }
0x5e: {  	_ =	shalt  }
0x5f: {  	_ =	shalt  }
0x60: {  	_ =	shalt  }
0x61: {  	_ =	shalt  }
0x62: {  	_ =	shalt  }
0x63: {  	_ =	shalt  }
0x64: {  	_ =	shalt  }
0x65: {  	_ =	shalt  }
0x66: {  	_ =	shalt  }
0x67: {  	_ =	shalt  }
0x68: {  	_ =	shalt  }
0x69: {  	_ =	shalt  }
0x6a: {  	_ =	shalt  }
0x6b: {  	_ =	shalt  }
0x6c: {  	_ =	shalt  }
0x6d: {  	_ =	shalt  }
0x6e: {  	_ =	shalt  }
0x6f: {  	_ =	shalt  }
0x70: {  	_ =	shalt  }
0x71: {  	_ =	shalt  }
0x72: {  	_ =	shalt  }
0x73: {  	_ =	shalt  }
0x74: {  	_ =	shalt  }
0x75: {  	_ =	shalt  }
0x76: {  	_ =	shalt  }
0x77: {  	_ =	shalt  }
0x78: {  	_ =	shalt  }
0x79: {  	_ =	shalt  }
0x7a: {  	_ =	shalt  }
0x7b: {  	_ =	shalt  }
0x7c: {  	_ =	shalt  }
0x7d: {  	_ =	shalt  }
0x7e: {  	_ =	shalt  }
0x7f: {  	_ =	shalt  }
0x80: {  	_ =	shalt  }
0x81: {  	_ =	shalt  }
0x82: {  	_ =	shalt  }
0x83: {  	_ =	shalt  }
0x84: {  	_ =	shalt  }
0x85: {  	_ =	shalt  }
0x86: {  	_ =	shalt  }
0x87: {  	_ =	shalt  }
.Lfunc_end0:
.L_simem_size_0:
called_computation_lowered:
.L_overlay_start_0:
0x88: {  	s2 =	sld [smem:$0x3FD9]  }
0x89: {  	s3 =	sld [smem:$0x3FFE];
	_ =	sdelay $0x1  }
0x8a: {  	s1 =	srdreg.scid  }
0x8b: {  	s0 =	sand.u32 $0x1, s1  }
0x8c: {  	s17 =	sshll.u32 s0, $0xA;
	s2 =	sadd.s32 s3, s2  }
0x8d: {  	s2 =	sadd.s32 s2, s17  }
0x8e: {  	[smem:$0x3FC4] =	sst s2  }
0x8f: {  	_ = 	snop  }
0x90: {  	s2 =	sld [smem:$0x3FC8];
	(tm) =	ssettm $0x1  }
0x91: {  	s18 =	sld [smem:$0x3FFB];
	_ =	sdelay $0x3  }
0x92: {  	_ =	strace s18  }
0x93: {  	s3 =	sld [smem:$0x3FFC];
	_ =	sdelay $0x3  }
0x94: {  	_ =	strace s3  }
0x95: {  	s3 =	sld [smem:$0x3FFD];
	_ =	sdelay $0x3  }
0x96: {  	_ =	strace s3  }
0x97: {  	_ =	strace $0x8FFFFFFF  }
0x98: {  	s19 =	sld [smem:$0x3FDB];
	_ =	sdelay $0x1  }
0x99: {  	s4 =	simm.s32 $_scs_section_size  }
0x9a: {  	s5 =	simm.s32 $_size__tile_overlayer_lowered;
	s6 =	simm.s32 $_tile_overlayer_lowered  }
0x9b: {  	s22 =	simm.s32 $0x1BFF;
	s21 =	sshll.u32 s6, $0x1;
	s3 =	sadd.s32 s4, s19  }
0x9c: {  	s7 =	simm.s32 $0x0;
	s20 =	sshll.u32 s5, $0x1;
	s5 =	sadd.s32 s21, s3  }
0x9d: {  	[timem:s7], [sflag:s22] =	dma.local [hbm:s5], s20  }
0x9e: {  	_ =	swait.ge [sflag:s22], s20  }
0x9f: {  	s4 =	ssub.s32 $0x0, s20;
	[sflag:s22] =	ssyncset.done $0x0  }
0xa0: {  	[sflag:s22] =	ssyncadd.s32 s4;
	_ =	sdelay $0x1  }
0xa1: {  	s23 =	simm.s32 $0x1B8B  }
0xa2: {  	_ =	swait.ge [sflag:s23], $0x1  }
0xa3: {  	[sflag:s23] =	ssyncset.done $0x0  }
0xa4: {  	s25 =	simm.s32 $0x1B8E;
	s24 =	sld [smem:$0x3FFE];
	[sflag:s23] =	ssyncadd.s32 $0xFFFFFFFF  }
0xa5: {  	s26 =	simm.s32 $execute0_lowered;
	[smem:$0x3FD2] =	sst s25  }
0xa6: {  	s5 =	sshll.u32 s26, $0x1;
	_ =	strace $0x80000046;
	[dreg:$0x1] =	wrdreg $0xFFFFFFFF  }
0xa7: {  	s28 =	simm.s32 $_size_execute0_lowered;
	s3 =	sadd.s32 s3, s5;
	[dreg:$0x0] =	wrdreg $0x0  }
0xa8: {  	s5 =	sshll.u32 s28, $0x1;
	[dreg:$0x2] =	wrdreg s3  }
0xa9: {  	[dreg:$0x3] =	wrdreg s5  }
0xaa: {  	[dreg:$0x4] =	wrdreg $0xC0  }
0xab: {  	_ =	task [dreg:s7], $0x5FFFF  }
0xac: {  	[dreg:$0x1] =	wrdreg $0xFFFFFFFF  }
0xad: {  	[dreg:$0x0] =	wrdreg $0x60  }
0xae: {  	[dreg:$0x2] =	wrdreg s24  }
0xaf: {  	[dreg:$0x3] =	wrdreg s2  }
0xb0: {  	[dreg:$0x4] =	wrdreg $0x9  }
0xb1: {  	_ =	task.clear_ibuf [dreg:s7], $0x5FFFF;
	_ =	strace $0x90000046  }
0xb2: {  	s29 =	simm.s32 $0x9;
	_ =	strace $0x80000048  }
0xb3: {  	_ =	swait.ge [sflag:s29], $0x1  }
0xb4: {  	[sflag:s29] =	ssyncadd.s32 $0xFFFFFFFF  }
0xb5: {  	_ =	strace $0x90000048  }
0xb6: {  	_ =	sfence  }
0xb7: {  	s30 =	sld [smem:$0x0];
	_ =	sdelay $0x2  }
0xb8: {  	s31 =	sshll.u32 s1, $0xD;
	s1 =	sshrl.u32 s1, $0x2  }
0xb9: {  	s3 =	sand.u32 $0x4000, s31;
	s1 =	sadd.s32 s1, s30  }
0xba: {  	s0 =	sor.u32 s3, s0;
	s1 =	sshll.u32 s1, $0x11  }
0xbb: {  	s0 =	sor.u32 s1, s0  }
0xbc: {  	s0 =	sadd.s32 $0x8F2B, s0  }
0xbd: {  	[sflag:s0] =	ssyncadd.remote.s32 $0x1  }
0xbe: {  	_ =	sfence.sel $0xFFFF  }
0xbf: {  	[dreg:$0x0] =	wrdreg $0xFFFFFFFF;
	(pc) =	sbr.abs _section_cstart, $3  }
0xc0: {  	[dreg:$0x1] =	wrdreg $0xFFFFFFFF  }
0xc1: {  	_ =	task.clear_ibuf [dreg:s7], $0x2FFFF;
	_ =	strace $0x9FFFFFFF  }
0xc2: {  	(tm) =	ssettm $0x7FFFFFFF  }
0xc3: {  	_ =	shalt  }
tec
execute0_lowered:
.L_overlay_start_1:
0x0: {  	(tag) =	ssettag $0x1  }
0x1: {  	s3 =	rddreg [dreg:$0x0]  }
0x2: {  	s8 =	rddreg [dreg:$0x1]  }
0x3: {  	s0 =	rddreg [dreg:$0x2]  }
0x4: {  	s2 =	simm.s32 $0x0;
	s4 =	srdreg.scid;
	s1 =	stileid.u32  }
0x5: {  	s15 =	simm.s32 $0x400;
	s16 =	simm.s32 $0x6080;
	s17 =	simm.s32 $0x1  }
0x6: {  	s18 =	simm.s32 $0x6180;
	s19 =	simm.s32 $0x2;
	s20 =	simm.s32 $0x0  }
0x7: {  	[smem:$0x7FF] =	sst s2;
	s4 =	sand.u32 $0x1, s4;
	s5 =	sadd.s32 $0x1A00, s3  }
0x8: {  	s6 =	sshll.u32 s1, $0x2;
	s9 =	sadd.s32 $0x1200, s3;
	s12 =	sadd.s32 $0x19A00, s3  }
0x9: {  	s28 =	sshrl.u32 s1, $0x1;
	_ =	strace $0x80000047;
	s7 =	sshll.u32 s4, $0x1  }
0xa: {  	s4 =	ssub.s32 $0x2, s4;
	s29 =	sshll.u32 s28, $0xA;
	s6 =	sor.u32 s7, s6  }
0xb: {  	s25 =	sshrl.u32 s4, $0x1;
	s7 =	sshll.u32 s28, $0xB;
	s10 =	smul.u32 $0x600, s6  }
0xc: {  	s11 =	sor.u32 $0x1, s6;
	s13 =	ssub.s32 s4, s25;
	s6 =	sshll.u32 s6, $0x7  }
0xd: {  	s26 =	smul.u32 $0x600, s11;
	s30 =	sand.u32 $0x300, s6;
	s11 =	sshll.u32 s11, $0x7  }
0xe: {  	s3 =	sadd.s32 s5, s10;
	s6 =	sor.u32 s29, s30;
	s31 =	sor.u32 s7, s30  }
0xf: {  	s11 =	sand.u32 $0x380, s11;
	s4 =	sadd.s32 s5, s26;
	s14 =	sshrl.u32 s6, $0x3  }
0x10: {  	s6 =	sshrl.u32 s31, $0x3;
	s10 =	sor.u32 s29, s11;
	s11 =	sor.u32 s7, s11  }
0x11: {  	v0 =	vlaneseq.u32;
	s5 =	sadd.s32 s8, s14;
	s6 =	sadd.s32 s9, s6;
	s10 =	sshrl.u32 s10, $0x3  }
0x12: {  	v0 =	vmul.u32 $0x2, v0;
	s7 =	sadd.s32 s12, s14;
	s11 =	sshrl.u32 s11, $0x3;
	s14 =	simm.s32 $0x80  }
0x13: {  	s8 =	sadd.s32 s8, s10;
	s9 =	sadd.s32 s9, s11;
	s10 =	sadd.s32 s12, s10  }
0x14: {  	v2 =	vimm.f32 $0.0e+00;
	v1 =	vor.u32 $0x1, v0;
	s11 =	smax.u32 s13, $0x1;
	s12 =	simm.s32 $0x3000;
	s13 =	simm.s32 $0x3  }
.LBB2_1:
0x15: {  	[tilespmem:s2], [sflag:$0x1] =	stream.linear.gather [hbm4b:s3+s2], $0x3000, $0x38;
	[tilespmem:$0x6200] =	vst v63  }
0x16: {  	_ = 	snop  }
0x17: {  	[tilespmem:s12], [sflag:$0x2] =	stream.linear.gather [hbm4b:s4+s2], $0x3000, $0x38;
	[tilespmem:$0x6200] =	vst v63  }
0x18: {  	s21 =	simm.s32 $0x6000  }
0x19: {  	[tilespmem:s21], [sflag:$0x3] =	stream.linear.gather [hbm4b:s5+s2], $0x80, $0x38;
	[tilespmem:$0x6200] =	vst v63  }
0x1a: {  	_ =	swait.ge [sflag:s13], $0x80  }
0x1b: {  	[sflag:s13] =	ssyncset.done $0x0  }
0x1c: {  	[sflag:s13] =	ssyncadd.s32 $0xFFFFFF80  }
0x1d: {  	[tilespmem:s16], [sflag:$0x3] =	stream.strided.gather [hbm4b:s6+s14], $0x100, s15, s14, $0x38;
	[tilespmem:$0x6200] =	vst v63  }
0x1e: {  	_ =	swait.ge [sflag:s13], $0x100  }
0x1f: {  	v3 =	vor.u32 s2, v0;
	[sflag:s13] =	ssyncset.done $0x0  }
0x20: {  	v4 =	vor.u32 s2, v1;
	s22 =	simm.s32 $0x20;
	[sflag:s13] =	ssyncadd.s32 $0xFFFFFF00  }
0x21: {  	v5 =	vor.u32 s22, v0;
	_ =	swait.ge [sflag:s17], $0x3000  }
0x22: {  	[sflag:s17] =	ssyncset.done $0x0  }
0x23: {  	[sflag:s17] =	ssyncadd.s32 $0xFFFFD000  }
0x24: {  	v3 =	vld.idx.msk [tilespmem:v3+s16+$0x0], $0xffff  }
0x25: {  	v6 =	vor.u32 s22, v1;
	v4 =	vld.idx.msk [tilespmem:v4+s16+$0x0], $0xffff  }
0x26: {  	v5 =	vld.idx.msk [tilespmem:v5+s16+$0x0], $0xffff;
	_ =	sdelay $0x3  }
0x27: {  	v6 =	vld.idx.msk [tilespmem:v6+s16+$0x0], $0xffff;
	v7 =	vadd.s32 $0x2000, v4  }
0x28: {  	v14 =	vld [tilespmem:s21+$0x0];
	v9 =	vadd.s32 $0x2000, v3  }
0x29: {  	v10 =	vadd.s32 $0x1000, v4;
	v8 =	vld.idx.msk [tilespmem:v3+s2+$0x0], $0xffff  }
0x2a: {  	v12 =	vadd.s32 $0x1000, v3;
	v11 =	vld.idx.msk [tilespmem:v4+s2+$0x0], $0xffff  }
0x2b: {  	v17 =	vld.idx.msk [tilespmem:v5+s2+$0x0], $0xffff  }
0x2c: {  	v19 =	vadd.s32 $0x2000, v5;
	v7 =	vld.idx.msk [tilespmem:v7+s2+$0x0], $0xffff  }
0x2d: {  	s30 =	simm.s32 $0x40;
	v15 =	vadd.s32 $0x1000, v6;
	v9 =	vld.idx.msk [tilespmem:v9+s2+$0x0], $0xffff  }
0x2e: {  	s31 =	simm.s32 $0x60;
	v13 =	vld.idx.msk [tilespmem:v10+s2+$0x0], $0xffff;
	v10 =	vor.u32 s30, v0  }
0x2f: {  	v24 =	vor.u32 s31, v0;
	v3 =	vsub.s32 v4, v3;
	v4 =	vor.u32 s30, v1;
	v12 =	vld.idx.msk [tilespmem:v12+s2+$0x0], $0xffff  }
0x30: {  	v25 =	vor.u32 s31, v1;
	v16 =	vadd.s32 $0x2000, v6;
	vm0 =	vgt.s32 v14, $0x0;
	v21 =	vld.idx.msk [tilespmem:v6+s2+$0x0], $0xffff  }
0x31: {  	v22 =	vadd.s32 $0x1000, v5;
	v20 =	vld.idx.msk [tilespmem:v19+s2+$0x0], $0xffff;
	v8 =	vsub.f32 v11, v8;
	v11 =	vsub.s32 v6, v5  }
0x32: {  	v3 =	vcvt.s32.f32 v3;
	v19 =	vld.idx.msk [tilespmem:v15+s2+$0x0], $0xffff;
	v15 =	vimm.f32 $0.0e+00;
	v5 =	vcvt.s32.f32 v11  }
0x33: {  	v18 =	vshll.u32 v7, $0x10;
	v6 =	vshrl.u32 v7, $0x10;
	v7 =	vshrl.u32 v9, $0x10;
	v10 =	vld.idx.msk [tilespmem:v10+s16+$0x0], $0xffff  }
0x34: {  	v9 =	vshll.u32 v9, $0x10;
	v6 =	vsub.s32 v6, v7;
	v7 =	vsub.f32 v13, v12;
	v12 =	vld.idx.msk [tilespmem:v4+s16+$0x0], $0xffff  }
0x35: {  	v14 =	vnsel vm0, $0x0, v8;
	v8 =	vsub.f32 v21, v17;
	v9 =	vsub.f32 v18, v9  }
0x36: {  	v17 =	vimm.f32 $0.0e+00;
	v18 =	vld.idx.msk [tilespmem:v16+s2+$0x0], $0xffff;
	v16 =	vimm.f32 $0.0e+00;
	v4 =	vcvt.s32.f32 v6  }
0x37: {  	v13 =	vnsel vm0, $0x0, v7;
	v7 =	vnsel vm0, $0x0, v9;
	v9 =	vnsel vm0, $0x0, v3  }
0x38: {  	v3 =	vimm.f32 $0.0e+00;
	v4 =	vnsel vm0, $0x0, v4;
	v7 =	vadd.f32 v7, v2  }
0x39: {  	s21 =	simm.s32 $0x6010;
	v22 =	vld.idx.msk [tilespmem:v22+s2+$0x0], $0xffff;
	v6 =	vadd.f32 v4, v2;
	v4 =	vsel vm0, $0x3F800000, v2;
	v11 =	vadd.s32 $0x1000, v10  }
0x3a: {  	s22 =	simm.s32 $0x80;
	v23 =	vld [tilespmem:s21+$0x0];
	v27 =	vsub.s32 v12, v10;
	v21 =	vadd.s32 $0x1000, v12;
	v26 =	vadd.s32 $0x2000, v12  }
.LBB2_2:
0x3b: {  	p0 =	sne.s32 s22, $0xE0;
	v27 =	vcvt.s32.f32 v27;
	v28 =	vld.idx.msk [tilespmem:v10+s2+$0x0], $0xffff;
	v29 =	vadd.s32 $0x2000, v10;
	v30 =	vshll.u32 v18, $0x10  }
0x3c: {  	v31 =	vld.idx.msk [tilespmem:v12+s2+$0x0], $0xffff;
	v12 =	vshrl.u32 v18, $0x10;
	v18 =	vshrl.u32 v20, $0x10;
	v20 =	vshll.u32 v20, $0x10  }
0x3d: {  	v17 =	vadd.f32 v13, v17;
	v10 =	vld.idx.msk [tilespmem:v24+s16+$0x0], $0xffff;
	v18 =	vsub.s32 v12, v18;
	v24 =	vsub.f32 v30, v20  }
0x3e: {  	v16 =	vadd.f32 v14, v16;
	v13 =	vsub.f32 v19, v22;
	v12 =	vld.idx.msk [tilespmem:v25+s16+$0x0], $0xffff;
	v19 =	vcvt.s32.f32 v18  }
0x3f: {  	v15 =	vadd.f32 v9, v15;
	v3 =	vmax.f32 v3, v4;
	v18 =	vld.idx.msk [tilespmem:v26+s2+$0x0], $0xffff;
	vm0 =	vgt.s32 v23, $0x0  }
.Ltmp0:
0x40: {  	v20 =	vld.idx.msk [tilespmem:v29+s2+$0x0], $0xffff;
	v13 =	vnsel vm0, $0x0, v13;
	v4 =	vnsel vm0, $0x0, v19;
	v23 =	vnsel vm0, $0x0, v24;
	(pc) =	sbr.rel @p0 .LBB2_2-.Ltmp0, $4  }
0x41: {  	v9 =	vnsel vm0, $0x0, v5;
	v14 =	vnsel vm0, $0x0, v8;
	v5 =	vmovc v27;
	v19 =	vld.idx.msk [tilespmem:v21+s2+$0x0], $0xffff;
	v6 =	vadd.f32 v4, v6  }
0x42: {  	v24 =	vor.u32 s22, v0;
	v8 =	vsub.f32 v31, v28;
	v4 =	vsel vm0, $0x3F800000, v2;
	v22 =	vld.idx.msk [tilespmem:v11+s2+$0x0], $0xffff  }
0x43: {  	s21 =	sadd.s32 $0x10, s21;
	v25 =	vor.u32 s22, v1;
	v7 =	vadd.f32 v23, v7;
	v11 =	vadd.s32 $0x1000, v10  }
0x44: {  	s22 =	sadd.s32 $0x20, s22;
	v27 =	vsub.s32 v12, v10;
	v21 =	vadd.s32 $0x1000, v12;
	v26 =	vadd.s32 $0x2000, v12;
	v23 =	vld [tilespmem:s21+$0x0]  }
0x45: {  	_ =	sdelay $0x3  }
0x46: {  	v24 =	vld.idx.msk [tilespmem:v24+s16+$0x0], $0xffff  }
0x47: {  	v28 =	vadd.s32 $0x2000, v10;
	v25 =	vld.idx.msk [tilespmem:v25+s16+$0x0], $0xffff  }
0x48: {  	v10 =	vld.idx.msk [tilespmem:v10+s2+$0x0], $0xffff;
	v27 =	vcvt.s32.f32 v27;
	v29 =	vshll.u32 v18, $0x10;
	v30 =	vshll.u32 v20, $0x10  }
0x49: {  	v12 =	vld.idx.msk [tilespmem:v12+s2+$0x0], $0xffff;
	v18 =	vshrl.u32 v18, $0x10;
	v20 =	vshrl.u32 v20, $0x10;
	v13 =	vadd.f32 v13, v17  }
0x4a: {  	v26 =	vld.idx.msk [tilespmem:v26+s2+$0x0], $0xffff;
	v14 =	vadd.f32 v14, v16;
	v9 =	vadd.f32 v9, v15;
	v4 =	vmax.f32 v3, v4  }
0x4b: {  	v16 =	vld.idx.msk [tilespmem:v21+s2+$0x0], $0xffff;
	v3 =	vimm.f32 $0.0e+00;
	v18 =	vsub.s32 v18, v20;
	v17 =	vsub.f32 v19, v22  }
0x4c: {  	v11 =	vld.idx.msk [tilespmem:v11+s2+$0x0], $0xffff;
	v29 =	vsub.f32 v29, v30;
	v18 =	vcvt.s32.f32 v18;
	vm0 =	vgt.s32 v23, $0x0  }
0x4d: {  	s21 =	sadd.s32 $0x10, s21;
	v19 =	vld.idx.msk [tilespmem:v28+s2+$0x0], $0xffff;
	v20 =	vadd.s32 $0x2000, v25;
	v15 =	vadd.s32 $0x2000, v24;
	v17 =	vnsel vm0, $0x0, v17  }
0x4e: {  	v22 =	vld [tilespmem:s21+$0x0];
	s21 =	sadd.s32 $0x10, s21;
	v18 =	vnsel vm0, $0x0, v18;
	v21 =	vnsel vm0, $0x0, v29;
	v5 =	vnsel vm0, $0x0, v5  }
0x4f: {  	v8 =	vnsel vm0, $0x0, v8;
	v10 =	vsub.f32 v12, v10;
	v13 =	vadd.f32 v17, v13;
	v17 =	vld [tilespmem:s21+$0x0]  }
0x50: {  	v12 =	vadd.s32 $0x1000, v24;
	v23 =	vadd.s32 $0x1000, v25;
	v6 =	vadd.f32 v18, v6;
	v18 =	vld.idx.msk [tilespmem:v24+s2+$0x0], $0xffff  }
0x51: {  	v11 =	vsub.f32 v16, v11;
	v7 =	vadd.f32 v21, v7;
	v21 =	vshrl.u32 v26, $0x10;
	v28 =	vld.idx.msk [tilespmem:v25+s2+$0x0], $0xffff  }
0x52: {  	v8 =	vadd.f32 v8, v14;
	v5 =	vadd.f32 v5, v9;
	v29 =	vshrl.u32 v19, $0x10;
	v20 =	vld.idx.msk [tilespmem:v20+s2+$0x0], $0xffff  }
0x53: {  	vm1 =	vgt.s32 v22, $0x0;
	v24 =	vsub.s32 v25, v24;
	v15 =	vld.idx.msk [tilespmem:v15+s2+$0x0], $0xffff;
	v21 =	vsub.s32 v21, v29  }
0x54: {  	v25 =	vshll.u32 v26, $0x10;
	v10 =	vnsel vm1, $0x0, v10;
	v16 =	vcvt.s32.f32 v21  }
0x55: {  	v11 =	vnsel vm1, $0x0, v11;
	v8 =	vadd.f32 v10, v8;
	v19 =	vshll.u32 v19, $0x10  }
0x56: {  	v12 =	vld.idx.msk [tilespmem:v12+s2+$0x0], $0xffff;
	v19 =	vsub.f32 v25, v19;
	vm2 =	vgt.s32 v17, $0x0;
	v14 =	vnsel vm1, $0x0, v16  }
0x57: {  	v16 =	vld.idx.msk [tilespmem:v23+s2+$0x0], $0xffff;
	v6 =	vadd.f32 v14, v6;
	v14 =	vsub.f32 v28, v18;
	v18 =	vshrl.u32 v20, $0x10  }
0x58: {  	v21 =	vshrl.u32 v15, $0x10;
	v20 =	vshll.u32 v20, $0x10;
	v15 =	vshll.u32 v15, $0x10  }
0x59: {  	v19 =	vnsel vm1, $0x0, v19;
	v18 =	vsub.s32 v18, v21;
	v10 =	vsub.f32 v20, v15  }
0x5a: {  	v7 =	vadd.f32 v19, v7;
	v18 =	vcvt.s32.f32 v18;
	v14 =	vnsel vm2, $0x0, v14  }
0x5b: {  	v11 =	vadd.f32 v11, v13;
	v8 =	vadd.f32 v14, v8;
	v10 =	vnsel vm2, $0x0, v10  }
0x5c: {  	[tilespmem:$0x61C0] =	vst v3;
	v12 =	vsub.f32 v16, v12;
	v15 =	vnsel vm2, $0x0, v18;
	v7 =	vadd.f32 v10, v7  }
0x5d: {  	v10 =	vnsel vm1, $0x0, v27;
	v6 =	vadd.f32 v15, v6;
	[tilespmem:$0x6180] =	vst v8;
	v8 =	vcvt.s32.f32 v24  }
0x5e: {  	v5 =	vadd.f32 v10, v5;
	v9 =	vnsel vm2, $0x0, v12;
	[tilespmem:$0x61A0] =	vst v7  }
0x5f: {  	v9 =	vadd.f32 v9, v11;
	[tilespmem:$0x6190] =	vst v6;
	v6 =	vsel vm0, $0x3F800000, v2;
	v7 =	vnsel vm2, $0x0, v8  }
0x60: {  	[tilespmem:$0x61D0] =	vst v3;
	v8 =	vsel vm1, $0x3F800000, v2;
	v4 =	vmax.f32 v4, v6;
	v5 =	vadd.f32 v7, v5  }
0x61: {  	v6 =	vsel vm2, $0x3F800000, v2;
	[tilespmem:$0x61B0] =	vst v9;
	v4 =	vmax.f32 v4, v8  }
0x62: {  	v4 =	vmax.f32 v4, v6;
	[tilespmem:$0x61E0] =	vst v5  }
0x63: {  	s28 =	simm.s32 $0x0;
	[tilespmem:$0x61F0] =	vst v4  }
0x64: {  	[hbm4b:s7+s28] =	stream.linear.scatter [tilespmem:s18], [sflag:$0x3], $0x80, $0x38;
	[tilespmem:$0x6200] =	vst v63  }
0x65: {  	_ =	swait.ge [sflag:s13], $0x80  }
0x66: {  	[sflag:s13] =	ssyncset.done $0x0  }
0x67: {  	s22 =	simm.s32 $0x6000;
	[sflag:s13] =	ssyncadd.s32 $0xFFFFFF80  }
0x68: {  	[tilespmem:s22], [sflag:$0x3] =	stream.linear.gather [hbm4b:s8+s28], $0x80, $0x38;
	[tilespmem:$0x6200] =	vst v63  }
0x69: {  	_ =	swait.ge [sflag:s13], $0x80  }
0x6a: {  	[sflag:s13] =	ssyncset.done $0x0  }
0x6b: {  	[sflag:s13] =	ssyncadd.s32 $0xFFFFFF80  }
0x6c: {  	[tilespmem:s16], [sflag:$0x3] =	stream.strided.gather [hbm4b:s9+s14], $0x100, s15, s14, $0x38;
	[tilespmem:$0x6200] =	vst v63  }
0x6d: {  	_ =	swait.ge [sflag:s13], $0x100  }
0x6e: {  	v4 =	vor.u32 s28, v0;
	[sflag:s13] =	ssyncset.done $0x0  }
0x6f: {  	v5 =	vor.u32 s28, v1;
	[sflag:s13] =	ssyncadd.s32 $0xFFFFFF00  }
0x70: {  	_ =	swait.ge [sflag:s19], $0x3000  }
0x71: {  	[sflag:s19] =	ssyncset.done $0x0  }
0x72: {  	s29 =	simm.s32 $0x20;
	[sflag:s19] =	ssyncadd.s32 $0xFFFFD000  }
0x73: {  	v6 =	vor.u32 s29, v0;
	v4 =	vld.idx.msk [tilespmem:v4+s16+$0x0], $0xffff  }
0x74: {  	v7 =	vor.u32 s29, v1;
	v5 =	vld.idx.msk [tilespmem:v5+s16+$0x0], $0xffff  }
0x75: {  	s30 =	simm.s32 $0x40  }
0x76: {  	v14 =	vor.u32 s30, v1;
	_ =	sdelay $0x1  }
0x77: {  	v6 =	vld.idx.msk [tilespmem:v6+s16+$0x0], $0xffff  }
0x78: {  	v7 =	vld.idx.msk [tilespmem:v7+s16+$0x0], $0xffff;
	v8 =	vadd.s32 $0x2000, v5  }
0x79: {  	v15 =	vld [tilespmem:s22+$0x0];
	v10 =	vadd.s32 $0x2000, v4  }
0x7a: {  	v14 =	vld.idx.msk [tilespmem:v14+s16+$0x0], $0xffff  }
0x7b: {  	v9 =	vld.idx.msk [tilespmem:v4+s12+$0x0], $0xffff  }
0x7c: {  	v11 =	vadd.s32 $0x1000, v5;
	v12 =	vld.idx.msk [tilespmem:v5+s12+$0x0], $0xffff  }
0x7d: {  	v13 =	vadd.s32 $0x1000, v4;
	v8 =	vld.idx.msk [tilespmem:v8+s12+$0x0], $0xffff  }
0x7e: {  	v10 =	vld.idx.msk [tilespmem:v10+s12+$0x0], $0xffff  }
0x7f: {  	s31 =	simm.s32 $0x60;
	v4 =	vsub.s32 v5, v4;
	v5 =	vor.u32 s30, v0;
	v19 =	vld.idx.msk [tilespmem:v6+s12+$0x0], $0xffff  }
0x80: {  	v25 =	vor.u32 s31, v1;
	v24 =	vor.u32 s31, v0;
	v22 =	vld.idx.msk [tilespmem:v7+s12+$0x0], $0xffff  }
0x81: {  	v16 =	vsub.s32 v7, v6;
	v17 =	vadd.s32 $0x1000, v7;
	v18 =	vadd.s32 $0x2000, v7;
	v11 =	vld.idx.msk [tilespmem:v11+s12+$0x0], $0xffff  }
0x82: {  	v20 =	vadd.s32 $0x2000, v6;
	vm15 =	vgt.s32 v15, $0x0;
	v26 =	vadd.s32 $0x2000, v14;
	v13 =	vld.idx.msk [tilespmem:v13+s12+$0x0], $0xffff  }
0x83: {  	v9 =	vsub.f32 v12, v9;
	v12 =	vshrl.u32 v8, $0x10;
	v21 =	vshrl.u32 v10, $0x10  }
0x84: {  	v4 =	vcvt.s32.f32 v4;
	v7 =	vshll.u32 v10, $0x10;
	v10 =	vsub.s32 v12, v21;
	v12 =	vld.idx.msk [tilespmem:v5+s16+$0x0], $0xffff  }
0x85: {  	v8 =	vshll.u32 v8, $0x10;
	v15 =	vnsel vm15, $0x0, v9;
	v21 =	vadd.s32 $0x1000, v6  }
0x86: {  	v9 =	vsub.f32 v22, v19;
	v19 =	vld.idx.msk [tilespmem:v17+s12+$0x0], $0xffff;
	v17 =	vimm.f32 $0.0e+00;
	v5 =	vsub.f32 v8, v7  }
0x87: {  	v18 =	vld.idx.msk [tilespmem:v18+s12+$0x0], $0xffff;
	v7 =	vsub.f32 v11, v13;
	v6 =	vcvt.s32.f32 v16;
	v8 =	vcvt.s32.f32 v10  }
0x88: {  	v20 =	vld.idx.msk [tilespmem:v20+s12+$0x0], $0xffff;
	v16 =	vimm.f32 $0.0e+00;
	v10 =	vnsel vm15, $0x0, v4;
	v4 =	vimm.f32 $0.0e+00  }
0x89: {  	v13 =	vnsel vm15, $0x0, v7;
	v7 =	vnsel vm15, $0x0, v8;
	v8 =	vnsel vm15, $0x0, v5  }
0x8a: {  	s21 =	simm.s32 $0x6010;
	v5 =	vsel vm15, $0x3F800000, v2;
	v7 =	vadd.f32 v7, v3;
	v8 =	vadd.f32 v8, v3;
	v22 =	vld.idx.msk [tilespmem:v21+s12+$0x0], $0xffff  }
0x8b: {  	s22 =	simm.s32 $0x80;
	v23 =	vld [tilespmem:s21+$0x0];
	v11 =	vadd.s32 $0x1000, v12;
	v27 =	vsub.s32 v14, v12;
	v21 =	vadd.s32 $0x1000, v14  }
.LBB2_4:
0x8c: {  	p0 =	sne.s32 s22, $0xE0;
	v27 =	vcvt.s32.f32 v27;
	v28 =	vld.idx.msk [tilespmem:v12+s12+$0x0], $0xffff;
	v29 =	vadd.s32 $0x2000, v12;
	v30 =	vshll.u32 v18, $0x10  }
0x8d: {  	v31 =	vld.idx.msk [tilespmem:v14+s12+$0x0], $0xffff;
	v14 =	vshrl.u32 v18, $0x10;
	v18 =	vshrl.u32 v20, $0x10;
	v20 =	vshll.u32 v20, $0x10  }
0x8e: {  	v3 =	vadd.f32 v13, v3;
	v12 =	vld.idx.msk [tilespmem:v24+s16+$0x0], $0xffff;
	v18 =	vsub.s32 v14, v18;
	v24 =	vsub.f32 v30, v20  }
0x8f: {  	v17 =	vadd.f32 v15, v17;
	v13 =	vsub.f32 v19, v22;
	v14 =	vld.idx.msk [tilespmem:v25+s16+$0x0], $0xffff;
	v19 =	vcvt.s32.f32 v18  }
0x90: {  	v16 =	vadd.f32 v10, v16;
	v4 =	vmax.f32 v4, v5;
	v18 =	vld.idx.msk [tilespmem:v26+s12+$0x0], $0xffff;
	vm0 =	vgt.s32 v23, $0x0  }
.Ltmp1:
0x91: {  	v20 =	vld.idx.msk [tilespmem:v29+s12+$0x0], $0xffff;
	v13 =	vnsel vm0, $0x0, v13;
	v5 =	vnsel vm0, $0x0, v19;
	v23 =	vnsel vm0, $0x0, v24;
	(pc) =	sbr.rel @p0 .LBB2_4-.Ltmp1, $4  }
0x92: {  	v10 =	vnsel vm0, $0x0, v6;
	v15 =	vnsel vm0, $0x0, v9;
	v6 =	vmovc v27;
	v19 =	vld.idx.msk [tilespmem:v21+s12+$0x0], $0xffff;
	v7 =	vadd.f32 v5, v7  }
0x93: {  	v24 =	vor.u32 s22, v0;
	v9 =	vsub.f32 v31, v28;
	v5 =	vsel vm0, $0x3F800000, v2;
	v22 =	vld.idx.msk [tilespmem:v11+s12+$0x0], $0xffff  }
0x94: {  	s21 =	sadd.s32 $0x10, s21;
	v25 =	vor.u32 s22, v1;
	v8 =	vadd.f32 v23, v8;
	v11 =	vadd.s32 $0x1000, v12  }
0x95: {  	s22 =	sadd.s32 $0x20, s22;
	v27 =	vsub.s32 v14, v12;
	v21 =	vadd.s32 $0x1000, v14;
	v26 =	vadd.s32 $0x2000, v14;
	v23 =	vld [tilespmem:s21+$0x0]  }
0x96: {  	_ =	sdelay $0x3  }
0x97: {  	v24 =	vld.idx.msk [tilespmem:v24+s16+$0x0], $0xffff  }
0x98: {  	v25 =	vld.idx.msk [tilespmem:v25+s16+$0x0], $0xffff  }
0x99: {  	v63 =	vld.idx.msk [tilespmem:v12+s12+$0x0], $0xffff  }
0x9a: {  	v28 =	vadd.s32 $0x2000, v12;
	v27 =	vcvt.s32.f32 v27;
	v14 =	vld.idx.msk [tilespmem:v14+s12+$0x0], $0xffff  }
0x9b: {  	v29 =	vshll.u32 v18, $0x10;
	v30 =	vshll.u32 v20, $0x10;
	v32 =	vshrl.u32 v18, $0x10;
	v26 =	vld.idx.msk [tilespmem:v26+s12+$0x0], $0xffff  }
0x9c: {  	v33 =	vshrl.u32 v20, $0x10;
	v3 =	vadd.f32 v13, v3;
	v15 =	vadd.f32 v15, v17;
	v36 =	vld.idx.msk [tilespmem:v21+s12+$0x0], $0xffff  }
0x9d: {  	v10 =	vadd.f32 v10, v16;
	v11 =	vld.idx.msk [tilespmem:v11+s12+$0x0], $0xffff;
	v18 =	vsub.s32 v32, v33;
	v34 =	vsub.f32 v19, v22  }
0x9e: {  	s21 =	sadd.s32 $0x10, s21;
	v29 =	vsub.f32 v29, v30;
	v18 =	vcvt.s32.f32 v18;
	vm0 =	vgt.s32 v23, $0x0  }
0x9f: {  	v40 =	vld [tilespmem:s21+$0x0];
	v37 =	vadd.s32 $0x2000, v25;
	v38 =	vadd.s32 $0x2000, v24;
	v13 =	vnsel vm0, $0x0, v34  }
0xa0: {  	s21 =	sadd.s32 $0x10, s21;
	v18 =	vnsel vm0, $0x0, v18;
	v39 =	vnsel vm0, $0x0, v29;
	v6 =	vnsel vm0, $0x0, v6  }
0xa1: {  	v49 =	vld [tilespmem:s21+$0x0];
	v9 =	vnsel vm0, $0x0, v9;
	v12 =	vsub.f32 v14, v63;
	v42 =	vadd.s32 $0x1000, v24  }
0xa2: {  	v35 =	vld.idx.msk [tilespmem:v28+s12+$0x0], $0xffff;
	v43 =	vadd.s32 $0x1000, v25;
	v45 =	vshrl.u32 v26, $0x10;
	v11 =	vsub.f32 v36, v11  }
0xa3: {  	v47 =	vshll.u32 v26, $0x10;
	v7 =	vadd.f32 v18, v7;
	v8 =	vadd.f32 v39, v8;
	v41 =	vld.idx.msk [tilespmem:v24+s12+$0x0], $0xffff  }
0xa4: {  	v3 =	vadd.f32 v13, v3;
	vm1 =	vgt.s32 v40, $0x0;
	v9 =	vadd.f32 v9, v15;
	v44 =	vld.idx.msk [tilespmem:v25+s12+$0x0], $0xffff  }
0xa5: {  	v6 =	vadd.f32 v6, v10;
	v11 =	vnsel vm1, $0x0, v11;
	v12 =	vnsel vm1, $0x0, v12;
	v20 =	vld.idx.msk [tilespmem:v37+s12+$0x0], $0xffff  }
0xa6: {  	vm2 =	vgt.s32 v49, $0x0;
	v60 =	vnsel vm1, $0x0, v27;
	v24 =	vsub.s32 v25, v24;
	v16 =	vld.idx.msk [tilespmem:v38+s12+$0x0], $0xffff  }
0xa7: {  	v9 =	vadd.f32 v12, v9;
	v59 =	vcvt.s32.f32 v24;
	v46 =	vshrl.u32 v35, $0x10;
	v51 =	vld.idx.msk [tilespmem:v43+s12+$0x0], $0xffff  }
0xa8: {  	v6 =	vadd.f32 v60, v6;
	v19 =	vshll.u32 v35, $0x10;
	v14 =	vld.idx.msk [tilespmem:v42+s12+$0x0], $0xffff;
	v21 =	vsub.s32 v45, v46  }
0xa9: {  	v19 =	vsub.f32 v47, v19;
	v62 =	vnsel vm2, $0x0, v59;
	v48 =	vcvt.s32.f32 v21  }
0xaa: {  	v4 =	vmax.f32 v4, v5;
	v3 =	vadd.f32 v11, v3;
	v5 =	vadd.f32 v62, v6  }
0xab: {  	v19 =	vnsel vm1, $0x0, v19;
	v52 =	vsub.f32 v44, v41;
	v50 =	vnsel vm1, $0x0, v48  }
0xac: {  	v8 =	vadd.f32 v19, v8;
	v53 =	vshrl.u32 v20, $0x10;
	v54 =	vshrl.u32 v16, $0x10  }
0xad: {  	v20 =	vshll.u32 v20, $0x10;
	v16 =	vshll.u32 v16, $0x10;
	v14 =	vsub.f32 v51, v14  }
0xae: {  	[tilespmem:$0x61C0] =	vst v2;
	v13 =	vnsel vm2, $0x0, v52;
	v18 =	vsub.s32 v53, v54;
	v55 =	vsub.f32 v20, v16  }
0xaf: {  	[tilespmem:$0x61D0] =	vst v2;
	v9 =	vadd.f32 v13, v9;
	v18 =	vcvt.s32.f32 v18;
	v58 =	vnsel vm2, $0x0, v14  }
0xb0: {  	[tilespmem:$0x61E0] =	vst v5;
	v7 =	vadd.f32 v50, v7;
	v57 =	vnsel vm2, $0x0, v55;
	v3 =	vadd.f32 v58, v3  }
0xb1: {  	v61 =	vsel vm0, $0x3F800000, v2;
	[tilespmem:$0x6180] =	vst v9;
	v56 =	vnsel vm2, $0x0, v18;
	v8 =	vadd.f32 v57, v8  }
0xb2: {  	v4 =	vmax.f32 v4, v61;
	v7 =	vadd.f32 v56, v7;
	[tilespmem:$0x61B0] =	vst v3;
	v3 =	vsel vm1, $0x3F800000, v2  }
0xb3: {  	s20 =	sadd.s32 $0x1, s20;
	v63 =	vsel vm2, $0x3F800000, v2;
	[tilespmem:$0x61A0] =	vst v8;
	v3 =	vmax.f32 v4, v3  }
0xb4: {  	p0 =	sne.s32 s20, s11;
	[tilespmem:$0x6190] =	vst v7;
	v3 =	vmax.f32 v3, v63  }
.Ltmp2:
0xb5: {  	[tilespmem:$0x61F0] =	vst v3;
	(pc) =	sbr.rel @p0 .LBB2_1-.Ltmp2, $4  }
0xb6: {  	[hbm4b:s10+s2] =	stream.linear.scatter [tilespmem:s18], [sflag:$0x3], $0x80, $0x38;
	[tilespmem:$0x6200] =	vst v63  }
0xb7: {  	_ =	swait.ge [sflag:s13], $0x80  }
0xb8: {  	[sflag:s13] =	ssyncset.done $0x0  }
0xb9: {  	[sflag:s13] =	ssyncadd.s32 $0xFFFFFF80  }
0xba: {  	_ =	sfence.sel $0x180000  }
0xbb: {  	[bflag:$0x0] =	sbarrier.arrive $0xFFFF  }
0xbc: {  	p0 =	sne.s32 s1, $0x0;
	_ =	strace $0x90000047  }
0xbd: {  	s0 =	sadd.s32 @!p0 $0x100000, s0;
	[bflag:$0x2] =	sbarrier.arrive $0xFFFF  }
0xbe: {  	[sflag:s0] =	ssyncadd.tile.s32 @!p0 $0x1;
	_ =	shalt  }
.Lfunc_end2:
_tile_overlayer_lowered:
.L_overlay_start_2:
0xbf: {  	(tag) =	ssettag $0x2  }
0xc0: {  	s0 =	rddreg [dreg:$0x0];
	s2 =	stileid.u32  }
0xc1: {  	s1 =	rddreg [dreg:$0x1];
	p0 =	sne.s32 s2, $0x0  }
0xc2: {  	s3 =	rddreg [dreg:$0x2];
	[bflag:$0x3] =	sbarrier.arrive $0xFFFF;
	s2 =	simm.s32 @!p0 $0x1C03  }
0xc3: {  	[timem:s3], [sflag:s2] =	dma.local @!p0 [hbm:s0], s1  }
0xc4: {  	s0 =	simm.s32 @!p0 $0x3  }
0xc5: {  	_ =	swait.ge @!p0 [sflag:s0], s1  }
0xc6: {  	s1 =	ssub.s32 @!p0 $0x0, s1;
	[sflag:s0] =	ssyncset.done @!p0 $0x0  }
0xc7: {  	[sflag:s0] =	ssyncadd.s32 @!p0 s1  }
0xc8: {  	[bflag:$0x3] =	sbarrier.arrive $0xFFFF  }
0xc9: {  	_ =	shalt  }

</sc_bundles>
